<compile_context>
chip_gen: v7x
topology: tpu7x:2x2x1
jax: 0.10.2.dev20260603
libtpu: 0.0.44.dev20260713+nightly
codegen_flags: <defaults>
</compile_context>

<pallas_src>
import functools

import jax
import jax.numpy as jnp
from jax import lax
from jax.experimental import pallas as pl
from jax.experimental.pallas import tpu as pltpu
from jax.experimental.pallas import tpu_sc as plsc

_CR = 112
_L = 16
_NF = 512


@functools.partial(jax.jit, static_argnames=("n", "n_seg"))
def _sc_energy(x, counts, W, b, n, n_seg):
    NW = 32
    rows_per_w = ((n + NW * _L - 1) // (NW * _L)) * _L
    full_ch = rows_per_w // _CR
    last_rows = n - (NW - 1) * rows_per_w
    assert last_rows % _CR == 0 and last_rows > 0
    last_ch = last_rows // _CR
    npairs = (full_ch + 1) // 2
    acc_len = ((n_seg + _L - 1) // _L) * _L
    ncols = acc_len // _L
    reps = (ncols + 15) // 16
    assert n_seg % _L == 0
    st_len = n_seg + _L
    steps = []
    k = 1
    while k <= n_seg:
        steps.append(k)
        k *= 2
    steps = steps[::-1]

    mesh = plsc.VectorSubcoreMesh(core_axis_name="c", subcore_axis_name="s")

    @functools.partial(
        pl.kernel,
        mesh=mesh,
        out_type=jax.ShapeDtypeStruct((2, n_seg), jnp.float32),
        compiler_params=pltpu.CompilerParams(needs_layout_passes=False),
        scratch_types=[
            pltpu.VMEM((_CR, _NF), jnp.float32),
            pltpu.VMEM((_CR, _NF), jnp.float32),
            pltpu.VMEM((n_seg,), jnp.int32),
            pltpu.VMEM((st_len,), jnp.int32),
            pltpu.VMEM((_NF,), jnp.float32),
            pltpu.VMEM((_L,), jnp.float32),
            pltpu.VMEM((_L * _L,), jnp.float32),
            pltpu.VMEM((acc_len,), jnp.float32),
            pltpu.VMEM((16 * _L,), jnp.float32),
            pltpu.VMEM_SHARED((acc_len * 16,), jnp.float32),
            pltpu.SemaphoreType.DMA,
            pltpu.SemaphoreType.DMA,
        ],
    )
    def energy(x_hbm, cnt_hbm, w_hbm, b_hbm, out_hbm,
               xb0, xb1, cnt_v, st_v, w_v, b_v, tbuf, acc, colbuf,
               shared, sem0, sem1):
        c = lax.axis_index("c")
        s = lax.axis_index("s")
        wid = c * 16 + s
        base = wid * rows_per_w
        nch = jnp.where(wid == NW - 1, last_ch, full_ch)

        pltpu.sync_copy(w_hbm, w_v)
        pltpu.sync_copy(b_hbm, b_v)
        pltpu.sync_copy(cnt_hbm, cnt_v)
        bvec = b_v[...]
        lane = lax.iota(jnp.int32, _L)
        zeros = jnp.zeros((_L,), jnp.float32)
        for j in range(ncols):
            acc[pl.ds(j * _L, _L)] = zeros

        carry = jnp.zeros((_L,), jnp.int32)
        for j in range(n_seg // _L):
            ch = cnt_v[pl.ds(j * _L, _L)]
            cs = plsc.cumsum(ch)
            st_v[pl.ds(j * _L, _L)] = carry + (cs - ch)
            carry = carry + lax.broadcast_in_dim(cs[_L - 1], (_L,), ())
        st_v[pl.ds(n_seg, _L)] = carry

        def cp(i, xb, sem):
            row0 = base + i * _CR
            return pltpu.make_async_copy(
                x_hbm.at[pl.ds(row0, _CR)], xb, sem)

        lane16 = lane * _L
        gidx = [lane16 + col for col in range(_L)]
        nsegv = jnp.full((_L,), n_seg, jnp.int32)

        def process(xb, i):
            def group(g, carry):
                r0 = g * _L

                def jstep(j, accs):
                    off = pl.multiple_of(j * _L, _L)
                    w = w_v[pl.ds(off, _L)]
                    return tuple(
                        accs[r] + xb[r0 + r, pl.ds(off, _L)] * w
                        for r in range(_L))

                accs = lax.fori_loop(
                    0, _NF // _L, jstep, (zeros,) * _L)
                for r in range(_L):
                    tbuf[pl.ds(r * _L, _L)] = accs[r]
                y0 = None
                for col in range(_L):
                    v = plsc.load_gather(tbuf, [gidx[col]])
                    y0 = v if y0 is None else y0 + v
                yv = y0 + bvec
                rv = lane + (base + i * _CR + r0)
                sv = jnp.zeros((_L,), jnp.int32)
                for k in steps:
                    cand = jnp.minimum(sv + k, nsegv)
                    stv = plsc.load_gather(st_v, [cand])
                    sv = jnp.where(stv <= rv, cand, sv)
                plsc.addupdate_scatter(acc, [sv], yv)
                return carry

            lax.fori_loop(0, _CR // _L, group, 0)

        cp(0, xb0, sem0).start()

        def body(p, carry):
            i1 = 2 * p + 1
            i2 = 2 * p + 2

            @pl.when(i1 < nch)
            def _():
                cp(i1, xb1, sem1).start()

            @pl.when(2 * p < nch)
            def _():
                cp(2 * p, xb0, sem0).wait()
                process(xb0, 2 * p)

            @pl.when(i2 < nch)
            def _():
                cp(i2, xb0, sem0).start()

            @pl.when(i1 < nch)
            def _():
                cp(i1, xb1, sem1).wait()
                process(xb1, i1)

            return carry

        lax.fori_loop(0, npairs, body, 0)

        for j in range(ncols):
            pltpu.sync_copy(acc.at[pl.ds(j * _L, _L)],
                            shared.at[pl.ds((j * 16 + s) * _L, _L)])
        plsc.subcore_barrier()

        for rep in range(reps):
            col = s + rep * 16

            @pl.when(col < ncols)
            def _():
                pltpu.sync_copy(shared.at[pl.ds(col * 16 * _L, 16 * _L)],
                                colbuf)
                tot = zeros
                for k in range(16):
                    tot = tot + colbuf[pl.ds(k * _L, _L)]
                acc[pl.ds(0, _L)] = tot
                pltpu.sync_copy(acc.at[pl.ds(0, _L)],
                                out_hbm.at[c].at[pl.ds(col * _L, _L)])

    return energy(x, counts, W, b)


def _combine_body(a_ref, o_ref):
    o_ref[...] = (a_ref[0] + a_ref[1]).reshape(-1, 1)


def _combine(partials, n_seg):
    return pl.pallas_call(
        _combine_body,
        out_shape=jax.ShapeDtypeStruct((n_seg, 1), jnp.float32),
    )(partials)


def kernel(x, atomic_subsystem_counts, W, b):
    n, _ = x.shape
    n_seg = atomic_subsystem_counts.shape[0]
    counts = atomic_subsystem_counts.astype(jnp.int32)
    w_flat = W.reshape(_NF)
    b16 = jnp.broadcast_to(b, (_L,))
    partials = _sc_energy(x, counts, w_flat, b16, n=n, n_seg=n_seg)
    return _combine(partials, n_seg)

# --- scband reference (transcript-rebuilt; emitter-appended) ---
"""Pipeline reference for scband-energy-readout-10033043603851 (READ-ONLY COPY).

The authoritative reference and input builder live on the scoring server;
editing this copy changes nothing except your own understanding.
"""

import jax, jax.numpy as jnp
import numpy as np

N_ATOMS = 100128
N_FILTERS = 512
N_CONFS = 448


def setup_inputs(seed: int = 0) -> dict:
    key = jax.random.key(seed)
    kx, kw = jax.random.split(key)
    x = jax.random.normal(kx, (N_ATOMS, N_FILTERS), dtype=jnp.float32)
    # counts = arange(448): 0+1+...+447 = 100128 == N_ATOMS
    atomic_subsystem_counts = jnp.arange(N_CONFS, dtype=jnp.int64)
    # nn.Linear(n_filters, 1) parameters
    W = jax.random.normal(kw, (N_FILTERS, 1), dtype=jnp.float32) * (1.0 / np.sqrt(N_FILTERS))
    b = jnp.zeros((1,), dtype=jnp.float32)
    return {"x": x, "atomic_subsystem_counts": atomic_subsystem_counts, "W": W, "b": b}


def reference(x, atomic_subsystem_counts, W, b):
    # per-atom energy: Linear(n_filters -> 1)
    y = x @ W + b  # [n_atoms, 1]
    # atomic_subsystem_index = repeat_interleave(arange(n_confs), counts)
    seg_ids = jnp.repeat(
        jnp.arange(atomic_subsystem_counts.shape[0]),
        atomic_subsystem_counts,
        total_repeat_length=x.shape[0],
    )
    # scatter_add over dim 0 -> segment sum per conformation
    total_energy = jax.ops.segment_sum(y, seg_ids, num_segments=atomic_subsystem_counts.shape[0])
    return total_energy  # [n_confs, 1]

if __name__ == "__main__":
    import jax
    _d = setup_inputs()
    print(jax.jit(kernel)(*tuple(_d.values())))

</pallas_src>

<mosaic_0001>
#map = affine_map<(d0, d1) -> (0, 0)>
#map1 = affine_map<(d0, d1) -> (0)>
module attributes {stable_mosaic.version = 14 : i64} {
  func.func @energy(%arg0: i32, %arg1: i32, %arg2: memref<100128x512xf32, #tpu.memory_space<hbm>>, %arg3: memref<448xi32, #tpu.memory_space<hbm>>, %arg4: memref<512xf32, #tpu.memory_space<hbm>>, %arg5: memref<16xf32, #tpu.memory_space<hbm>>, %arg6: memref<2x448xf32, #tpu.memory_space<hbm>>, %arg7: memref<112x512xf32, #tpu.memory_space<vmem>>, %arg8: memref<112x512xf32, #tpu.memory_space<vmem>>, %arg9: memref<448xi32, #tpu.memory_space<vmem>>, %arg10: memref<464xi32, #tpu.memory_space<vmem>>, %arg11: memref<512xf32, #tpu.memory_space<vmem>>, %arg12: memref<16xf32, #tpu.memory_space<vmem>>, %arg13: memref<256xf32, #tpu.memory_space<vmem>>, %arg14: memref<448xf32, #tpu.memory_space<vmem>>, %arg15: memref<256xf32, #tpu.memory_space<vmem>>, %arg16: memref<7168xf32, #tpu.memory_space<vmem_shared>>, %arg17: memref<!tpu.dma_semaphore, #tpu.memory_space<semaphore_mem>>, %arg18: memref<!tpu.dma_semaphore, #tpu.memory_space<semaphore_mem>>) attributes {dimension_semantics = [#tpu.dimension_semantics<core_parallel>, #tpu.dimension_semantics<subcore_parallel>], iteration_bounds = array<i64: 2, 16>, scalar_prefetch = 0 : i64, scratch_operands = 12 : i64, tpu.core_type = #tpu.core_type<sc_vector_subcore>, window_params = [{transform_indices = #map}, {transform_indices = #map1}, {transform_indices = #map1}, {transform_indices = #map1}, {transform_indices = #map}]} {
    %mul3A = arith.constant 16 : i32
    %mul3A_0 = arith.muli %arg0, %mul3A : i32
    %add3A = arith.addi %mul3A_0, %arg1 : i32
    %mul3A_1 = arith.constant 3136 : i32
    %mul3A_2 = arith.muli %add3A, %mul3A_1 : i32
    %eq3A = arith.constant 31 : i32
    %eq3A_3 = arith.cmpi eq, %add3A, %eq3A : i32
    %jit3A = arith.constant 26 : i32
    %jit3A_4 = arith.constant 28 : i32
    %select_n3A = arith.select %eq3A_3, %jit3A, %jit3A_4 : i32
    "tpu.region"() ({
      %run_scoped3A = tpu.sem_alloc : memref<!tpu.dma_semaphore, #tpu.memory_space<semaphore_mem>>
      tpu.enqueue_dma source(%arg4 : memref<512xf32, #tpu.memory_space<hbm>>) target(%arg11 : memref<512xf32, #tpu.memory_space<vmem>>) target_semaphore(%run_scoped3A : memref<!tpu.dma_semaphore, #tpu.memory_space<semaphore_mem>>)
      tpu.wait_dma2 semaphore(%run_scoped3A : memref<!tpu.dma_semaphore, #tpu.memory_space<semaphore_mem>>) src(%arg4 : memref<512xf32, #tpu.memory_space<hbm>>) dst(%arg11 : memref<512xf32, #tpu.memory_space<vmem>>)
      tpu.yield
    }) : () -> ()
    "tpu.region"() ({
      %run_scoped3A = tpu.sem_alloc : memref<!tpu.dma_semaphore, #tpu.memory_space<semaphore_mem>>
      tpu.enqueue_dma source(%arg5 : memref<16xf32, #tpu.memory_space<hbm>>) target(%arg12 : memref<16xf32, #tpu.memory_space<vmem>>) target_semaphore(%run_scoped3A : memref<!tpu.dma_semaphore, #tpu.memory_space<semaphore_mem>>)
      tpu.wait_dma2 semaphore(%run_scoped3A : memref<!tpu.dma_semaphore, #tpu.memory_space<semaphore_mem>>) src(%arg5 : memref<16xf32, #tpu.memory_space<hbm>>) dst(%arg12 : memref<16xf32, #tpu.memory_space<vmem>>)
      tpu.yield
    }) : () -> ()
    "tpu.region"() ({
      %run_scoped3A = tpu.sem_alloc : memref<!tpu.dma_semaphore, #tpu.memory_space<semaphore_mem>>
      tpu.enqueue_dma source(%arg3 : memref<448xi32, #tpu.memory_space<hbm>>) target(%arg9 : memref<448xi32, #tpu.memory_space<vmem>>) target_semaphore(%run_scoped3A : memref<!tpu.dma_semaphore, #tpu.memory_space<semaphore_mem>>)
      tpu.wait_dma2 semaphore(%run_scoped3A : memref<!tpu.dma_semaphore, #tpu.memory_space<semaphore_mem>>) src(%arg3 : memref<448xi32, #tpu.memory_space<hbm>>) dst(%arg9 : memref<448xi32, #tpu.memory_space<vmem>>)
      tpu.yield
    }) : () -> ()
    %get3A = arith.constant 0 : index
    %get3A_5 = tpu.vector_load %arg12[%get3A] {strides = array<i32>} : memref<16xf32, #tpu.memory_space<vmem>>, vector<16xf32>,
    %iota3A = tpu.iota {dimensions = array<i32: 0>} : vector<16xi32>
    %broadcast_in_dim3A = arith.constant 0.000000e+00 : f32
    %broadcast_in_dim3A_6 = vector.broadcast %broadcast_in_dim3A : f32 to vector<16xf32>
    %swap3A = arith.constant 0 : index
    %swap3A_7 = tpu.vector_load %arg14[%swap3A] {strides = array<i32>} : memref<448xf32, #tpu.memory_space<vmem>>, vector<16xf32>,
    tpu.vector_store %arg14[%swap3A], %broadcast_in_dim3A_6 {strides = array<i32>} : memref<448xf32, #tpu.memory_space<vmem>>, vector<16xf32>,
    %swap3A_8 = arith.constant 16 : index
    %swap3A_9 = tpu.vector_load %arg14[%swap3A_8] {strides = array<i32>} : memref<448xf32, #tpu.memory_space<vmem>>, vector<16xf32>,
    tpu.vector_store %arg14[%swap3A_8], %broadcast_in_dim3A_6 {strides = array<i32>} : memref<448xf32, #tpu.memory_space<vmem>>, vector<16xf32>,
    %swap3A_10 = arith.constant 32 : index
    %swap3A_11 = tpu.vector_load %arg14[%swap3A_10] {strides = array<i32>} : memref<448xf32, #tpu.memory_space<vmem>>, vector<16xf32>,
    tpu.vector_store %arg14[%swap3A_10], %broadcast_in_dim3A_6 {strides = array<i32>} : memref<448xf32, #tpu.memory_space<vmem>>, vector<16xf32>,
    %swap3A_12 = arith.constant 48 : index
    %swap3A_13 = tpu.vector_load %arg14[%swap3A_12] {strides = array<i32>} : memref<448xf32, #tpu.memory_space<vmem>>, vector<16xf32>,
    tpu.vector_store %arg14[%swap3A_12], %broadcast_in_dim3A_6 {strides = array<i32>} : memref<448xf32, #tpu.memory_space<vmem>>, vector<16xf32>,
    %swap3A_14 = arith.constant 64 : index
    %swap3A_15 = tpu.vector_load %arg14[%swap3A_14] {strides = array<i32>} : memref<448xf32, #tpu.memory_space<vmem>>, vector<16xf32>,
    tpu.vector_store %arg14[%swap3A_14], %broadcast_in_dim3A_6 {strides = array<i32>} : memref<448xf32, #tpu.memory_space<vmem>>, vector<16xf32>,
    %swap3A_16 = arith.constant 80 : index
    %swap3A_17 = tpu.vector_load %arg14[%swap3A_16] {strides = array<i32>} : memref<448xf32, #tpu.memory_space<vmem>>, vector<16xf32>,
    tpu.vector_store %arg14[%swap3A_16], %broadcast_in_dim3A_6 {strides = array<i32>} : memref<448xf32, #tpu.memory_space<vmem>>, vector<16xf32>,
    %swap3A_18 = arith.constant 96 : index
    %swap3A_19 = tpu.vector_load %arg14[%swap3A_18] {strides = array<i32>} : memref<448xf32, #tpu.memory_space<vmem>>, vector<16xf32>,
    tpu.vector_store %arg14[%swap3A_18], %broadcast_in_dim3A_6 {strides = array<i32>} : memref<448xf32, #tpu.memory_space<vmem>>, vector<16xf32>,
    %swap3A_20 = arith.constant 112 : index
    %swap3A_21 = tpu.vector_load %arg14[%swap3A_20] {strides = array<i32>} : memref<448xf32, #tpu.memory_space<vmem>>, vector<16xf32>,
    tpu.vector_store %arg14[%swap3A_20], %broadcast_in_dim3A_6 {strides = array<i32>} : memref<448xf32, #tpu.memory_space<vmem>>, vector<16xf32>,
    %swap3A_22 = arith.constant 128 : index
    %swap3A_23 = tpu.vector_load %arg14[%swap3A_22] {strides = array<i32>} : memref<448xf32, #tpu.memory_space<vmem>>, vector<16xf32>,
    tpu.vector_store %arg14[%swap3A_22], %broadcast_in_dim3A_6 {strides = array<i32>} : memref<448xf32, #tpu.memory_space<vmem>>, vector<16xf32>,
    %swap3A_24 = arith.constant 144 : index
    %swap3A_25 = tpu.vector_load %arg14[%swap3A_24] {strides = array<i32>} : memref<448xf32, #tpu.memory_space<vmem>>, vector<16xf32>,
    tpu.vector_store %arg14[%swap3A_24], %broadcast_in_dim3A_6 {strides = array<i32>} : memref<448xf32, #tpu.memory_space<vmem>>, vector<16xf32>,
    %swap3A_26 = arith.constant 160 : index
    %swap3A_27 = tpu.vector_load %arg14[%swap3A_26] {strides = array<i32>} : memref<448xf32, #tpu.memory_space<vmem>>, vector<16xf32>,
    tpu.vector_store %arg14[%swap3A_26], %broadcast_in_dim3A_6 {strides = array<i32>} : memref<448xf32, #tpu.memory_space<vmem>>, vector<16xf32>,
    %swap3A_28 = arith.constant 176 : index
    %swap3A_29 = tpu.vector_load %arg14[%swap3A_28] {strides = array<i32>} : memref<448xf32, #tpu.memory_space<vmem>>, vector<16xf32>,
    tpu.vector_store %arg14[%swap3A_28], %broadcast_in_dim3A_6 {strides = array<i32>} : memref<448xf32, #tpu.memory_space<vmem>>, vector<16xf32>,
    %swap3A_30 = arith.constant 192 : index
    %swap3A_31 = tpu.vector_load %arg14[%swap3A_30] {strides = array<i32>} : memref<448xf32, #tpu.memory_space<vmem>>, vector<16xf32>,
    tpu.vector_store %arg14[%swap3A_30], %broadcast_in_dim3A_6 {strides = array<i32>} : memref<448xf32, #tpu.memory_space<vmem>>, vector<16xf32>,
    %swap3A_32 = arith.constant 208 : index
    %swap3A_33 = tpu.vector_load %arg14[%swap3A_32] {strides = array<i32>} : memref<448xf32, #tpu.memory_space<vmem>>, vector<16xf32>,
    tpu.vector_store %arg14[%swap3A_32], %broadcast_in_dim3A_6 {strides = array<i32>} : memref<448xf32, #tpu.memory_space<vmem>>, vector<16xf32>,
    %swap3A_34 = arith.constant 224 : index
    %swap3A_35 = tpu.vector_load %arg14[%swap3A_34] {strides = array<i32>} : memref<448xf32, #tpu.memory_space<vmem>>, vector<16xf32>,
    tpu.vector_store %arg14[%swap3A_34], %broadcast_in_dim3A_6 {strides = array<i32>} : memref<448xf32, #tpu.memory_space<vmem>>, vector<16xf32>,
    %swap3A_36 = arith.constant 240 : index
    %swap3A_37 = tpu.vector_load %arg14[%swap3A_36] {strides = array<i32>} : memref<448xf32, #tpu.memory_space<vmem>>, vector<16xf32>,
    tpu.vector_store %arg14[%swap3A_36], %broadcast_in_dim3A_6 {strides = array<i32>} : memref<448xf32, #tpu.memory_space<vmem>>, vector<16xf32>,
    %swap3A_38 = arith.constant 256 : index
    %swap3A_39 = tpu.vector_load %arg14[%swap3A_38] {strides = array<i32>} : memref<448xf32, #tpu.memory_space<vmem>>, vector<16xf32>,
    tpu.vector_store %arg14[%swap3A_38], %broadcast_in_dim3A_6 {strides = array<i32>} : memref<448xf32, #tpu.memory_space<vmem>>, vector<16xf32>,
    %swap3A_40 = arith.constant 272 : index
    %swap3A_41 = tpu.vector_load %arg14[%swap3A_40] {strides = array<i32>} : memref<448xf32, #tpu.memory_space<vmem>>, vector<16xf32>,
    tpu.vector_store %arg14[%swap3A_40], %broadcast_in_dim3A_6 {strides = array<i32>} : memref<448xf32, #tpu.memory_space<vmem>>, vector<16xf32>,
    %swap3A_42 = arith.constant 288 : index
    %swap3A_43 = tpu.vector_load %arg14[%swap3A_42] {strides = array<i32>} : memref<448xf32, #tpu.memory_space<vmem>>, vector<16xf32>,
    tpu.vector_store %arg14[%swap3A_42], %broadcast_in_dim3A_6 {strides = array<i32>} : memref<448xf32, #tpu.memory_space<vmem>>, vector<16xf32>,
    %swap3A_44 = arith.constant 304 : index
    %swap3A_45 = tpu.vector_load %arg14[%swap3A_44] {strides = array<i32>} : memref<448xf32, #tpu.memory_space<vmem>>, vector<16xf32>,
    tpu.vector_store %arg14[%swap3A_44], %broadcast_in_dim3A_6 {strides = array<i32>} : memref<448xf32, #tpu.memory_space<vmem>>, vector<16xf32>,
    %swap3A_46 = arith.constant 320 : index
    %swap3A_47 = tpu.vector_load %arg14[%swap3A_46] {strides = array<i32>} : memref<448xf32, #tpu.memory_space<vmem>>, vector<16xf32>,
    tpu.vector_store %arg14[%swap3A_46], %broadcast_in_dim3A_6 {strides = array<i32>} : memref<448xf32, #tpu.memory_space<vmem>>, vector<16xf32>,
    %swap3A_48 = arith.constant 336 : index
    %swap3A_49 = tpu.vector_load %arg14[%swap3A_48] {strides = array<i32>} : memref<448xf32, #tpu.memory_space<vmem>>, vector<16xf32>,
    tpu.vector_store %arg14[%swap3A_48], %broadcast_in_dim3A_6 {strides = array<i32>} : memref<448xf32, #tpu.memory_space<vmem>>, vector<16xf32>,
    %swap3A_50 = arith.constant 352 : index
    %swap3A_51 = tpu.vector_load %arg14[%swap3A_50] {strides = array<i32>} : memref<448xf32, #tpu.memory_space<vmem>>, vector<16xf32>,
    tpu.vector_store %arg14[%swap3A_50], %broadcast_in_dim3A_6 {strides = array<i32>} : memref<448xf32, #tpu.memory_space<vmem>>, vector<16xf32>,
    %swap3A_52 = arith.constant 368 : index
    %swap3A_53 = tpu.vector_load %arg14[%swap3A_52] {strides = array<i32>} : memref<448xf32, #tpu.memory_space<vmem>>, vector<16xf32>,
    tpu.vector_store %arg14[%swap3A_52], %broadcast_in_dim3A_6 {strides = array<i32>} : memref<448xf32, #tpu.memory_space<vmem>>, vector<16xf32>,
    %swap3A_54 = arith.constant 384 : index
    %swap3A_55 = tpu.vector_load %arg14[%swap3A_54] {strides = array<i32>} : memref<448xf32, #tpu.memory_space<vmem>>, vector<16xf32>,
    tpu.vector_store %arg14[%swap3A_54], %broadcast_in_dim3A_6 {strides = array<i32>} : memref<448xf32, #tpu.memory_space<vmem>>, vector<16xf32>,
    %swap3A_56 = arith.constant 400 : index
    %swap3A_57 = tpu.vector_load %arg14[%swap3A_56] {strides = array<i32>} : memref<448xf32, #tpu.memory_space<vmem>>, vector<16xf32>,
    tpu.vector_store %arg14[%swap3A_56], %broadcast_in_dim3A_6 {strides = array<i32>} : memref<448xf32, #tpu.memory_space<vmem>>, vector<16xf32>,
    %swap3A_58 = arith.constant 416 : index
    %swap3A_59 = tpu.vector_load %arg14[%swap3A_58] {strides = array<i32>} : memref<448xf32, #tpu.memory_space<vmem>>, vector<16xf32>,
    tpu.vector_store %arg14[%swap3A_58], %broadcast_in_dim3A_6 {strides = array<i32>} : memref<448xf32, #tpu.memory_space<vmem>>, vector<16xf32>,
    %swap3A_60 = arith.constant 432 : index
    %swap3A_61 = tpu.vector_load %arg14[%swap3A_60] {strides = array<i32>} : memref<448xf32, #tpu.memory_space<vmem>>, vector<16xf32>,
    tpu.vector_store %arg14[%swap3A_60], %broadcast_in_dim3A_6 {strides = array<i32>} : memref<448xf32, #tpu.memory_space<vmem>>, vector<16xf32>,
    %broadcast_in_dim3A_62 = arith.constant 0 : i32
    %broadcast_in_dim3A_63 = vector.broadcast %broadcast_in_dim3A_62 : i32 to vector<16xi32>
    %get3A_64 = arith.constant 0 : index
    %get3A_65 = tpu.vector_load %arg9[%get3A_64] {strides = array<i32>} : memref<448xi32, #tpu.memory_space<vmem>>, vector<16xi32>,
    %broadcast_in_dim3A_66 = arith.constant true
    %broadcast_in_dim3A_67 = vector.broadcast %broadcast_in_dim3A_66 : i1 to vector<16xi1>
    %masked_cumsum3A = tpu.scan <sum>, %get3A_65 masked %broadcast_in_dim3A_67 : vector<16xi32>, vector<16xi1> -> vector<16xi32>
    %sub3A = arith.subi %masked_cumsum3A, %get3A_65 : vector<16xi32>
    %add3A_68 = arith.addi %broadcast_in_dim3A_63, %sub3A : vector<16xi32>
    %swap3A_69 = arith.constant 0 : index
    %swap3A_70 = tpu.vector_load %arg10[%swap3A_69] {strides = array<i32>} : memref<464xi32, #tpu.memory_space<vmem>>, vector<16xi32>,
    tpu.vector_store %arg10[%swap3A_69], %add3A_68 {strides = array<i32>} : memref<464xi32, #tpu.memory_space<vmem>>, vector<16xi32>,
    %slice3A = vector.extract_strided_slice %masked_cumsum3A {offsets = [15], sizes = [1], strides = [1]} : vector<16xi32> to vector<1xi32>
    %squeeze3A = vector.extract %slice3A[0] : i32 from vector<1xi32>
    %broadcast_in_dim3A_71 = vector.broadcast %squeeze3A : i32 to vector<16xi32>
    %add3A_72 = arith.addi %broadcast_in_dim3A_63, %broadcast_in_dim3A_71 : vector<16xi32>
    %get3A_73 = arith.constant 16 : index
    %get3A_74 = tpu.vector_load %arg9[%get3A_73] {strides = array<i32>} : memref<448xi32, #tpu.memory_space<vmem>>, vector<16xi32>,
    %broadcast_in_dim3A_75 = arith.constant true
    %broadcast_in_dim3A_76 = vector.broadcast %broadcast_in_dim3A_75 : i1 to vector<16xi1>
    %masked_cumsum3A_77 = tpu.scan <sum>, %get3A_74 masked %broadcast_in_dim3A_76 : vector<16xi32>, vector<16xi1> -> vector<16xi32>
    %sub3A_78 = arith.subi %masked_cumsum3A_77, %get3A_74 : vector<16xi32>
    %add3A_79 = arith.addi %add3A_72, %sub3A_78 : vector<16xi32>
    %swap3A_80 = arith.constant 16 : index
    %swap3A_81 = tpu.vector_load %arg10[%swap3A_80] {strides = array<i32>} : memref<464xi32, #tpu.memory_space<vmem>>, vector<16xi32>,
    tpu.vector_store %arg10[%swap3A_80], %add3A_79 {strides = array<i32>} : memref<464xi32, #tpu.memory_space<vmem>>, vector<16xi32>,
    %slice3A_82 = vector.extract_strided_slice %masked_cumsum3A_77 {offsets = [15], sizes = [1], strides = [1]} : vector<16xi32> to vector<1xi32>
    %squeeze3A_83 = vector.extract %slice3A_82[0] : i32 from vector<1xi32>
    %broadcast_in_dim3A_84 = vector.broadcast %squeeze3A_83 : i32 to vector<16xi32>
    %add3A_85 = arith.addi %add3A_72, %broadcast_in_dim3A_84 : vector<16xi32>
    %get3A_86 = arith.constant 32 : index
    %get3A_87 = tpu.vector_load %arg9[%get3A_86] {strides = array<i32>} : memref<448xi32, #tpu.memory_space<vmem>>, vector<16xi32>,
    %broadcast_in_dim3A_88 = arith.constant true
    %broadcast_in_dim3A_89 = vector.broadcast %broadcast_in_dim3A_88 : i1 to vector<16xi1>
    %masked_cumsum3A_90 = tpu.scan <sum>, %get3A_87 masked %broadcast_in_dim3A_89 : vector<16xi32>, vector<16xi1> -> vector<16xi32>
    %sub3A_91 = arith.subi %masked_cumsum3A_90, %get3A_87 : vector<16xi32>
    %add3A_92 = arith.addi %add3A_85, %sub3A_91 : vector<16xi32>
    %swap3A_93 = arith.constant 32 : index
    %swap3A_94 = tpu.vector_load %arg10[%swap3A_93] {strides = array<i32>} : memref<464xi32, #tpu.memory_space<vmem>>, vector<16xi32>,
    tpu.vector_store %arg10[%swap3A_93], %add3A_92 {strides = array<i32>} : memref<464xi32, #tpu.memory_space<vmem>>, vector<16xi32>,
    %slice3A_95 = vector.extract_strided_slice %masked_cumsum3A_90 {offsets = [15], sizes = [1], strides = [1]} : vector<16xi32> to vector<1xi32>
    %squeeze3A_96 = vector.extract %slice3A_95[0] : i32 from vector<1xi32>
    %broadcast_in_dim3A_97 = vector.broadcast %squeeze3A_96 : i32 to vector<16xi32>
    %add3A_98 = arith.addi %add3A_85, %broadcast_in_dim3A_97 : vector<16xi32>
    %get3A_99 = arith.constant 48 : index
    %get3A_100 = tpu.vector_load %arg9[%get3A_99] {strides = array<i32>} : memref<448xi32, #tpu.memory_space<vmem>>, vector<16xi32>,
    %broadcast_in_dim3A_101 = arith.constant true
    %broadcast_in_dim3A_102 = vector.broadcast %broadcast_in_dim3A_101 : i1 to vector<16xi1>
    %masked_cumsum3A_103 = tpu.scan <sum>, %get3A_100 masked %broadcast_in_dim3A_102 : vector<16xi32>, vector<16xi1> -> vector<16xi32>
    %sub3A_104 = arith.subi %masked_cumsum3A_103, %get3A_100 : vector<16xi32>
    %add3A_105 = arith.addi %add3A_98, %sub3A_104 : vector<16xi32>
    %swap3A_106 = arith.constant 48 : index
    %swap3A_107 = tpu.vector_load %arg10[%swap3A_106] {strides = array<i32>} : memref<464xi32, #tpu.memory_space<vmem>>, vector<16xi32>,
    tpu.vector_store %arg10[%swap3A_106], %add3A_105 {strides = array<i32>} : memref<464xi32, #tpu.memory_space<vmem>>, vector<16xi32>,
    %slice3A_108 = vector.extract_strided_slice %masked_cumsum3A_103 {offsets = [15], sizes = [1], strides = [1]} : vector<16xi32> to vector<1xi32>
    %squeeze3A_109 = vector.extract %slice3A_108[0] : i32 from vector<1xi32>
    %broadcast_in_dim3A_110 = vector.broadcast %squeeze3A_109 : i32 to vector<16xi32>
    %add3A_111 = arith.addi %add3A_98, %broadcast_in_dim3A_110 : vector<16xi32>
    %get3A_112 = arith.constant 64 : index
    %get3A_113 = tpu.vector_load %arg9[%get3A_112] {strides = array<i32>} : memref<448xi32, #tpu.memory_space<vmem>>, vector<16xi32>,
    %broadcast_in_dim3A_114 = arith.constant true
    %broadcast_in_dim3A_115 = vector.broadcast %broadcast_in_dim3A_114 : i1 to vector<16xi1>
    %masked_cumsum3A_116 = tpu.scan <sum>, %get3A_113 masked %broadcast_in_dim3A_115 : vector<16xi32>, vector<16xi1> -> vector<16xi32>
    %sub3A_117 = arith.subi %masked_cumsum3A_116, %get3A_113 : vector<16xi32>
    %add3A_118 = arith.addi %add3A_111, %sub3A_117 : vector<16xi32>
    %swap3A_119 = arith.constant 64 : index
    %swap3A_120 = tpu.vector_load %arg10[%swap3A_119] {strides = array<i32>} : memref<464xi32, #tpu.memory_space<vmem>>, vector<16xi32>,
    tpu.vector_store %arg10[%swap3A_119], %add3A_118 {strides = array<i32>} : memref<464xi32, #tpu.memory_space<vmem>>, vector<16xi32>,
    %slice3A_121 = vector.extract_strided_slice %masked_cumsum3A_116 {offsets = [15], sizes = [1], strides = [1]} : vector<16xi32> to vector<1xi32>
    %squeeze3A_122 = vector.extract %slice3A_121[0] : i32 from vector<1xi32>
    %broadcast_in_dim3A_123 = vector.broadcast %squeeze3A_122 : i32 to vector<16xi32>
    %add3A_124 = arith.addi %add3A_111, %broadcast_in_dim3A_123 : vector<16xi32>
    %get3A_125 = arith.constant 80 : index
    %get3A_126 = tpu.vector_load %arg9[%get3A_125] {strides = array<i32>} : memref<448xi32, #tpu.memory_space<vmem>>, vector<16xi32>,
    %broadcast_in_dim3A_127 = arith.constant true
    %broadcast_in_dim3A_128 = vector.broadcast %broadcast_in_dim3A_127 : i1 to vector<16xi1>
    %masked_cumsum3A_129 = tpu.scan <sum>, %get3A_126 masked %broadcast_in_dim3A_128 : vector<16xi32>, vector<16xi1> -> vector<16xi32>
    %sub3A_130 = arith.subi %masked_cumsum3A_129, %get3A_126 : vector<16xi32>
    %add3A_131 = arith.addi %add3A_124, %sub3A_130 : vector<16xi32>
    %swap3A_132 = arith.constant 80 : index
    %swap3A_133 = tpu.vector_load %arg10[%swap3A_132] {strides = array<i32>} : memref<464xi32, #tpu.memory_space<vmem>>, vector<16xi32>,
    tpu.vector_store %arg10[%swap3A_132], %add3A_131 {strides = array<i32>} : memref<464xi32, #tpu.memory_space<vmem>>, vector<16xi32>,
    %slice3A_134 = vector.extract_strided_slice %masked_cumsum3A_129 {offsets = [15], sizes = [1], strides = [1]} : vector<16xi32> to vector<1xi32>
    %squeeze3A_135 = vector.extract %slice3A_134[0] : i32 from vector<1xi32>
    %broadcast_in_dim3A_136 = vector.broadcast %squeeze3A_135 : i32 to vector<16xi32>
    %add3A_137 = arith.addi %add3A_124, %broadcast_in_dim3A_136 : vector<16xi32>
    %get3A_138 = arith.constant 96 : index
    %get3A_139 = tpu.vector_load %arg9[%get3A_138] {strides = array<i32>} : memref<448xi32, #tpu.memory_space<vmem>>, vector<16xi32>,
    %broadcast_in_dim3A_140 = arith.constant true
    %broadcast_in_dim3A_141 = vector.broadcast %broadcast_in_dim3A_140 : i1 to vector<16xi1>
    %masked_cumsum3A_142 = tpu.scan <sum>, %get3A_139 masked %broadcast_in_dim3A_141 : vector<16xi32>, vector<16xi1> -> vector<16xi32>
    %sub3A_143 = arith.subi %masked_cumsum3A_142, %get3A_139 : vector<16xi32>
    %add3A_144 = arith.addi %add3A_137, %sub3A_143 : vector<16xi32>
    %swap3A_145 = arith.constant 96 : index
    %swap3A_146 = tpu.vector_load %arg10[%swap3A_145] {strides = array<i32>} : memref<464xi32, #tpu.memory_space<vmem>>, vector<16xi32>,
    tpu.vector_store %arg10[%swap3A_145], %add3A_144 {strides = array<i32>} : memref<464xi32, #tpu.memory_space<vmem>>, vector<16xi32>,
    %slice3A_147 = vector.extract_strided_slice %masked_cumsum3A_142 {offsets = [15], sizes = [1], strides = [1]} : vector<16xi32> to vector<1xi32>
    %squeeze3A_148 = vector.extract %slice3A_147[0] : i32 from vector<1xi32>
    %broadcast_in_dim3A_149 = vector.broadcast %squeeze3A_148 : i32 to vector<16xi32>
    %add3A_150 = arith.addi %add3A_137, %broadcast_in_dim3A_149 : vector<16xi32>
    %get3A_151 = arith.constant 112 : index
    %get3A_152 = tpu.vector_load %arg9[%get3A_151] {strides = array<i32>} : memref<448xi32, #tpu.memory_space<vmem>>, vector<16xi32>,
    %broadcast_in_dim3A_153 = arith.constant true
    %broadcast_in_dim3A_154 = vector.broadcast %broadcast_in_dim3A_153 : i1 to vector<16xi1>
    %masked_cumsum3A_155 = tpu.scan <sum>, %get3A_152 masked %broadcast_in_dim3A_154 : vector<16xi32>, vector<16xi1> -> vector<16xi32>
    %sub3A_156 = arith.subi %masked_cumsum3A_155, %get3A_152 : vector<16xi32>
    %add3A_157 = arith.addi %add3A_150, %sub3A_156 : vector<16xi32>
    %swap3A_158 = arith.constant 112 : index
    %swap3A_159 = tpu.vector_load %arg10[%swap3A_158] {strides = array<i32>} : memref<464xi32, #tpu.memory_space<vmem>>, vector<16xi32>,
    tpu.vector_store %arg10[%swap3A_158], %add3A_157 {strides = array<i32>} : memref<464xi32, #tpu.memory_space<vmem>>, vector<16xi32>,
    %slice3A_160 = vector.extract_strided_slice %masked_cumsum3A_155 {offsets = [15], sizes = [1], strides = [1]} : vector<16xi32> to vector<1xi32>
    %squeeze3A_161 = vector.extract %slice3A_160[0] : i32 from vector<1xi32>
    %broadcast_in_dim3A_162 = vector.broadcast %squeeze3A_161 : i32 to vector<16xi32>
    %add3A_163 = arith.addi %add3A_150, %broadcast_in_dim3A_162 : vector<16xi32>
    %get3A_164 = arith.constant 128 : index
    %get3A_165 = tpu.vector_load %arg9[%get3A_164] {strides = array<i32>} : memref<448xi32, #tpu.memory_space<vmem>>, vector<16xi32>,
    %broadcast_in_dim3A_166 = arith.constant true
    %broadcast_in_dim3A_167 = vector.broadcast %broadcast_in_dim3A_166 : i1 to vector<16xi1>
    %masked_cumsum3A_168 = tpu.scan <sum>, %get3A_165 masked %broadcast_in_dim3A_167 : vector<16xi32>, vector<16xi1> -> vector<16xi32>
    %sub3A_169 = arith.subi %masked_cumsum3A_168, %get3A_165 : vector<16xi32>
    %add3A_170 = arith.addi %add3A_163, %sub3A_169 : vector<16xi32>
    %swap3A_171 = arith.constant 128 : index
    %swap3A_172 = tpu.vector_load %arg10[%swap3A_171] {strides = array<i32>} : memref<464xi32, #tpu.memory_space<vmem>>, vector<16xi32>,
    tpu.vector_store %arg10[%swap3A_171], %add3A_170 {strides = array<i32>} : memref<464xi32, #tpu.memory_space<vmem>>, vector<16xi32>,
    %slice3A_173 = vector.extract_strided_slice %masked_cumsum3A_168 {offsets = [15], sizes = [1], strides = [1]} : vector<16xi32> to vector<1xi32>
    %squeeze3A_174 = vector.extract %slice3A_173[0] : i32 from vector<1xi32>
    %broadcast_in_dim3A_175 = vector.broadcast %squeeze3A_174 : i32 to vector<16xi32>
    %add3A_176 = arith.addi %add3A_163, %broadcast_in_dim3A_175 : vector<16xi32>
    %get3A_177 = arith.constant 144 : index
    %get3A_178 = tpu.vector_load %arg9[%get3A_177] {strides = array<i32>} : memref<448xi32, #tpu.memory_space<vmem>>, vector<16xi32>,
    %broadcast_in_dim3A_179 = arith.constant true
    %broadcast_in_dim3A_180 = vector.broadcast %broadcast_in_dim3A_179 : i1 to vector<16xi1>
    %masked_cumsum3A_181 = tpu.scan <sum>, %get3A_178 masked %broadcast_in_dim3A_180 : vector<16xi32>, vector<16xi1> -> vector<16xi32>
    %sub3A_182 = arith.subi %masked_cumsum3A_181, %get3A_178 : vector<16xi32>
    %add3A_183 = arith.addi %add3A_176, %sub3A_182 : vector<16xi32>
    %swap3A_184 = arith.constant 144 : index
    %swap3A_185 = tpu.vector_load %arg10[%swap3A_184] {strides = array<i32>} : memref<464xi32, #tpu.memory_space<vmem>>, vector<16xi32>,
    tpu.vector_store %arg10[%swap3A_184], %add3A_183 {strides = array<i32>} : memref<464xi32, #tpu.memory_space<vmem>>, vector<16xi32>,
    %slice3A_186 = vector.extract_strided_slice %masked_cumsum3A_181 {offsets = [15], sizes = [1], strides = [1]} : vector<16xi32> to vector<1xi32>
    %squeeze3A_187 = vector.extract %slice3A_186[0] : i32 from vector<1xi32>
    %broadcast_in_dim3A_188 = vector.broadcast %squeeze3A_187 : i32 to vector<16xi32>
    %add3A_189 = arith.addi %add3A_176, %broadcast_in_dim3A_188 : vector<16xi32>
    %get3A_190 = arith.constant 160 : index
    %get3A_191 = tpu.vector_load %arg9[%get3A_190] {strides = array<i32>} : memref<448xi32, #tpu.memory_space<vmem>>, vector<16xi32>,
    %broadcast_in_dim3A_192 = arith.constant true
    %broadcast_in_dim3A_193 = vector.broadcast %broadcast_in_dim3A_192 : i1 to vector<16xi1>
    %masked_cumsum3A_194 = tpu.scan <sum>, %get3A_191 masked %broadcast_in_dim3A_193 : vector<16xi32>, vector<16xi1> -> vector<16xi32>
    %sub3A_195 = arith.subi %masked_cumsum3A_194, %get3A_191 : vector<16xi32>
    %add3A_196 = arith.addi %add3A_189, %sub3A_195 : vector<16xi32>
    %swap3A_197 = arith.constant 160 : index
    %swap3A_198 = tpu.vector_load %arg10[%swap3A_197] {strides = array<i32>} : memref<464xi32, #tpu.memory_space<vmem>>, vector<16xi32>,
    tpu.vector_store %arg10[%swap3A_197], %add3A_196 {strides = array<i32>} : memref<464xi32, #tpu.memory_space<vmem>>, vector<16xi32>,
    %slice3A_199 = vector.extract_strided_slice %masked_cumsum3A_194 {offsets = [15], sizes = [1], strides = [1]} : vector<16xi32> to vector<1xi32>
    %squeeze3A_200 = vector.extract %slice3A_199[0] : i32 from vector<1xi32>
    %broadcast_in_dim3A_201 = vector.broadcast %squeeze3A_200 : i32 to vector<16xi32>
    %add3A_202 = arith.addi %add3A_189, %broadcast_in_dim3A_201 : vector<16xi32>
    %get3A_203 = arith.constant 176 : index
    %get3A_204 = tpu.vector_load %arg9[%get3A_203] {strides = array<i32>} : memref<448xi32, #tpu.memory_space<vmem>>, vector<16xi32>,
    %broadcast_in_dim3A_205 = arith.constant true
    %broadcast_in_dim3A_206 = vector.broadcast %broadcast_in_dim3A_205 : i1 to vector<16xi1>
    %masked_cumsum3A_207 = tpu.scan <sum>, %get3A_204 masked %broadcast_in_dim3A_206 : vector<16xi32>, vector<16xi1> -> vector<16xi32>
    %sub3A_208 = arith.subi %masked_cumsum3A_207, %get3A_204 : vector<16xi32>
    %add3A_209 = arith.addi %add3A_202, %sub3A_208 : vector<16xi32>
    %swap3A_210 = arith.constant 176 : index
    %swap3A_211 = tpu.vector_load %arg10[%swap3A_210] {strides = array<i32>} : memref<464xi32, #tpu.memory_space<vmem>>, vector<16xi32>,
    tpu.vector_store %arg10[%swap3A_210], %add3A_209 {strides = array<i32>} : memref<464xi32, #tpu.memory_space<vmem>>, vector<16xi32>,
    %slice3A_212 = vector.extract_strided_slice %masked_cumsum3A_207 {offsets = [15], sizes = [1], strides = [1]} : vector<16xi32> to vector<1xi32>
    %squeeze3A_213 = vector.extract %slice3A_212[0] : i32 from vector<1xi32>
    %broadcast_in_dim3A_214 = vector.broadcast %squeeze3A_213 : i32 to vector<16xi32>
    %add3A_215 = arith.addi %add3A_202, %broadcast_in_dim3A_214 : vector<16xi32>
    %get3A_216 = arith.constant 192 : index
    %get3A_217 = tpu.vector_load %arg9[%get3A_216] {strides = array<i32>} : memref<448xi32, #tpu.memory_space<vmem>>, vector<16xi32>,
    %broadcast_in_dim3A_218 = arith.constant true
    %broadcast_in_dim3A_219 = vector.broadcast %broadcast_in_dim3A_218 : i1 to vector<16xi1>
    %masked_cumsum3A_220 = tpu.scan <sum>, %get3A_217 masked %broadcast_in_dim3A_219 : vector<16xi32>, vector<16xi1> -> vector<16xi32>
    %sub3A_221 = arith.subi %masked_cumsum3A_220, %get3A_217 : vector<16xi32>
    %add3A_222 = arith.addi %add3A_215, %sub3A_221 : vector<16xi32>
    %swap3A_223 = arith.constant 192 : index
    %swap3A_224 = tpu.vector_load %arg10[%swap3A_223] {strides = array<i32>} : memref<464xi32, #tpu.memory_space<vmem>>, vector<16xi32>,
    tpu.vector_store %arg10[%swap3A_223], %add3A_222 {strides = array<i32>} : memref<464xi32, #tpu.memory_space<vmem>>, vector<16xi32>,
    %slice3A_225 = vector.extract_strided_slice %masked_cumsum3A_220 {offsets = [15], sizes = [1], strides = [1]} : vector<16xi32> to vector<1xi32>
    %squeeze3A_226 = vector.extract %slice3A_225[0] : i32 from vector<1xi32>
    %broadcast_in_dim3A_227 = vector.broadcast %squeeze3A_226 : i32 to vector<16xi32>
    %add3A_228 = arith.addi %add3A_215, %broadcast_in_dim3A_227 : vector<16xi32>
    %get3A_229 = arith.constant 208 : index
    %get3A_230 = tpu.vector_load %arg9[%get3A_229] {strides = array<i32>} : memref<448xi32, #tpu.memory_space<vmem>>, vector<16xi32>,
    %broadcast_in_dim3A_231 = arith.constant true
    %broadcast_in_dim3A_232 = vector.broadcast %broadcast_in_dim3A_231 : i1 to vector<16xi1>
    %masked_cumsum3A_233 = tpu.scan <sum>, %get3A_230 masked %broadcast_in_dim3A_232 : vector<16xi32>, vector<16xi1> -> vector<16xi32>
    %sub3A_234 = arith.subi %masked_cumsum3A_233, %get3A_230 : vector<16xi32>
    %add3A_235 = arith.addi %add3A_228, %sub3A_234 : vector<16xi32>
    %swap3A_236 = arith.constant 208 : index
    %swap3A_237 = tpu.vector_load %arg10[%swap3A_236] {strides = array<i32>} : memref<464xi32, #tpu.memory_space<vmem>>, vector<16xi32>,
    tpu.vector_store %arg10[%swap3A_236], %add3A_235 {strides = array<i32>} : memref<464xi32, #tpu.memory_space<vmem>>, vector<16xi32>,
    %slice3A_238 = vector.extract_strided_slice %masked_cumsum3A_233 {offsets = [15], sizes = [1], strides = [1]} : vector<16xi32> to vector<1xi32>
    %squeeze3A_239 = vector.extract %slice3A_238[0] : i32 from vector<1xi32>
    %broadcast_in_dim3A_240 = vector.broadcast %squeeze3A_239 : i32 to vector<16xi32>
    %add3A_241 = arith.addi %add3A_228, %broadcast_in_dim3A_240 : vector<16xi32>
    %get3A_242 = arith.constant 224 : index
    %get3A_243 = tpu.vector_load %arg9[%get3A_242] {strides = array<i32>} : memref<448xi32, #tpu.memory_space<vmem>>, vector<16xi32>,
    %broadcast_in_dim3A_244 = arith.constant true
    %broadcast_in_dim3A_245 = vector.broadcast %broadcast_in_dim3A_244 : i1 to vector<16xi1>
    %masked_cumsum3A_246 = tpu.scan <sum>, %get3A_243 masked %broadcast_in_dim3A_245 : vector<16xi32>, vector<16xi1> -> vector<16xi32>
    %sub3A_247 = arith.subi %masked_cumsum3A_246, %get3A_243 : vector<16xi32>
    %add3A_248 = arith.addi %add3A_241, %sub3A_247 : vector<16xi32>
    %swap3A_249 = arith.constant 224 : index
    %swap3A_250 = tpu.vector_load %arg10[%swap3A_249] {strides = array<i32>} : memref<464xi32, #tpu.memory_space<vmem>>, vector<16xi32>,
    tpu.vector_store %arg10[%swap3A_249], %add3A_248 {strides = array<i32>} : memref<464xi32, #tpu.memory_space<vmem>>, vector<16xi32>,
    %slice3A_251 = vector.extract_strided_slice %masked_cumsum3A_246 {offsets = [15], sizes = [1], strides = [1]} : vector<16xi32> to vector<1xi32>
    %squeeze3A_252 = vector.extract %slice3A_251[0] : i32 from vector<1xi32>
    %broadcast_in_dim3A_253 = vector.broadcast %squeeze3A_252 : i32 to vector<16xi32>
    %add3A_254 = arith.addi %add3A_241, %broadcast_in_dim3A_253 : vector<16xi32>
    %get3A_255 = arith.constant 240 : index
    %get3A_256 = tpu.vector_load %arg9[%get3A_255] {strides = array<i32>} : memref<448xi32, #tpu.memory_space<vmem>>, vector<16xi32>,
    %broadcast_in_dim3A_257 = arith.constant true
    %broadcast_in_dim3A_258 = vector.broadcast %broadcast_in_dim3A_257 : i1 to vector<16xi1>
    %masked_cumsum3A_259 = tpu.scan <sum>, %get3A_256 masked %broadcast_in_dim3A_258 : vector<16xi32>, vector<16xi1> -> vector<16xi32>
    %sub3A_260 = arith.subi %masked_cumsum3A_259, %get3A_256 : vector<16xi32>
    %add3A_261 = arith.addi %add3A_254, %sub3A_260 : vector<16xi32>
    %swap3A_262 = arith.constant 240 : index
    %swap3A_263 = tpu.vector_load %arg10[%swap3A_262] {strides = array<i32>} : memref<464xi32, #tpu.memory_space<vmem>>, vector<16xi32>,
    tpu.vector_store %arg10[%swap3A_262], %add3A_261 {strides = array<i32>} : memref<464xi32, #tpu.memory_space<vmem>>, vector<16xi32>,
    %slice3A_264 = vector.extract_strided_slice %masked_cumsum3A_259 {offsets = [15], sizes = [1], strides = [1]} : vector<16xi32> to vector<1xi32>
    %squeeze3A_265 = vector.extract %slice3A_264[0] : i32 from vector<1xi32>
    %broadcast_in_dim3A_266 = vector.broadcast %squeeze3A_265 : i32 to vector<16xi32>
    %add3A_267 = arith.addi %add3A_254, %broadcast_in_dim3A_266 : vector<16xi32>
    %get3A_268 = arith.constant 256 : index
    %get3A_269 = tpu.vector_load %arg9[%get3A_268] {strides = array<i32>} : memref<448xi32, #tpu.memory_space<vmem>>, vector<16xi32>,
    %broadcast_in_dim3A_270 = arith.constant true
    %broadcast_in_dim3A_271 = vector.broadcast %broadcast_in_dim3A_270 : i1 to vector<16xi1>
    %masked_cumsum3A_272 = tpu.scan <sum>, %get3A_269 masked %broadcast_in_dim3A_271 : vector<16xi32>, vector<16xi1> -> vector<16xi32>
    %sub3A_273 = arith.subi %masked_cumsum3A_272, %get3A_269 : vector<16xi32>
    %add3A_274 = arith.addi %add3A_267, %sub3A_273 : vector<16xi32>
    %swap3A_275 = arith.constant 256 : index
    %swap3A_276 = tpu.vector_load %arg10[%swap3A_275] {strides = array<i32>} : memref<464xi32, #tpu.memory_space<vmem>>, vector<16xi32>,
    tpu.vector_store %arg10[%swap3A_275], %add3A_274 {strides = array<i32>} : memref<464xi32, #tpu.memory_space<vmem>>, vector<16xi32>,
    %slice3A_277 = vector.extract_strided_slice %masked_cumsum3A_272 {offsets = [15], sizes = [1], strides = [1]} : vector<16xi32> to vector<1xi32>
    %squeeze3A_278 = vector.extract %slice3A_277[0] : i32 from vector<1xi32>
    %broadcast_in_dim3A_279 = vector.broadcast %squeeze3A_278 : i32 to vector<16xi32>
    %add3A_280 = arith.addi %add3A_267, %broadcast_in_dim3A_279 : vector<16xi32>
    %get3A_281 = arith.constant 272 : index
    %get3A_282 = tpu.vector_load %arg9[%get3A_281] {strides = array<i32>} : memref<448xi32, #tpu.memory_space<vmem>>, vector<16xi32>,
    %broadcast_in_dim3A_283 = arith.constant true
    %broadcast_in_dim3A_284 = vector.broadcast %broadcast_in_dim3A_283 : i1 to vector<16xi1>
    %masked_cumsum3A_285 = tpu.scan <sum>, %get3A_282 masked %broadcast_in_dim3A_284 : vector<16xi32>, vector<16xi1> -> vector<16xi32>
    %sub3A_286 = arith.subi %masked_cumsum3A_285, %get3A_282 : vector<16xi32>
    %add3A_287 = arith.addi %add3A_280, %sub3A_286 : vector<16xi32>
    %swap3A_288 = arith.constant 272 : index
    %swap3A_289 = tpu.vector_load %arg10[%swap3A_288] {strides = array<i32>} : memref<464xi32, #tpu.memory_space<vmem>>, vector<16xi32>,
    tpu.vector_store %arg10[%swap3A_288], %add3A_287 {strides = array<i32>} : memref<464xi32, #tpu.memory_space<vmem>>, vector<16xi32>,
    %slice3A_290 = vector.extract_strided_slice %masked_cumsum3A_285 {offsets = [15], sizes = [1], strides = [1]} : vector<16xi32> to vector<1xi32>
    %squeeze3A_291 = vector.extract %slice3A_290[0] : i32 from vector<1xi32>
    %broadcast_in_dim3A_292 = vector.broadcast %squeeze3A_291 : i32 to vector<16xi32>
    %add3A_293 = arith.addi %add3A_280, %broadcast_in_dim3A_292 : vector<16xi32>
    %get3A_294 = arith.constant 288 : index
    %get3A_295 = tpu.vector_load %arg9[%get3A_294] {strides = array<i32>} : memref<448xi32, #tpu.memory_space<vmem>>, vector<16xi32>,
    %broadcast_in_dim3A_296 = arith.constant true
    %broadcast_in_dim3A_297 = vector.broadcast %broadcast_in_dim3A_296 : i1 to vector<16xi1>
    %masked_cumsum3A_298 = tpu.scan <sum>, %get3A_295 masked %broadcast_in_dim3A_297 : vector<16xi32>, vector<16xi1> -> vector<16xi32>
    %sub3A_299 = arith.subi %masked_cumsum3A_298, %get3A_295 : vector<16xi32>
    %add3A_300 = arith.addi %add3A_293, %sub3A_299 : vector<16xi32>
    %swap3A_301 = arith.constant 288 : index
    %swap3A_302 = tpu.vector_load %arg10[%swap3A_301] {strides = array<i32>} : memref<464xi32, #tpu.memory_space<vmem>>, vector<16xi32>,
    tpu.vector_store %arg10[%swap3A_301], %add3A_300 {strides = array<i32>} : memref<464xi32, #tpu.memory_space<vmem>>, vector<16xi32>,
    %slice3A_303 = vector.extract_strided_slice %masked_cumsum3A_298 {offsets = [15], sizes = [1], strides = [1]} : vector<16xi32> to vector<1xi32>
    %squeeze3A_304 = vector.extract %slice3A_303[0] : i32 from vector<1xi32>
    %broadcast_in_dim3A_305 = vector.broadcast %squeeze3A_304 : i32 to vector<16xi32>
    %add3A_306 = arith.addi %add3A_293, %broadcast_in_dim3A_305 : vector<16xi32>
    %get3A_307 = arith.constant 304 : index
    %get3A_308 = tpu.vector_load %arg9[%get3A_307] {strides = array<i32>} : memref<448xi32, #tpu.memory_space<vmem>>, vector<16xi32>,
    %broadcast_in_dim3A_309 = arith.constant true
    %broadcast_in_dim3A_310 = vector.broadcast %broadcast_in_dim3A_309 : i1 to vector<16xi1>
    %masked_cumsum3A_311 = tpu.scan <sum>, %get3A_308 masked %broadcast_in_dim3A_310 : vector<16xi32>, vector<16xi1> -> vector<16xi32>
    %sub3A_312 = arith.subi %masked_cumsum3A_311, %get3A_308 : vector<16xi32>
    %add3A_313 = arith.addi %add3A_306, %sub3A_312 : vector<16xi32>
    %swap3A_314 = arith.constant 304 : index
    %swap3A_315 = tpu.vector_load %arg10[%swap3A_314] {strides = array<i32>} : memref<464xi32, #tpu.memory_space<vmem>>, vector<16xi32>,
    tpu.vector_store %arg10[%swap3A_314], %add3A_313 {strides = array<i32>} : memref<464xi32, #tpu.memory_space<vmem>>, vector<16xi32>,
    %slice3A_316 = vector.extract_strided_slice %masked_cumsum3A_311 {offsets = [15], sizes = [1], strides = [1]} : vector<16xi32> to vector<1xi32>
    %squeeze3A_317 = vector.extract %slice3A_316[0] : i32 from vector<1xi32>
    %broadcast_in_dim3A_318 = vector.broadcast %squeeze3A_317 : i32 to vector<16xi32>
    %add3A_319 = arith.addi %add3A_306, %broadcast_in_dim3A_318 : vector<16xi32>
    %get3A_320 = arith.constant 320 : index
    %get3A_321 = tpu.vector_load %arg9[%get3A_320] {strides = array<i32>} : memref<448xi32, #tpu.memory_space<vmem>>, vector<16xi32>,
    %broadcast_in_dim3A_322 = arith.constant true
    %broadcast_in_dim3A_323 = vector.broadcast %broadcast_in_dim3A_322 : i1 to vector<16xi1>
    %masked_cumsum3A_324 = tpu.scan <sum>, %get3A_321 masked %broadcast_in_dim3A_323 : vector<16xi32>, vector<16xi1> -> vector<16xi32>
    %sub3A_325 = arith.subi %masked_cumsum3A_324, %get3A_321 : vector<16xi32>
    %add3A_326 = arith.addi %add3A_319, %sub3A_325 : vector<16xi32>
    %swap3A_327 = arith.constant 320 : index
    %swap3A_328 = tpu.vector_load %arg10[%swap3A_327] {strides = array<i32>} : memref<464xi32, #tpu.memory_space<vmem>>, vector<16xi32>,
    tpu.vector_store %arg10[%swap3A_327], %add3A_326 {strides = array<i32>} : memref<464xi32, #tpu.memory_space<vmem>>, vector<16xi32>,
    %slice3A_329 = vector.extract_strided_slice %masked_cumsum3A_324 {offsets = [15], sizes = [1], strides = [1]} : vector<16xi32> to vector<1xi32>
    %squeeze3A_330 = vector.extract %slice3A_329[0] : i32 from vector<1xi32>
    %broadcast_in_dim3A_331 = vector.broadcast %squeeze3A_330 : i32 to vector<16xi32>
    %add3A_332 = arith.addi %add3A_319, %broadcast_in_dim3A_331 : vector<16xi32>
    %get3A_333 = arith.constant 336 : index
    %get3A_334 = tpu.vector_load %arg9[%get3A_333] {strides = array<i32>} : memref<448xi32, #tpu.memory_space<vmem>>, vector<16xi32>,
    %broadcast_in_dim3A_335 = arith.constant true
    %broadcast_in_dim3A_336 = vector.broadcast %broadcast_in_dim3A_335 : i1 to vector<16xi1>
    %masked_cumsum3A_337 = tpu.scan <sum>, %get3A_334 masked %broadcast_in_dim3A_336 : vector<16xi32>, vector<16xi1> -> vector<16xi32>
    %sub3A_338 = arith.subi %masked_cumsum3A_337, %get3A_334 : vector<16xi32>
    %add3A_339 = arith.addi %add3A_332, %sub3A_338 : vector<16xi32>
    %swap3A_340 = arith.constant 336 : index
    %swap3A_341 = tpu.vector_load %arg10[%swap3A_340] {strides = array<i32>} : memref<464xi32, #tpu.memory_space<vmem>>, vector<16xi32>,
    tpu.vector_store %arg10[%swap3A_340], %add3A_339 {strides = array<i32>} : memref<464xi32, #tpu.memory_space<vmem>>, vector<16xi32>,
    %slice3A_342 = vector.extract_strided_slice %masked_cumsum3A_337 {offsets = [15], sizes = [1], strides = [1]} : vector<16xi32> to vector<1xi32>
    %squeeze3A_343 = vector.extract %slice3A_342[0] : i32 from vector<1xi32>
    %broadcast_in_dim3A_344 = vector.broadcast %squeeze3A_343 : i32 to vector<16xi32>
    %add3A_345 = arith.addi %add3A_332, %broadcast_in_dim3A_344 : vector<16xi32>
    %get3A_346 = arith.constant 352 : index
    %get3A_347 = tpu.vector_load %arg9[%get3A_346] {strides = array<i32>} : memref<448xi32, #tpu.memory_space<vmem>>, vector<16xi32>,
    %broadcast_in_dim3A_348 = arith.constant true
    %broadcast_in_dim3A_349 = vector.broadcast %broadcast_in_dim3A_348 : i1 to vector<16xi1>
    %masked_cumsum3A_350 = tpu.scan <sum>, %get3A_347 masked %broadcast_in_dim3A_349 : vector<16xi32>, vector<16xi1> -> vector<16xi32>
    %sub3A_351 = arith.subi %masked_cumsum3A_350, %get3A_347 : vector<16xi32>
    %add3A_352 = arith.addi %add3A_345, %sub3A_351 : vector<16xi32>
    %swap3A_353 = arith.constant 352 : index
    %swap3A_354 = tpu.vector_load %arg10[%swap3A_353] {strides = array<i32>} : memref<464xi32, #tpu.memory_space<vmem>>, vector<16xi32>,
    tpu.vector_store %arg10[%swap3A_353], %add3A_352 {strides = array<i32>} : memref<464xi32, #tpu.memory_space<vmem>>, vector<16xi32>,
    %slice3A_355 = vector.extract_strided_slice %masked_cumsum3A_350 {offsets = [15], sizes = [1], strides = [1]} : vector<16xi32> to vector<1xi32>
    %squeeze3A_356 = vector.extract %slice3A_355[0] : i32 from vector<1xi32>
    %broadcast_in_dim3A_357 = vector.broadcast %squeeze3A_356 : i32 to vector<16xi32>
    %add3A_358 = arith.addi %add3A_345, %broadcast_in_dim3A_357 : vector<16xi32>
    %get3A_359 = arith.constant 368 : index
    %get3A_360 = tpu.vector_load %arg9[%get3A_359] {strides = array<i32>} : memref<448xi32, #tpu.memory_space<vmem>>, vector<16xi32>,
    %broadcast_in_dim3A_361 = arith.constant true
    %broadcast_in_dim3A_362 = vector.broadcast %broadcast_in_dim3A_361 : i1 to vector<16xi1>
    %masked_cumsum3A_363 = tpu.scan <sum>, %get3A_360 masked %broadcast_in_dim3A_362 : vector<16xi32>, vector<16xi1> -> vector<16xi32>
    %sub3A_364 = arith.subi %masked_cumsum3A_363, %get3A_360 : vector<16xi32>
    %add3A_365 = arith.addi %add3A_358, %sub3A_364 : vector<16xi32>
    %swap3A_366 = arith.constant 368 : index
    %swap3A_367 = tpu.vector_load %arg10[%swap3A_366] {strides = array<i32>} : memref<464xi32, #tpu.memory_space<vmem>>, vector<16xi32>,
    tpu.vector_store %arg10[%swap3A_366], %add3A_365 {strides = array<i32>} : memref<464xi32, #tpu.memory_space<vmem>>, vector<16xi32>,
    %slice3A_368 = vector.extract_strided_slice %masked_cumsum3A_363 {offsets = [15], sizes = [1], strides = [1]} : vector<16xi32> to vector<1xi32>
    %squeeze3A_369 = vector.extract %slice3A_368[0] : i32 from vector<1xi32>
    %broadcast_in_dim3A_370 = vector.broadcast %squeeze3A_369 : i32 to vector<16xi32>
    %add3A_371 = arith.addi %add3A_358, %broadcast_in_dim3A_370 : vector<16xi32>
    %get3A_372 = arith.constant 384 : index
    %get3A_373 = tpu.vector_load %arg9[%get3A_372] {strides = array<i32>} : memref<448xi32, #tpu.memory_space<vmem>>, vector<16xi32>,
    %broadcast_in_dim3A_374 = arith.constant true
    %broadcast_in_dim3A_375 = vector.broadcast %broadcast_in_dim3A_374 : i1 to vector<16xi1>
    %masked_cumsum3A_376 = tpu.scan <sum>, %get3A_373 masked %broadcast_in_dim3A_375 : vector<16xi32>, vector<16xi1> -> vector<16xi32>
    %sub3A_377 = arith.subi %masked_cumsum3A_376, %get3A_373 : vector<16xi32>
    %add3A_378 = arith.addi %add3A_371, %sub3A_377 : vector<16xi32>
    %swap3A_379 = arith.constant 384 : index
    %swap3A_380 = tpu.vector_load %arg10[%swap3A_379] {strides = array<i32>} : memref<464xi32, #tpu.memory_space<vmem>>, vector<16xi32>,
    tpu.vector_store %arg10[%swap3A_379], %add3A_378 {strides = array<i32>} : memref<464xi32, #tpu.memory_space<vmem>>, vector<16xi32>,
    %slice3A_381 = vector.extract_strided_slice %masked_cumsum3A_376 {offsets = [15], sizes = [1], strides = [1]} : vector<16xi32> to vector<1xi32>
    %squeeze3A_382 = vector.extract %slice3A_381[0] : i32 from vector<1xi32>
    %broadcast_in_dim3A_383 = vector.broadcast %squeeze3A_382 : i32 to vector<16xi32>
    %add3A_384 = arith.addi %add3A_371, %broadcast_in_dim3A_383 : vector<16xi32>
    %get3A_385 = arith.constant 400 : index
    %get3A_386 = tpu.vector_load %arg9[%get3A_385] {strides = array<i32>} : memref<448xi32, #tpu.memory_space<vmem>>, vector<16xi32>,
    %broadcast_in_dim3A_387 = arith.constant true
    %broadcast_in_dim3A_388 = vector.broadcast %broadcast_in_dim3A_387 : i1 to vector<16xi1>
    %masked_cumsum3A_389 = tpu.scan <sum>, %get3A_386 masked %broadcast_in_dim3A_388 : vector<16xi32>, vector<16xi1> -> vector<16xi32>
    %sub3A_390 = arith.subi %masked_cumsum3A_389, %get3A_386 : vector<16xi32>
    %add3A_391 = arith.addi %add3A_384, %sub3A_390 : vector<16xi32>
    %swap3A_392 = arith.constant 400 : index
    %swap3A_393 = tpu.vector_load %arg10[%swap3A_392] {strides = array<i32>} : memref<464xi32, #tpu.memory_space<vmem>>, vector<16xi32>,
    tpu.vector_store %arg10[%swap3A_392], %add3A_391 {strides = array<i32>} : memref<464xi32, #tpu.memory_space<vmem>>, vector<16xi32>,
    %slice3A_394 = vector.extract_strided_slice %masked_cumsum3A_389 {offsets = [15], sizes = [1], strides = [1]} : vector<16xi32> to vector<1xi32>
    %squeeze3A_395 = vector.extract %slice3A_394[0] : i32 from vector<1xi32>
    %broadcast_in_dim3A_396 = vector.broadcast %squeeze3A_395 : i32 to vector<16xi32>
    %add3A_397 = arith.addi %add3A_384, %broadcast_in_dim3A_396 : vector<16xi32>
    %get3A_398 = arith.constant 416 : index
    %get3A_399 = tpu.vector_load %arg9[%get3A_398] {strides = array<i32>} : memref<448xi32, #tpu.memory_space<vmem>>, vector<16xi32>,
    %broadcast_in_dim3A_400 = arith.constant true
    %broadcast_in_dim3A_401 = vector.broadcast %broadcast_in_dim3A_400 : i1 to vector<16xi1>
    %masked_cumsum3A_402 = tpu.scan <sum>, %get3A_399 masked %broadcast_in_dim3A_401 : vector<16xi32>, vector<16xi1> -> vector<16xi32>
    %sub3A_403 = arith.subi %masked_cumsum3A_402, %get3A_399 : vector<16xi32>
    %add3A_404 = arith.addi %add3A_397, %sub3A_403 : vector<16xi32>
    %swap3A_405 = arith.constant 416 : index
    %swap3A_406 = tpu.vector_load %arg10[%swap3A_405] {strides = array<i32>} : memref<464xi32, #tpu.memory_space<vmem>>, vector<16xi32>,
    tpu.vector_store %arg10[%swap3A_405], %add3A_404 {strides = array<i32>} : memref<464xi32, #tpu.memory_space<vmem>>, vector<16xi32>,
    %slice3A_407 = vector.extract_strided_slice %masked_cumsum3A_402 {offsets = [15], sizes = [1], strides = [1]} : vector<16xi32> to vector<1xi32>
    %squeeze3A_408 = vector.extract %slice3A_407[0] : i32 from vector<1xi32>
    %broadcast_in_dim3A_409 = vector.broadcast %squeeze3A_408 : i32 to vector<16xi32>
    %add3A_410 = arith.addi %add3A_397, %broadcast_in_dim3A_409 : vector<16xi32>
    %get3A_411 = arith.constant 432 : index
    %get3A_412 = tpu.vector_load %arg9[%get3A_411] {strides = array<i32>} : memref<448xi32, #tpu.memory_space<vmem>>, vector<16xi32>,
    %broadcast_in_dim3A_413 = arith.constant true
    %broadcast_in_dim3A_414 = vector.broadcast %broadcast_in_dim3A_413 : i1 to vector<16xi1>
    %masked_cumsum3A_415 = tpu.scan <sum>, %get3A_412 masked %broadcast_in_dim3A_414 : vector<16xi32>, vector<16xi1> -> vector<16xi32>
    %sub3A_416 = arith.subi %masked_cumsum3A_415, %get3A_412 : vector<16xi32>
    %add3A_417 = arith.addi %add3A_410, %sub3A_416 : vector<16xi32>
    %swap3A_418 = arith.constant 432 : index
    %swap3A_419 = tpu.vector_load %arg10[%swap3A_418] {strides = array<i32>} : memref<464xi32, #tpu.memory_space<vmem>>, vector<16xi32>,
    tpu.vector_store %arg10[%swap3A_418], %add3A_417 {strides = array<i32>} : memref<464xi32, #tpu.memory_space<vmem>>, vector<16xi32>,
    %slice3A_420 = vector.extract_strided_slice %masked_cumsum3A_415 {offsets = [15], sizes = [1], strides = [1]} : vector<16xi32> to vector<1xi32>
    %squeeze3A_421 = vector.extract %slice3A_420[0] : i32 from vector<1xi32>
    %broadcast_in_dim3A_422 = vector.broadcast %squeeze3A_421 : i32 to vector<16xi32>
    %add3A_423 = arith.addi %add3A_410, %broadcast_in_dim3A_422 : vector<16xi32>
    %swap3A_424 = arith.constant 448 : index
    %swap3A_425 = tpu.vector_load %arg10[%swap3A_424] {strides = array<i32>} : memref<464xi32, #tpu.memory_space<vmem>>, vector<16xi32>,
    tpu.vector_store %arg10[%swap3A_424], %add3A_423 {strides = array<i32>} : memref<464xi32, #tpu.memory_space<vmem>>, vector<16xi32>,
    %mul3A_426 = arith.constant 16 : i32
    %mul3A_427 = vector.broadcast %mul3A_426 : i32 to vector<16xi32>
    %mul3A_428 = arith.muli %iota3A, %mul3A_427 : vector<16xi32>
    %add3A_429 = arith.constant 0 : i32
    %add3A_430 = vector.broadcast %add3A_429 : i32 to vector<16xi32>
    %add3A_431 = arith.addi %mul3A_428, %add3A_430 : vector<16xi32>
    %add3A_432 = arith.constant 1 : i32
    %add3A_433 = vector.broadcast %add3A_432 : i32 to vector<16xi32>
    %add3A_434 = arith.addi %mul3A_428, %add3A_433 : vector<16xi32>
    %add3A_435 = arith.constant 2 : i32
    %add3A_436 = vector.broadcast %add3A_435 : i32 to vector<16xi32>
    %add3A_437 = arith.addi %mul3A_428, %add3A_436 : vector<16xi32>
    %add3A_438 = arith.constant 3 : i32
    %add3A_439 = vector.broadcast %add3A_438 : i32 to vector<16xi32>
    %add3A_440 = arith.addi %mul3A_428, %add3A_439 : vector<16xi32>
    %add3A_441 = arith.constant 4 : i32
    %add3A_442 = vector.broadcast %add3A_441 : i32 to vector<16xi32>
    %add3A_443 = arith.addi %mul3A_428, %add3A_442 : vector<16xi32>
    %add3A_444 = arith.constant 5 : i32
    %add3A_445 = vector.broadcast %add3A_444 : i32 to vector<16xi32>
    %add3A_446 = arith.addi %mul3A_428, %add3A_445 : vector<16xi32>
    %add3A_447 = arith.constant 6 : i32
    %add3A_448 = vector.broadcast %add3A_447 : i32 to vector<16xi32>
    %add3A_449 = arith.addi %mul3A_428, %add3A_448 : vector<16xi32>
    %add3A_450 = arith.constant 7 : i32
    %add3A_451 = vector.broadcast %add3A_450 : i32 to vector<16xi32>
    %add3A_452 = arith.addi %mul3A_428, %add3A_451 : vector<16xi32>
    %add3A_453 = arith.constant 8 : i32
    %add3A_454 = vector.broadcast %add3A_453 : i32 to vector<16xi32>
    %add3A_455 = arith.addi %mul3A_428, %add3A_454 : vector<16xi32>
    %add3A_456 = arith.constant 9 : i32
    %add3A_457 = vector.broadcast %add3A_456 : i32 to vector<16xi32>
    %add3A_458 = arith.addi %mul3A_428, %add3A_457 : vector<16xi32>
    %add3A_459 = arith.constant 10 : i32
    %add3A_460 = vector.broadcast %add3A_459 : i32 to vector<16xi32>
    %add3A_461 = arith.addi %mul3A_428, %add3A_460 : vector<16xi32>
    %add3A_462 = arith.constant 11 : i32
    %add3A_463 = vector.broadcast %add3A_462 : i32 to vector<16xi32>
    %add3A_464 = arith.addi %mul3A_428, %add3A_463 : vector<16xi32>
    %add3A_465 = arith.constant 12 : i32
    %add3A_466 = vector.broadcast %add3A_465 : i32 to vector<16xi32>
    %add3A_467 = arith.addi %mul3A_428, %add3A_466 : vector<16xi32>
    %add3A_468 = arith.constant 13 : i32
    %add3A_469 = vector.broadcast %add3A_468 : i32 to vector<16xi32>
    %add3A_470 = arith.addi %mul3A_428, %add3A_469 : vector<16xi32>
    %add3A_471 = arith.constant 14 : i32
    %add3A_472 = vector.broadcast %add3A_471 : i32 to vector<16xi32>
    %add3A_473 = arith.addi %mul3A_428, %add3A_472 : vector<16xi32>
    %add3A_474 = arith.constant 15 : i32
    %add3A_475 = vector.broadcast %add3A_474 : i32 to vector<16xi32>
    %add3A_476 = arith.addi %mul3A_428, %add3A_475 : vector<16xi32>
    %broadcast_in_dim3A_477 = arith.constant 448 : i32
    %broadcast_in_dim3A_478 = vector.broadcast %broadcast_in_dim3A_477 : i32 to vector<16xi32>
    %add3A_479 = arith.constant 0 : i32
    %add3A_480 = arith.addi %mul3A_2, %add3A_479 : i32
    %dma_start3A = arith.constant 0 : i32
    %dma_start3A_481 = tpu.memref_slice %arg2[%add3A_480, %dma_start3A] : memref<100128x512xf32, #tpu.memory_space<hbm>> -> memref<112x512xf32, #tpu.memory_space<hbm>>
    %dma_start3A_482 = arith.constant 0 : i32
    %dma_start3A_483 = tpu.memref_slice %arg2[%add3A_480, %dma_start3A_482] : memref<100128x512xf32, #tpu.memory_space<hbm>> -> memref<112x512xf32, #tpu.memory_space<hbm>>
    tpu.enqueue_dma source(%dma_start3A_483 : memref<112x512xf32, #tpu.memory_space<hbm>>) target(%arg7 : memref<112x512xf32, #tpu.memory_space<vmem>>) target_semaphore(%arg17 : memref<!tpu.dma_semaphore, #tpu.memory_space<semaphore_mem>>)
    %scan3A = arith.constant 0 : i32
    %scan3A_484 = arith.constant 0 : i32
    %scan3A_485 = arith.constant 14 : i32
    %scan3A_486 = arith.addi %scan3A_484, %scan3A_485 : i32
    %scan3A_487 = arith.constant 1 : i32
    scf.for %scan3A_612 = %scan3A_484 to %scan3A_486 step %scan3A_487  : i32 {
      %mul3A_613 = arith.constant 2 : i32
      %mul3A_614 = arith.muli %mul3A_613, %scan3A_612 : i32
      %add3A_615 = arith.constant 1 : i32
      %add3A_616 = arith.addi %mul3A_614, %add3A_615 : i32
      %mul3A_617 = arith.constant 2 : i32
      %mul3A_618 = arith.muli %mul3A_617, %scan3A_612 : i32
      %add3A_619 = arith.constant 2 : i32
      %add3A_620 = arith.addi %mul3A_618, %add3A_619 : i32
      %lt3A_621 = arith.cmpi slt, %add3A_616, %select_n3A : i32
      %convert_element_type3A_622 = arith.extui %lt3A_621 : i1 to i32
      %cond3A_623 = arith.constant 0 : i32
      %cond3A_624 = arith.cmpi ne, %convert_element_type3A_622, %cond3A_623 : i32
      scf.if %cond3A_624 {
        %mul3A_639 = arith.constant 112 : i32
        %mul3A_640 = arith.muli %add3A_616, %mul3A_639 : i32
        %add3A_641 = arith.addi %mul3A_2, %mul3A_640 : i32
        %dma_start3A_642 = arith.constant 0 : i32
        %dma_start3A_643 = tpu.memref_slice %arg2[%add3A_641, %dma_start3A_642] : memref<100128x512xf32, #tpu.memory_space<hbm>> -> memref<112x512xf32, #tpu.memory_space<hbm>>
        %dma_start3A_644 = arith.constant 0 : i32
        %dma_start3A_645 = tpu.memref_slice %arg2[%add3A_641, %dma_start3A_644] : memref<100128x512xf32, #tpu.memory_space<hbm>> -> memref<112x512xf32, #tpu.memory_space<hbm>>
        tpu.enqueue_dma source(%dma_start3A_645 : memref<112x512xf32, #tpu.memory_space<hbm>>) target(%arg8 : memref<112x512xf32, #tpu.memory_space<vmem>>) target_semaphore(%arg18 : memref<!tpu.dma_semaphore, #tpu.memory_space<semaphore_mem>>)
      } else {
      }
      %mul3A_625 = arith.constant 2 : i32
      %mul3A_626 = arith.muli %mul3A_625, %scan3A_612 : i32
      %lt3A_627 = arith.cmpi slt, %mul3A_626, %select_n3A : i32
      %convert_element_type3A_628 = arith.extui %lt3A_627 : i1 to i32
      %cond3A_629 = arith.constant 0 : i32
      %cond3A_630 = arith.cmpi ne, %convert_element_type3A_628, %cond3A_629 : i32
      scf.if %cond3A_630 {
        %mul3A_639 = arith.constant 2 : i32
        %mul3A_640 = arith.muli %mul3A_639, %scan3A_612 : i32
        %mul3A_641 = arith.constant 112 : i32
        %mul3A_642 = arith.muli %mul3A_640, %mul3A_641 : i32
        %add3A_643 = arith.addi %mul3A_2, %mul3A_642 : i32
        %dma_wait3A = arith.constant 0 : i32
        %dma_wait3A_644 = tpu.memref_slice %arg2[%add3A_643, %dma_wait3A] : memref<100128x512xf32, #tpu.memory_space<hbm>> -> memref<112x512xf32, #tpu.memory_space<hbm>>
        %dma_wait3A_645 = arith.constant 0 : i32
        %dma_wait3A_646 = tpu.memref_slice %arg2[%add3A_643, %dma_wait3A_645] : memref<100128x512xf32, #tpu.memory_space<hbm>> -> memref<112x512xf32, #tpu.memory_space<hbm>>
        tpu.wait_dma2 semaphore(%arg17 : memref<!tpu.dma_semaphore, #tpu.memory_space<semaphore_mem>>) src(%dma_wait3A_646 : memref<112x512xf32, #tpu.memory_space<hbm>>) dst(%arg7 : memref<112x512xf32, #tpu.memory_space<vmem>>)
        %mul3A_647 = arith.constant 2 : i32
        %mul3A_648 = arith.muli %mul3A_647, %scan3A_612 : i32
        %scan3A_649 = arith.constant 0 : i32
        %scan3A_650 = arith.constant 0 : i32
        %scan3A_651 = arith.constant 7 : i32
        %scan3A_652 = arith.addi %scan3A_650, %scan3A_651 : i32
        %scan3A_653 = arith.constant 1 : i32
        scf.for %scan3A_655 = %scan3A_650 to %scan3A_652 step %scan3A_653  : i32 {
          %mul3A_656 = arith.constant 16 : i32
          %mul3A_657 = arith.muli %scan3A_655, %mul3A_656 : i32
          %scan3A_658 = arith.constant 0 : i32
          %scan3A_659 = arith.constant 32 : i32
          %scan3A_660 = arith.addi %scan3A_658, %scan3A_659 : i32
          %scan3A_661 = arith.constant 1 : i32
          %scan3A_662:16 = scf.for %scan3A_796 = %scan3A_658 to %scan3A_660 step %scan3A_661 iter_args(%scan3A_797 = %broadcast_in_dim3A_6, %scan3A_798 = %broadcast_in_dim3A_6, %scan3A_799 = %broadcast_in_dim3A_6, %scan3A_800 = %broadcast_in_dim3A_6, %scan3A_801 = %broadcast_in_dim3A_6, %scan3A_802 = %broadcast_in_dim3A_6, %scan3A_803 = %broadcast_in_dim3A_6, %scan3A_804 = %broadcast_in_dim3A_6, %scan3A_805 = %broadcast_in_dim3A_6, %scan3A_806 = %broadcast_in_dim3A_6, %scan3A_807 = %broadcast_in_dim3A_6, %scan3A_808 = %broadcast_in_dim3A_6, %scan3A_809 = %broadcast_in_dim3A_6, %scan3A_810 = %broadcast_in_dim3A_6, %scan3A_811 = %broadcast_in_dim3A_6, %scan3A_812 = %broadcast_in_dim3A_6) -> (vector<16xf32>, vector<16xf32>, vector<16xf32>, vector<16xf32>, vector<16xf32>, vector<16xf32>, vector<16xf32>, vector<16xf32>, vector<16xf32>, vector<16xf32>, vector<16xf32>, vector<16xf32>, vector<16xf32>, vector<16xf32>, vector<16xf32>, vector<16xf32>)  : i32 {
            %mul3A_813 = arith.constant 16 : i32
            %mul3A_814 = arith.muli %scan3A_796, %mul3A_813 : i32
            %multiple_of3A = tpu.assume_multiple %mul3A_814, 16 : i32
            %get3A_815 = arith.index_cast %multiple_of3A : i32 to index
            %get3A_816 = tpu.vector_load %arg11[%get3A_815] {strides = array<i32>} : memref<512xf32, #tpu.memory_space<vmem>>, vector<16xf32>,
            %add3A_817 = arith.constant 0 : i32
            %add3A_818 = arith.addi %mul3A_657, %add3A_817 : i32
            %get3A_819 = arith.index_cast %add3A_818 : i32 to index
            %get3A_820 = arith.index_cast %multiple_of3A : i32 to index
            %get3A_821 = tpu.vector_load %arg7[%get3A_819, %get3A_820] {strides = array<i32>} : memref<112x512xf32, #tpu.memory_space<vmem>>, vector<16xf32>,
            %mul3A_822 = arith.mulf %get3A_821, %get3A_816 : vector<16xf32>
            %add3A_823 = arith.addf %scan3A_797, %mul3A_822 : vector<16xf32>
            %add3A_824 = arith.constant 1 : i32
            %add3A_825 = arith.addi %mul3A_657, %add3A_824 : i32
            %get3A_826 = arith.index_cast %add3A_825 : i32 to index
            %get3A_827 = arith.index_cast %multiple_of3A : i32 to index
            %get3A_828 = tpu.vector_load %arg7[%get3A_826, %get3A_827] {strides = array<i32>} : memref<112x512xf32, #tpu.memory_space<vmem>>, vector<16xf32>,
            %mul3A_829 = arith.mulf %get3A_828, %get3A_816 : vector<16xf32>
            %add3A_830 = arith.addf %scan3A_798, %mul3A_829 : vector<16xf32>
            %add3A_831 = arith.constant 2 : i32
            %add3A_832 = arith.addi %mul3A_657, %add3A_831 : i32
            %get3A_833 = arith.index_cast %add3A_832 : i32 to index
            %get3A_834 = arith.index_cast %multiple_of3A : i32 to index
            %get3A_835 = tpu.vector_load %arg7[%get3A_833, %get3A_834] {strides = array<i32>} : memref<112x512xf32, #tpu.memory_space<vmem>>, vector<16xf32>,
            %mul3A_836 = arith.mulf %get3A_835, %get3A_816 : vector<16xf32>
            %add3A_837 = arith.addf %scan3A_799, %mul3A_836 : vector<16xf32>
            %add3A_838 = arith.constant 3 : i32
            %add3A_839 = arith.addi %mul3A_657, %add3A_838 : i32
            %get3A_840 = arith.index_cast %add3A_839 : i32 to index
            %get3A_841 = arith.index_cast %multiple_of3A : i32 to index
            %get3A_842 = tpu.vector_load %arg7[%get3A_840, %get3A_841] {strides = array<i32>} : memref<112x512xf32, #tpu.memory_space<vmem>>, vector<16xf32>,
            %mul3A_843 = arith.mulf %get3A_842, %get3A_816 : vector<16xf32>
            %add3A_844 = arith.addf %scan3A_800, %mul3A_843 : vector<16xf32>
            %add3A_845 = arith.constant 4 : i32
            %add3A_846 = arith.addi %mul3A_657, %add3A_845 : i32
            %get3A_847 = arith.index_cast %add3A_846 : i32 to index
            %get3A_848 = arith.index_cast %multiple_of3A : i32 to index
            %get3A_849 = tpu.vector_load %arg7[%get3A_847, %get3A_848] {strides = array<i32>} : memref<112x512xf32, #tpu.memory_space<vmem>>, vector<16xf32>,
            %mul3A_850 = arith.mulf %get3A_849, %get3A_816 : vector<16xf32>
            %add3A_851 = arith.addf %scan3A_801, %mul3A_850 : vector<16xf32>
            %add3A_852 = arith.constant 5 : i32
            %add3A_853 = arith.addi %mul3A_657, %add3A_852 : i32
            %get3A_854 = arith.index_cast %add3A_853 : i32 to index
            %get3A_855 = arith.index_cast %multiple_of3A : i32 to index
            %get3A_856 = tpu.vector_load %arg7[%get3A_854, %get3A_855] {strides = array<i32>} : memref<112x512xf32, #tpu.memory_space<vmem>>, vector<16xf32>,
            %mul3A_857 = arith.mulf %get3A_856, %get3A_816 : vector<16xf32>
            %add3A_858 = arith.addf %scan3A_802, %mul3A_857 : vector<16xf32>
            %add3A_859 = arith.constant 6 : i32
            %add3A_860 = arith.addi %mul3A_657, %add3A_859 : i32
            %get3A_861 = arith.index_cast %add3A_860 : i32 to index
            %get3A_862 = arith.index_cast %multiple_of3A : i32 to index
            %get3A_863 = tpu.vector_load %arg7[%get3A_861, %get3A_862] {strides = array<i32>} : memref<112x512xf32, #tpu.memory_space<vmem>>, vector<16xf32>,
            %mul3A_864 = arith.mulf %get3A_863, %get3A_816 : vector<16xf32>
            %add3A_865 = arith.addf %scan3A_803, %mul3A_864 : vector<16xf32>
            %add3A_866 = arith.constant 7 : i32
            %add3A_867 = arith.addi %mul3A_657, %add3A_866 : i32
            %get3A_868 = arith.index_cast %add3A_867 : i32 to index
            %get3A_869 = arith.index_cast %multiple_of3A : i32 to index
            %get3A_870 = tpu.vector_load %arg7[%get3A_868, %get3A_869] {strides = array<i32>} : memref<112x512xf32, #tpu.memory_space<vmem>>, vector<16xf32>,
            %mul3A_871 = arith.mulf %get3A_870, %get3A_816 : vector<16xf32>
            %add3A_872 = arith.addf %scan3A_804, %mul3A_871 : vector<16xf32>
            %add3A_873 = arith.constant 8 : i32
            %add3A_874 = arith.addi %mul3A_657, %add3A_873 : i32
            %get3A_875 = arith.index_cast %add3A_874 : i32 to index
            %get3A_876 = arith.index_cast %multiple_of3A : i32 to index
            %get3A_877 = tpu.vector_load %arg7[%get3A_875, %get3A_876] {strides = array<i32>} : memref<112x512xf32, #tpu.memory_space<vmem>>, vector<16xf32>,
            %mul3A_878 = arith.mulf %get3A_877, %get3A_816 : vector<16xf32>
            %add3A_879 = arith.addf %scan3A_805, %mul3A_878 : vector<16xf32>
            %add3A_880 = arith.constant 9 : i32
            %add3A_881 = arith.addi %mul3A_657, %add3A_880 : i32
            %get3A_882 = arith.index_cast %add3A_881 : i32 to index
            %get3A_883 = arith.index_cast %multiple_of3A : i32 to index
            %get3A_884 = tpu.vector_load %arg7[%get3A_882, %get3A_883] {strides = array<i32>} : memref<112x512xf32, #tpu.memory_space<vmem>>, vector<16xf32>,
            %mul3A_885 = arith.mulf %get3A_884, %get3A_816 : vector<16xf32>
            %add3A_886 = arith.addf %scan3A_806, %mul3A_885 : vector<16xf32>
            %add3A_887 = arith.constant 10 : i32
            %add3A_888 = arith.addi %mul3A_657, %add3A_887 : i32
            %get3A_889 = arith.index_cast %add3A_888 : i32 to index
            %get3A_890 = arith.index_cast %multiple_of3A : i32 to index
            %get3A_891 = tpu.vector_load %arg7[%get3A_889, %get3A_890] {strides = array<i32>} : memref<112x512xf32, #tpu.memory_space<vmem>>, vector<16xf32>,
            %mul3A_892 = arith.mulf %get3A_891, %get3A_816 : vector<16xf32>
            %add3A_893 = arith.addf %scan3A_807, %mul3A_892 : vector<16xf32>
            %add3A_894 = arith.constant 11 : i32
            %add3A_895 = arith.addi %mul3A_657, %add3A_894 : i32
            %get3A_896 = arith.index_cast %add3A_895 : i32 to index
            %get3A_897 = arith.index_cast %multiple_of3A : i32 to index
            %get3A_898 = tpu.vector_load %arg7[%get3A_896, %get3A_897] {strides = array<i32>} : memref<112x512xf32, #tpu.memory_space<vmem>>, vector<16xf32>,
            %mul3A_899 = arith.mulf %get3A_898, %get3A_816 : vector<16xf32>
            %add3A_900 = arith.addf %scan3A_808, %mul3A_899 : vector<16xf32>
            %add3A_901 = arith.constant 12 : i32
            %add3A_902 = arith.addi %mul3A_657, %add3A_901 : i32
            %get3A_903 = arith.index_cast %add3A_902 : i32 to index
            %get3A_904 = arith.index_cast %multiple_of3A : i32 to index
            %get3A_905 = tpu.vector_load %arg7[%get3A_903, %get3A_904] {strides = array<i32>} : memref<112x512xf32, #tpu.memory_space<vmem>>, vector<16xf32>,
            %mul3A_906 = arith.mulf %get3A_905, %get3A_816 : vector<16xf32>
            %add3A_907 = arith.addf %scan3A_809, %mul3A_906 : vector<16xf32>
            %add3A_908 = arith.constant 13 : i32
            %add3A_909 = arith.addi %mul3A_657, %add3A_908 : i32
            %get3A_910 = arith.index_cast %add3A_909 : i32 to index
            %get3A_911 = arith.index_cast %multiple_of3A : i32 to index
            %get3A_912 = tpu.vector_load %arg7[%get3A_910, %get3A_911] {strides = array<i32>} : memref<112x512xf32, #tpu.memory_space<vmem>>, vector<16xf32>,
            %mul3A_913 = arith.mulf %get3A_912, %get3A_816 : vector<16xf32>
            %add3A_914 = arith.addf %scan3A_810, %mul3A_913 : vector<16xf32>
            %add3A_915 = arith.constant 14 : i32
            %add3A_916 = arith.addi %mul3A_657, %add3A_915 : i32
            %get3A_917 = arith.index_cast %add3A_916 : i32 to index
            %get3A_918 = arith.index_cast %multiple_of3A : i32 to index
            %get3A_919 = tpu.vector_load %arg7[%get3A_917, %get3A_918] {strides = array<i32>} : memref<112x512xf32, #tpu.memory_space<vmem>>, vector<16xf32>,
            %mul3A_920 = arith.mulf %get3A_919, %get3A_816 : vector<16xf32>
            %add3A_921 = arith.addf %scan3A_811, %mul3A_920 : vector<16xf32>
            %add3A_922 = arith.constant 15 : i32
            %add3A_923 = arith.addi %mul3A_657, %add3A_922 : i32
            %get3A_924 = arith.index_cast %add3A_923 : i32 to index
            %get3A_925 = arith.index_cast %multiple_of3A : i32 to index
            %get3A_926 = tpu.vector_load %arg7[%get3A_924, %get3A_925] {strides = array<i32>} : memref<112x512xf32, #tpu.memory_space<vmem>>, vector<16xf32>,
            %mul3A_927 = arith.mulf %get3A_926, %get3A_816 : vector<16xf32>
            %add3A_928 = arith.addf %scan3A_812, %mul3A_927 : vector<16xf32>
            scf.yield %add3A_823, %add3A_830, %add3A_837, %add3A_844, %add3A_851, %add3A_858, %add3A_865, %add3A_872, %add3A_879, %add3A_886, %add3A_893, %add3A_900, %add3A_907, %add3A_914, %add3A_921, %add3A_928 : vector<16xf32>, vector<16xf32>, vector<16xf32>, vector<16xf32>, vector<16xf32>, vector<16xf32>, vector<16xf32>, vector<16xf32>, vector<16xf32>, vector<16xf32>, vector<16xf32>, vector<16xf32>, vector<16xf32>, vector<16xf32>, vector<16xf32>, vector<16xf32>
          }
          %scan3A_663 = arith.constant 32 : i32
          %swap3A_664 = arith.constant 0 : index
          %swap3A_665 = tpu.vector_load %arg13[%swap3A_664] {strides = array<i32>} : memref<256xf32, #tpu.memory_space<vmem>>, vector<16xf32>,
          tpu.vector_store %arg13[%swap3A_664], %scan3A_662#0 {strides = array<i32>} : memref<256xf32, #tpu.memory_space<vmem>>, vector<16xf32>,
          %swap3A_666 = arith.constant 16 : index
          %swap3A_667 = tpu.vector_load %arg13[%swap3A_666] {strides = array<i32>} : memref<256xf32, #tpu.memory_space<vmem>>, vector<16xf32>,
          tpu.vector_store %arg13[%swap3A_666], %scan3A_662#1 {strides = array<i32>} : memref<256xf32, #tpu.memory_space<vmem>>, vector<16xf32>,
          %swap3A_668 = arith.constant 32 : index
          %swap3A_669 = tpu.vector_load %arg13[%swap3A_668] {strides = array<i32>} : memref<256xf32, #tpu.memory_space<vmem>>, vector<16xf32>,
          tpu.vector_store %arg13[%swap3A_668], %scan3A_662#2 {strides = array<i32>} : memref<256xf32, #tpu.memory_space<vmem>>, vector<16xf32>,
          %swap3A_670 = arith.constant 48 : index
          %swap3A_671 = tpu.vector_load %arg13[%swap3A_670] {strides = array<i32>} : memref<256xf32, #tpu.memory_space<vmem>>, vector<16xf32>,
          tpu.vector_store %arg13[%swap3A_670], %scan3A_662#3 {strides = array<i32>} : memref<256xf32, #tpu.memory_space<vmem>>, vector<16xf32>,
          %swap3A_672 = arith.constant 64 : index
          %swap3A_673 = tpu.vector_load %arg13[%swap3A_672] {strides = array<i32>} : memref<256xf32, #tpu.memory_space<vmem>>, vector<16xf32>,
          tpu.vector_store %arg13[%swap3A_672], %scan3A_662#4 {strides = array<i32>} : memref<256xf32, #tpu.memory_space<vmem>>, vector<16xf32>,
          %swap3A_674 = arith.constant 80 : index
          %swap3A_675 = tpu.vector_load %arg13[%swap3A_674] {strides = array<i32>} : memref<256xf32, #tpu.memory_space<vmem>>, vector<16xf32>,
          tpu.vector_store %arg13[%swap3A_674], %scan3A_662#5 {strides = array<i32>} : memref<256xf32, #tpu.memory_space<vmem>>, vector<16xf32>,
          %swap3A_676 = arith.constant 96 : index
          %swap3A_677 = tpu.vector_load %arg13[%swap3A_676] {strides = array<i32>} : memref<256xf32, #tpu.memory_space<vmem>>, vector<16xf32>,
          tpu.vector_store %arg13[%swap3A_676], %scan3A_662#6 {strides = array<i32>} : memref<256xf32, #tpu.memory_space<vmem>>, vector<16xf32>,
          %swap3A_678 = arith.constant 112 : index
          %swap3A_679 = tpu.vector_load %arg13[%swap3A_678] {strides = array<i32>} : memref<256xf32, #tpu.memory_space<vmem>>, vector<16xf32>,
          tpu.vector_store %arg13[%swap3A_678], %scan3A_662#7 {strides = array<i32>} : memref<256xf32, #tpu.memory_space<vmem>>, vector<16xf32>,
          %swap3A_680 = arith.constant 128 : index
          %swap3A_681 = tpu.vector_load %arg13[%swap3A_680] {strides = array<i32>} : memref<256xf32, #tpu.memory_space<vmem>>, vector<16xf32>,
          tpu.vector_store %arg13[%swap3A_680], %scan3A_662#8 {strides = array<i32>} : memref<256xf32, #tpu.memory_space<vmem>>, vector<16xf32>,
          %swap3A_682 = arith.constant 144 : index
          %swap3A_683 = tpu.vector_load %arg13[%swap3A_682] {strides = array<i32>} : memref<256xf32, #tpu.memory_space<vmem>>, vector<16xf32>,
          tpu.vector_store %arg13[%swap3A_682], %scan3A_662#9 {strides = array<i32>} : memref<256xf32, #tpu.memory_space<vmem>>, vector<16xf32>,
          %swap3A_684 = arith.constant 160 : index
          %swap3A_685 = tpu.vector_load %arg13[%swap3A_684] {strides = array<i32>} : memref<256xf32, #tpu.memory_space<vmem>>, vector<16xf32>,
          tpu.vector_store %arg13[%swap3A_684], %scan3A_662#10 {strides = array<i32>} : memref<256xf32, #tpu.memory_space<vmem>>, vector<16xf32>,
          %swap3A_686 = arith.constant 176 : index
          %swap3A_687 = tpu.vector_load %arg13[%swap3A_686] {strides = array<i32>} : memref<256xf32, #tpu.memory_space<vmem>>, vector<16xf32>,
          tpu.vector_store %arg13[%swap3A_686], %scan3A_662#11 {strides = array<i32>} : memref<256xf32, #tpu.memory_space<vmem>>, vector<16xf32>,
          %swap3A_688 = arith.constant 192 : index
          %swap3A_689 = tpu.vector_load %arg13[%swap3A_688] {strides = array<i32>} : memref<256xf32, #tpu.memory_space<vmem>>, vector<16xf32>,
          tpu.vector_store %arg13[%swap3A_688], %scan3A_662#12 {strides = array<i32>} : memref<256xf32, #tpu.memory_space<vmem>>, vector<16xf32>,
          %swap3A_690 = arith.constant 208 : index
          %swap3A_691 = tpu.vector_load %arg13[%swap3A_690] {strides = array<i32>} : memref<256xf32, #tpu.memory_space<vmem>>, vector<16xf32>,
          tpu.vector_store %arg13[%swap3A_690], %scan3A_662#13 {strides = array<i32>} : memref<256xf32, #tpu.memory_space<vmem>>, vector<16xf32>,
          %swap3A_692 = arith.constant 224 : index
          %swap3A_693 = tpu.vector_load %arg13[%swap3A_692] {strides = array<i32>} : memref<256xf32, #tpu.memory_space<vmem>>, vector<16xf32>,
          tpu.vector_store %arg13[%swap3A_692], %scan3A_662#14 {strides = array<i32>} : memref<256xf32, #tpu.memory_space<vmem>>, vector<16xf32>,
          %swap3A_694 = arith.constant 240 : index
          %swap3A_695 = tpu.vector_load %arg13[%swap3A_694] {strides = array<i32>} : memref<256xf32, #tpu.memory_space<vmem>>, vector<16xf32>,
          tpu.vector_store %arg13[%swap3A_694], %scan3A_662#15 {strides = array<i32>} : memref<256xf32, #tpu.memory_space<vmem>>, vector<16xf32>,
          %gather3A = tpu.vector_load_idx %arg13[%add3A_431] : memref<256xf32, #tpu.memory_space<vmem>>[vector<16xi32>], vector<16xf32>,
          %gather3A_696 = tpu.vector_load_idx %arg13[%add3A_434] : memref<256xf32, #tpu.memory_space<vmem>>[vector<16xi32>], vector<16xf32>,
          %add3A_697 = arith.addf %gather3A, %gather3A_696 : vector<16xf32>
          %gather3A_698 = tpu.vector_load_idx %arg13[%add3A_437] : memref<256xf32, #tpu.memory_space<vmem>>[vector<16xi32>], vector<16xf32>,
          %add3A_699 = arith.addf %add3A_697, %gather3A_698 : vector<16xf32>
          %gather3A_700 = tpu.vector_load_idx %arg13[%add3A_440] : memref<256xf32, #tpu.memory_space<vmem>>[vector<16xi32>], vector<16xf32>,
          %add3A_701 = arith.addf %add3A_699, %gather3A_700 : vector<16xf32>
          %gather3A_702 = tpu.vector_load_idx %arg13[%add3A_443] : memref<256xf32, #tpu.memory_space<vmem>>[vector<16xi32>], vector<16xf32>,
          %add3A_703 = arith.addf %add3A_701, %gather3A_702 : vector<16xf32>
          %gather3A_704 = tpu.vector_load_idx %arg13[%add3A_446] : memref<256xf32, #tpu.memory_space<vmem>>[vector<16xi32>], vector<16xf32>,
          %add3A_705 = arith.addf %add3A_703, %gather3A_704 : vector<16xf32>
          %gather3A_706 = tpu.vector_load_idx %arg13[%add3A_449] : memref<256xf32, #tpu.memory_space<vmem>>[vector<16xi32>], vector<16xf32>,
          %add3A_707 = arith.addf %add3A_705, %gather3A_706 : vector<16xf32>
          %gather3A_708 = tpu.vector_load_idx %arg13[%add3A_452] : memref<256xf32, #tpu.memory_space<vmem>>[vector<16xi32>], vector<16xf32>,
          %add3A_709 = arith.addf %add3A_707, %gather3A_708 : vector<16xf32>
          %gather3A_710 = tpu.vector_load_idx %arg13[%add3A_455] : memref<256xf32, #tpu.memory_space<vmem>>[vector<16xi32>], vector<16xf32>,
          %add3A_711 = arith.addf %add3A_709, %gather3A_710 : vector<16xf32>
          %gather3A_712 = tpu.vector_load_idx %arg13[%add3A_458] : memref<256xf32, #tpu.memory_space<vmem>>[vector<16xi32>], vector<16xf32>,
          %add3A_713 = arith.addf %add3A_711, %gather3A_712 : vector<16xf32>
          %gather3A_714 = tpu.vector_load_idx %arg13[%add3A_461] : memref<256xf32, #tpu.memory_space<vmem>>[vector<16xi32>], vector<16xf32>,
          %add3A_715 = arith.addf %add3A_713, %gather3A_714 : vector<16xf32>
          %gather3A_716 = tpu.vector_load_idx %arg13[%add3A_464] : memref<256xf32, #tpu.memory_space<vmem>>[vector<16xi32>], vector<16xf32>,
          %add3A_717 = arith.addf %add3A_715, %gather3A_716 : vector<16xf32>
          %gather3A_718 = tpu.vector_load_idx %arg13[%add3A_467] : memref<256xf32, #tpu.memory_space<vmem>>[vector<16xi32>], vector<16xf32>,
          %add3A_719 = arith.addf %add3A_717, %gather3A_718 : vector<16xf32>
          %gather3A_720 = tpu.vector_load_idx %arg13[%add3A_470] : memref<256xf32, #tpu.memory_space<vmem>>[vector<16xi32>], vector<16xf32>,
          %add3A_721 = arith.addf %add3A_719, %gather3A_720 : vector<16xf32>
          %gather3A_722 = tpu.vector_load_idx %arg13[%add3A_473] : memref<256xf32, #tpu.memory_space<vmem>>[vector<16xi32>], vector<16xf32>,
          %add3A_723 = arith.addf %add3A_721, %gather3A_722 : vector<16xf32>
          %gather3A_724 = tpu.vector_load_idx %arg13[%add3A_476] : memref<256xf32, #tpu.memory_space<vmem>>[vector<16xi32>], vector<16xf32>,
          %add3A_725 = arith.addf %add3A_723, %gather3A_724 : vector<16xf32>
          %add3A_726 = arith.addf %add3A_725, %get3A_5 : vector<16xf32>
          %mul3A_727 = arith.constant 112 : i32
          %mul3A_728 = arith.muli %mul3A_648, %mul3A_727 : i32
          %add3A_729 = arith.addi %mul3A_2, %mul3A_728 : i32
          %add3A_730 = arith.addi %add3A_729, %mul3A_657 : i32
          %add3A_731 = vector.broadcast %add3A_730 : i32 to vector<16xi32>
          %add3A_732 = arith.addi %iota3A, %add3A_731 : vector<16xi32>
          %broadcast_in_dim3A_733 = arith.constant 0 : i32
          %broadcast_in_dim3A_734 = vector.broadcast %broadcast_in_dim3A_733 : i32 to vector<16xi32>
          %add3A_735 = arith.constant 256 : i32
          %add3A_736 = vector.broadcast %add3A_735 : i32 to vector<16xi32>
          %add3A_737 = arith.addi %broadcast_in_dim3A_734, %add3A_736 : vector<16xi32>
          %min3A = arith.minsi %add3A_737, %broadcast_in_dim3A_478 : vector<16xi32>
          %gather3A_738 = tpu.vector_load_idx %arg10[%min3A] : memref<464xi32, #tpu.memory_space<vmem>>[vector<16xi32>], vector<16xi32>,
          %le3A = arith.cmpi sle, %gather3A_738, %add3A_732 : vector<16xi32>
          %select_n3A_739 = arith.select %le3A, %min3A, %broadcast_in_dim3A_734 : vector<16xi1>, vector<16xi32>
          %add3A_740 = arith.constant 128 : i32
          %add3A_741 = vector.broadcast %add3A_740 : i32 to vector<16xi32>
          %add3A_742 = arith.addi %select_n3A_739, %add3A_741 : vector<16xi32>
          %min3A_743 = arith.minsi %add3A_742, %broadcast_in_dim3A_478 : vector<16xi32>
          %gather3A_744 = tpu.vector_load_idx %arg10[%min3A_743] : memref<464xi32, #tpu.memory_space<vmem>>[vector<16xi32>], vector<16xi32>,
          %le3A_745 = arith.cmpi sle, %gather3A_744, %add3A_732 : vector<16xi32>
          %select_n3A_746 = arith.select %le3A_745, %min3A_743, %select_n3A_739 : vector<16xi1>, vector<16xi32>
          %add3A_747 = arith.constant 64 : i32
          %add3A_748 = vector.broadcast %add3A_747 : i32 to vector<16xi32>
          %add3A_749 = arith.addi %select_n3A_746, %add3A_748 : vector<16xi32>
          %min3A_750 = arith.minsi %add3A_749, %broadcast_in_dim3A_478 : vector<16xi32>
          %gather3A_751 = tpu.vector_load_idx %arg10[%min3A_750] : memref<464xi32, #tpu.memory_space<vmem>>[vector<16xi32>], vector<16xi32>,
          %le3A_752 = arith.cmpi sle, %gather3A_751, %add3A_732 : vector<16xi32>
          %select_n3A_753 = arith.select %le3A_752, %min3A_750, %select_n3A_746 : vector<16xi1>, vector<16xi32>
          %add3A_754 = arith.constant 32 : i32
          %add3A_755 = vector.broadcast %add3A_754 : i32 to vector<16xi32>
          %add3A_756 = arith.addi %select_n3A_753, %add3A_755 : vector<16xi32>
          %min3A_757 = arith.minsi %add3A_756, %broadcast_in_dim3A_478 : vector<16xi32>
          %gather3A_758 = tpu.vector_load_idx %arg10[%min3A_757] : memref<464xi32, #tpu.memory_space<vmem>>[vector<16xi32>], vector<16xi32>,
          %le3A_759 = arith.cmpi sle, %gather3A_758, %add3A_732 : vector<16xi32>
          %select_n3A_760 = arith.select %le3A_759, %min3A_757, %select_n3A_753 : vector<16xi1>, vector<16xi32>
          %add3A_761 = arith.constant 16 : i32
          %add3A_762 = vector.broadcast %add3A_761 : i32 to vector<16xi32>
          %add3A_763 = arith.addi %select_n3A_760, %add3A_762 : vector<16xi32>
          %min3A_764 = arith.minsi %add3A_763, %broadcast_in_dim3A_478 : vector<16xi32>
          %gather3A_765 = tpu.vector_load_idx %arg10[%min3A_764] : memref<464xi32, #tpu.memory_space<vmem>>[vector<16xi32>], vector<16xi32>,
          %le3A_766 = arith.cmpi sle, %gather3A_765, %add3A_732 : vector<16xi32>
          %select_n3A_767 = arith.select %le3A_766, %min3A_764, %select_n3A_760 : vector<16xi1>, vector<16xi32>
          %add3A_768 = arith.constant 8 : i32
          %add3A_769 = vector.broadcast %add3A_768 : i32 to vector<16xi32>
          %add3A_770 = arith.addi %select_n3A_767, %add3A_769 : vector<16xi32>
          %min3A_771 = arith.minsi %add3A_770, %broadcast_in_dim3A_478 : vector<16xi32>
          %gather3A_772 = tpu.vector_load_idx %arg10[%min3A_771] : memref<464xi32, #tpu.memory_space<vmem>>[vector<16xi32>], vector<16xi32>,
          %le3A_773 = arith.cmpi sle, %gather3A_772, %add3A_732 : vector<16xi32>
          %select_n3A_774 = arith.select %le3A_773, %min3A_771, %select_n3A_767 : vector<16xi1>, vector<16xi32>
          %add3A_775 = arith.constant 4 : i32
          %add3A_776 = vector.broadcast %add3A_775 : i32 to vector<16xi32>
          %add3A_777 = arith.addi %select_n3A_774, %add3A_776 : vector<16xi32>
          %min3A_778 = arith.minsi %add3A_777, %broadcast_in_dim3A_478 : vector<16xi32>
          %gather3A_779 = tpu.vector_load_idx %arg10[%min3A_778] : memref<464xi32, #tpu.memory_space<vmem>>[vector<16xi32>], vector<16xi32>,
          %le3A_780 = arith.cmpi sle, %gather3A_779, %add3A_732 : vector<16xi32>
          %select_n3A_781 = arith.select %le3A_780, %min3A_778, %select_n3A_774 : vector<16xi1>, vector<16xi32>
          %add3A_782 = arith.constant 2 : i32
          %add3A_783 = vector.broadcast %add3A_782 : i32 to vector<16xi32>
          %add3A_784 = arith.addi %select_n3A_781, %add3A_783 : vector<16xi32>
          %min3A_785 = arith.minsi %add3A_784, %broadcast_in_dim3A_478 : vector<16xi32>
          %gather3A_786 = tpu.vector_load_idx %arg10[%min3A_785] : memref<464xi32, #tpu.memory_space<vmem>>[vector<16xi32>], vector<16xi32>,
          %le3A_787 = arith.cmpi sle, %gather3A_786, %add3A_732 : vector<16xi32>
          %select_n3A_788 = arith.select %le3A_787, %min3A_785, %select_n3A_781 : vector<16xi1>, vector<16xi32>
          %add3A_789 = arith.constant 1 : i32
          %add3A_790 = vector.broadcast %add3A_789 : i32 to vector<16xi32>
          %add3A_791 = arith.addi %select_n3A_788, %add3A_790 : vector<16xi32>
          %min3A_792 = arith.minsi %add3A_791, %broadcast_in_dim3A_478 : vector<16xi32>
          %gather3A_793 = tpu.vector_load_idx %arg10[%min3A_792] : memref<464xi32, #tpu.memory_space<vmem>>[vector<16xi32>], vector<16xi32>,
          %le3A_794 = arith.cmpi sle, %gather3A_793, %add3A_732 : vector<16xi32>
          %select_n3A_795 = arith.select %le3A_794, %min3A_792, %select_n3A_788 : vector<16xi1>, vector<16xi32>
          tpu.vector_store_idx %arg14[%select_n3A_795], %add3A_726 {add = true} : memref<448xf32, #tpu.memory_space<vmem>>[vector<16xi32>], vector<16xf32>,
        }
        %scan3A_654 = arith.constant 7 : i32
      } else {
      }
      %lt3A_631 = arith.cmpi slt, %add3A_620, %select_n3A : i32
      %convert_element_type3A_632 = arith.extui %lt3A_631 : i1 to i32
      %cond3A_633 = arith.constant 0 : i32
      %cond3A_634 = arith.cmpi ne, %convert_element_type3A_632, %cond3A_633 : i32
      scf.if %cond3A_634 {
        %mul3A_639 = arith.constant 112 : i32
        %mul3A_640 = arith.muli %add3A_620, %mul3A_639 : i32
        %add3A_641 = arith.addi %mul3A_2, %mul3A_640 : i32
        %dma_start3A_642 = arith.constant 0 : i32
        %dma_start3A_643 = tpu.memref_slice %arg2[%add3A_641, %dma_start3A_642] : memref<100128x512xf32, #tpu.memory_space<hbm>> -> memref<112x512xf32, #tpu.memory_space<hbm>>
        %dma_start3A_644 = arith.constant 0 : i32
        %dma_start3A_645 = tpu.memref_slice %arg2[%add3A_641, %dma_start3A_644] : memref<100128x512xf32, #tpu.memory_space<hbm>> -> memref<112x512xf32, #tpu.memory_space<hbm>>
        tpu.enqueue_dma source(%dma_start3A_645 : memref<112x512xf32, #tpu.memory_space<hbm>>) target(%arg7 : memref<112x512xf32, #tpu.memory_space<vmem>>) target_semaphore(%arg17 : memref<!tpu.dma_semaphore, #tpu.memory_space<semaphore_mem>>)
      } else {
      }
      %lt3A_635 = arith.cmpi slt, %add3A_616, %select_n3A : i32
      %convert_element_type3A_636 = arith.extui %lt3A_635 : i1 to i32
      %cond3A_637 = arith.constant 0 : i32
      %cond3A_638 = arith.cmpi ne, %convert_element_type3A_636, %cond3A_637 : i32
      scf.if %cond3A_638 {
        %mul3A_639 = arith.constant 112 : i32
        %mul3A_640 = arith.muli %add3A_616, %mul3A_639 : i32
        %add3A_641 = arith.addi %mul3A_2, %mul3A_640 : i32
        %dma_wait3A = arith.constant 0 : i32
        %dma_wait3A_642 = tpu.memref_slice %arg2[%add3A_641, %dma_wait3A] : memref<100128x512xf32, #tpu.memory_space<hbm>> -> memref<112x512xf32, #tpu.memory_space<hbm>>
        %dma_wait3A_643 = arith.constant 0 : i32
        %dma_wait3A_644 = tpu.memref_slice %arg2[%add3A_641, %dma_wait3A_643] : memref<100128x512xf32, #tpu.memory_space<hbm>> -> memref<112x512xf32, #tpu.memory_space<hbm>>
        tpu.wait_dma2 semaphore(%arg18 : memref<!tpu.dma_semaphore, #tpu.memory_space<semaphore_mem>>) src(%dma_wait3A_644 : memref<112x512xf32, #tpu.memory_space<hbm>>) dst(%arg8 : memref<112x512xf32, #tpu.memory_space<vmem>>)
        %scan3A_645 = arith.constant 0 : i32
        %scan3A_646 = arith.constant 0 : i32
        %scan3A_647 = arith.constant 7 : i32
        %scan3A_648 = arith.addi %scan3A_646, %scan3A_647 : i32
        %scan3A_649 = arith.constant 1 : i32
        scf.for %scan3A_651 = %scan3A_646 to %scan3A_648 step %scan3A_649  : i32 {
          %mul3A_652 = arith.constant 16 : i32
          %mul3A_653 = arith.muli %scan3A_651, %mul3A_652 : i32
          %scan3A_654 = arith.constant 0 : i32
          %scan3A_655 = arith.constant 32 : i32
          %scan3A_656 = arith.addi %scan3A_654, %scan3A_655 : i32
          %scan3A_657 = arith.constant 1 : i32
          %scan3A_658:16 = scf.for %scan3A_792 = %scan3A_654 to %scan3A_656 step %scan3A_657 iter_args(%scan3A_793 = %broadcast_in_dim3A_6, %scan3A_794 = %broadcast_in_dim3A_6, %scan3A_795 = %broadcast_in_dim3A_6, %scan3A_796 = %broadcast_in_dim3A_6, %scan3A_797 = %broadcast_in_dim3A_6, %scan3A_798 = %broadcast_in_dim3A_6, %scan3A_799 = %broadcast_in_dim3A_6, %scan3A_800 = %broadcast_in_dim3A_6, %scan3A_801 = %broadcast_in_dim3A_6, %scan3A_802 = %broadcast_in_dim3A_6, %scan3A_803 = %broadcast_in_dim3A_6, %scan3A_804 = %broadcast_in_dim3A_6, %scan3A_805 = %broadcast_in_dim3A_6, %scan3A_806 = %broadcast_in_dim3A_6, %scan3A_807 = %broadcast_in_dim3A_6, %scan3A_808 = %broadcast_in_dim3A_6) -> (vector<16xf32>, vector<16xf32>, vector<16xf32>, vector<16xf32>, vector<16xf32>, vector<16xf32>, vector<16xf32>, vector<16xf32>, vector<16xf32>, vector<16xf32>, vector<16xf32>, vector<16xf32>, vector<16xf32>, vector<16xf32>, vector<16xf32>, vector<16xf32>)  : i32 {
            %mul3A_809 = arith.constant 16 : i32
            %mul3A_810 = arith.muli %scan3A_792, %mul3A_809 : i32
            %multiple_of3A = tpu.assume_multiple %mul3A_810, 16 : i32
            %get3A_811 = arith.index_cast %multiple_of3A : i32 to index
            %get3A_812 = tpu.vector_load %arg11[%get3A_811] {strides = array<i32>} : memref<512xf32, #tpu.memory_space<vmem>>, vector<16xf32>,
            %add3A_813 = arith.constant 0 : i32
            %add3A_814 = arith.addi %mul3A_653, %add3A_813 : i32
            %get3A_815 = arith.index_cast %add3A_814 : i32 to index
            %get3A_816 = arith.index_cast %multiple_of3A : i32 to index
            %get3A_817 = tpu.vector_load %arg8[%get3A_815, %get3A_816] {strides = array<i32>} : memref<112x512xf32, #tpu.memory_space<vmem>>, vector<16xf32>,
            %mul3A_818 = arith.mulf %get3A_817, %get3A_812 : vector<16xf32>
            %add3A_819 = arith.addf %scan3A_793, %mul3A_818 : vector<16xf32>
            %add3A_820 = arith.constant 1 : i32
            %add3A_821 = arith.addi %mul3A_653, %add3A_820 : i32
            %get3A_822 = arith.index_cast %add3A_821 : i32 to index
            %get3A_823 = arith.index_cast %multiple_of3A : i32 to index
            %get3A_824 = tpu.vector_load %arg8[%get3A_822, %get3A_823] {strides = array<i32>} : memref<112x512xf32, #tpu.memory_space<vmem>>, vector<16xf32>,
            %mul3A_825 = arith.mulf %get3A_824, %get3A_812 : vector<16xf32>
            %add3A_826 = arith.addf %scan3A_794, %mul3A_825 : vector<16xf32>
            %add3A_827 = arith.constant 2 : i32
            %add3A_828 = arith.addi %mul3A_653, %add3A_827 : i32
            %get3A_829 = arith.index_cast %add3A_828 : i32 to index
            %get3A_830 = arith.index_cast %multiple_of3A : i32 to index
            %get3A_831 = tpu.vector_load %arg8[%get3A_829, %get3A_830] {strides = array<i32>} : memref<112x512xf32, #tpu.memory_space<vmem>>, vector<16xf32>,
            %mul3A_832 = arith.mulf %get3A_831, %get3A_812 : vector<16xf32>
            %add3A_833 = arith.addf %scan3A_795, %mul3A_832 : vector<16xf32>
            %add3A_834 = arith.constant 3 : i32
            %add3A_835 = arith.addi %mul3A_653, %add3A_834 : i32
            %get3A_836 = arith.index_cast %add3A_835 : i32 to index
            %get3A_837 = arith.index_cast %multiple_of3A : i32 to index
            %get3A_838 = tpu.vector_load %arg8[%get3A_836, %get3A_837] {strides = array<i32>} : memref<112x512xf32, #tpu.memory_space<vmem>>, vector<16xf32>,
            %mul3A_839 = arith.mulf %get3A_838, %get3A_812 : vector<16xf32>
            %add3A_840 = arith.addf %scan3A_796, %mul3A_839 : vector<16xf32>
            %add3A_841 = arith.constant 4 : i32
            %add3A_842 = arith.addi %mul3A_653, %add3A_841 : i32
            %get3A_843 = arith.index_cast %add3A_842 : i32 to index
            %get3A_844 = arith.index_cast %multiple_of3A : i32 to index
            %get3A_845 = tpu.vector_load %arg8[%get3A_843, %get3A_844] {strides = array<i32>} : memref<112x512xf32, #tpu.memory_space<vmem>>, vector<16xf32>,
            %mul3A_846 = arith.mulf %get3A_845, %get3A_812 : vector<16xf32>
            %add3A_847 = arith.addf %scan3A_797, %mul3A_846 : vector<16xf32>
            %add3A_848 = arith.constant 5 : i32
            %add3A_849 = arith.addi %mul3A_653, %add3A_848 : i32
            %get3A_850 = arith.index_cast %add3A_849 : i32 to index
            %get3A_851 = arith.index_cast %multiple_of3A : i32 to index
            %get3A_852 = tpu.vector_load %arg8[%get3A_850, %get3A_851] {strides = array<i32>} : memref<112x512xf32, #tpu.memory_space<vmem>>, vector<16xf32>,
            %mul3A_853 = arith.mulf %get3A_852, %get3A_812 : vector<16xf32>
            %add3A_854 = arith.addf %scan3A_798, %mul3A_853 : vector<16xf32>
            %add3A_855 = arith.constant 6 : i32
            %add3A_856 = arith.addi %mul3A_653, %add3A_855 : i32
            %get3A_857 = arith.index_cast %add3A_856 : i32 to index
            %get3A_858 = arith.index_cast %multiple_of3A : i32 to index
            %get3A_859 = tpu.vector_load %arg8[%get3A_857, %get3A_858] {strides = array<i32>} : memref<112x512xf32, #tpu.memory_space<vmem>>, vector<16xf32>,
            %mul3A_860 = arith.mulf %get3A_859, %get3A_812 : vector<16xf32>
            %add3A_861 = arith.addf %scan3A_799, %mul3A_860 : vector<16xf32>
            %add3A_862 = arith.constant 7 : i32
            %add3A_863 = arith.addi %mul3A_653, %add3A_862 : i32
            %get3A_864 = arith.index_cast %add3A_863 : i32 to index
            %get3A_865 = arith.index_cast %multiple_of3A : i32 to index
            %get3A_866 = tpu.vector_load %arg8[%get3A_864, %get3A_865] {strides = array<i32>} : memref<112x512xf32, #tpu.memory_space<vmem>>, vector<16xf32>,
            %mul3A_867 = arith.mulf %get3A_866, %get3A_812 : vector<16xf32>
            %add3A_868 = arith.addf %scan3A_800, %mul3A_867 : vector<16xf32>
            %add3A_869 = arith.constant 8 : i32
            %add3A_870 = arith.addi %mul3A_653, %add3A_869 : i32
            %get3A_871 = arith.index_cast %add3A_870 : i32 to index
            %get3A_872 = arith.index_cast %multiple_of3A : i32 to index
            %get3A_873 = tpu.vector_load %arg8[%get3A_871, %get3A_872] {strides = array<i32>} : memref<112x512xf32, #tpu.memory_space<vmem>>, vector<16xf32>,
            %mul3A_874 = arith.mulf %get3A_873, %get3A_812 : vector<16xf32>
            %add3A_875 = arith.addf %scan3A_801, %mul3A_874 : vector<16xf32>
            %add3A_876 = arith.constant 9 : i32
            %add3A_877 = arith.addi %mul3A_653, %add3A_876 : i32
            %get3A_878 = arith.index_cast %add3A_877 : i32 to index
            %get3A_879 = arith.index_cast %multiple_of3A : i32 to index
            %get3A_880 = tpu.vector_load %arg8[%get3A_878, %get3A_879] {strides = array<i32>} : memref<112x512xf32, #tpu.memory_space<vmem>>, vector<16xf32>,
            %mul3A_881 = arith.mulf %get3A_880, %get3A_812 : vector<16xf32>
            %add3A_882 = arith.addf %scan3A_802, %mul3A_881 : vector<16xf32>
            %add3A_883 = arith.constant 10 : i32
            %add3A_884 = arith.addi %mul3A_653, %add3A_883 : i32
            %get3A_885 = arith.index_cast %add3A_884 : i32 to index
            %get3A_886 = arith.index_cast %multiple_of3A : i32 to index
            %get3A_887 = tpu.vector_load %arg8[%get3A_885, %get3A_886] {strides = array<i32>} : memref<112x512xf32, #tpu.memory_space<vmem>>, vector<16xf32>,
            %mul3A_888 = arith.mulf %get3A_887, %get3A_812 : vector<16xf32>
            %add3A_889 = arith.addf %scan3A_803, %mul3A_888 : vector<16xf32>
            %add3A_890 = arith.constant 11 : i32
            %add3A_891 = arith.addi %mul3A_653, %add3A_890 : i32
            %get3A_892 = arith.index_cast %add3A_891 : i32 to index
            %get3A_893 = arith.index_cast %multiple_of3A : i32 to index
            %get3A_894 = tpu.vector_load %arg8[%get3A_892, %get3A_893] {strides = array<i32>} : memref<112x512xf32, #tpu.memory_space<vmem>>, vector<16xf32>,
            %mul3A_895 = arith.mulf %get3A_894, %get3A_812 : vector<16xf32>
            %add3A_896 = arith.addf %scan3A_804, %mul3A_895 : vector<16xf32>
            %add3A_897 = arith.constant 12 : i32
            %add3A_898 = arith.addi %mul3A_653, %add3A_897 : i32
            %get3A_899 = arith.index_cast %add3A_898 : i32 to index
            %get3A_900 = arith.index_cast %multiple_of3A : i32 to index
            %get3A_901 = tpu.vector_load %arg8[%get3A_899, %get3A_900] {strides = array<i32>} : memref<112x512xf32, #tpu.memory_space<vmem>>, vector<16xf32>,
            %mul3A_902 = arith.mulf %get3A_901, %get3A_812 : vector<16xf32>
            %add3A_903 = arith.addf %scan3A_805, %mul3A_902 : vector<16xf32>
            %add3A_904 = arith.constant 13 : i32
            %add3A_905 = arith.addi %mul3A_653, %add3A_904 : i32
            %get3A_906 = arith.index_cast %add3A_905 : i32 to index
            %get3A_907 = arith.index_cast %multiple_of3A : i32 to index
            %get3A_908 = tpu.vector_load %arg8[%get3A_906, %get3A_907] {strides = array<i32>} : memref<112x512xf32, #tpu.memory_space<vmem>>, vector<16xf32>,
            %mul3A_909 = arith.mulf %get3A_908, %get3A_812 : vector<16xf32>
            %add3A_910 = arith.addf %scan3A_806, %mul3A_909 : vector<16xf32>
            %add3A_911 = arith.constant 14 : i32
            %add3A_912 = arith.addi %mul3A_653, %add3A_911 : i32
            %get3A_913 = arith.index_cast %add3A_912 : i32 to index
            %get3A_914 = arith.index_cast %multiple_of3A : i32 to index
            %get3A_915 = tpu.vector_load %arg8[%get3A_913, %get3A_914] {strides = array<i32>} : memref<112x512xf32, #tpu.memory_space<vmem>>, vector<16xf32>,
            %mul3A_916 = arith.mulf %get3A_915, %get3A_812 : vector<16xf32>
            %add3A_917 = arith.addf %scan3A_807, %mul3A_916 : vector<16xf32>
            %add3A_918 = arith.constant 15 : i32
            %add3A_919 = arith.addi %mul3A_653, %add3A_918 : i32
            %get3A_920 = arith.index_cast %add3A_919 : i32 to index
            %get3A_921 = arith.index_cast %multiple_of3A : i32 to index
            %get3A_922 = tpu.vector_load %arg8[%get3A_920, %get3A_921] {strides = array<i32>} : memref<112x512xf32, #tpu.memory_space<vmem>>, vector<16xf32>,
            %mul3A_923 = arith.mulf %get3A_922, %get3A_812 : vector<16xf32>
            %add3A_924 = arith.addf %scan3A_808, %mul3A_923 : vector<16xf32>
            scf.yield %add3A_819, %add3A_826, %add3A_833, %add3A_840, %add3A_847, %add3A_854, %add3A_861, %add3A_868, %add3A_875, %add3A_882, %add3A_889, %add3A_896, %add3A_903, %add3A_910, %add3A_917, %add3A_924 : vector<16xf32>, vector<16xf32>, vector<16xf32>, vector<16xf32>, vector<16xf32>, vector<16xf32>, vector<16xf32>, vector<16xf32>, vector<16xf32>, vector<16xf32>, vector<16xf32>, vector<16xf32>, vector<16xf32>, vector<16xf32>, vector<16xf32>, vector<16xf32>
          }
          %scan3A_659 = arith.constant 32 : i32
          %swap3A_660 = arith.constant 0 : index
          %swap3A_661 = tpu.vector_load %arg13[%swap3A_660] {strides = array<i32>} : memref<256xf32, #tpu.memory_space<vmem>>, vector<16xf32>,
          tpu.vector_store %arg13[%swap3A_660], %scan3A_658#0 {strides = array<i32>} : memref<256xf32, #tpu.memory_space<vmem>>, vector<16xf32>,
          %swap3A_662 = arith.constant 16 : index
          %swap3A_663 = tpu.vector_load %arg13[%swap3A_662] {strides = array<i32>} : memref<256xf32, #tpu.memory_space<vmem>>, vector<16xf32>,
          tpu.vector_store %arg13[%swap3A_662], %scan3A_658#1 {strides = array<i32>} : memref<256xf32, #tpu.memory_space<vmem>>, vector<16xf32>,
          %swap3A_664 = arith.constant 32 : index
          %swap3A_665 = tpu.vector_load %arg13[%swap3A_664] {strides = array<i32>} : memref<256xf32, #tpu.memory_space<vmem>>, vector<16xf32>,
          tpu.vector_store %arg13[%swap3A_664], %scan3A_658#2 {strides = array<i32>} : memref<256xf32, #tpu.memory_space<vmem>>, vector<16xf32>,
          %swap3A_666 = arith.constant 48 : index
          %swap3A_667 = tpu.vector_load %arg13[%swap3A_666] {strides = array<i32>} : memref<256xf32, #tpu.memory_space<vmem>>, vector<16xf32>,
          tpu.vector_store %arg13[%swap3A_666], %scan3A_658#3 {strides = array<i32>} : memref<256xf32, #tpu.memory_space<vmem>>, vector<16xf32>,
          %swap3A_668 = arith.constant 64 : index
          %swap3A_669 = tpu.vector_load %arg13[%swap3A_668] {strides = array<i32>} : memref<256xf32, #tpu.memory_space<vmem>>, vector<16xf32>,
          tpu.vector_store %arg13[%swap3A_668], %scan3A_658#4 {strides = array<i32>} : memref<256xf32, #tpu.memory_space<vmem>>, vector<16xf32>,
          %swap3A_670 = arith.constant 80 : index
          %swap3A_671 = tpu.vector_load %arg13[%swap3A_670] {strides = array<i32>} : memref<256xf32, #tpu.memory_space<vmem>>, vector<16xf32>,
          tpu.vector_store %arg13[%swap3A_670], %scan3A_658#5 {strides = array<i32>} : memref<256xf32, #tpu.memory_space<vmem>>, vector<16xf32>,
          %swap3A_672 = arith.constant 96 : index
          %swap3A_673 = tpu.vector_load %arg13[%swap3A_672] {strides = array<i32>} : memref<256xf32, #tpu.memory_space<vmem>>, vector<16xf32>,
          tpu.vector_store %arg13[%swap3A_672], %scan3A_658#6 {strides = array<i32>} : memref<256xf32, #tpu.memory_space<vmem>>, vector<16xf32>,
          %swap3A_674 = arith.constant 112 : index
          %swap3A_675 = tpu.vector_load %arg13[%swap3A_674] {strides = array<i32>} : memref<256xf32, #tpu.memory_space<vmem>>, vector<16xf32>,
          tpu.vector_store %arg13[%swap3A_674], %scan3A_658#7 {strides = array<i32>} : memref<256xf32, #tpu.memory_space<vmem>>, vector<16xf32>,
          %swap3A_676 = arith.constant 128 : index
          %swap3A_677 = tpu.vector_load %arg13[%swap3A_676] {strides = array<i32>} : memref<256xf32, #tpu.memory_space<vmem>>, vector<16xf32>,
          tpu.vector_store %arg13[%swap3A_676], %scan3A_658#8 {strides = array<i32>} : memref<256xf32, #tpu.memory_space<vmem>>, vector<16xf32>,
          %swap3A_678 = arith.constant 144 : index
          %swap3A_679 = tpu.vector_load %arg13[%swap3A_678] {strides = array<i32>} : memref<256xf32, #tpu.memory_space<vmem>>, vector<16xf32>,
          tpu.vector_store %arg13[%swap3A_678], %scan3A_658#9 {strides = array<i32>} : memref<256xf32, #tpu.memory_space<vmem>>, vector<16xf32>,
          %swap3A_680 = arith.constant 160 : index
          %swap3A_681 = tpu.vector_load %arg13[%swap3A_680] {strides = array<i32>} : memref<256xf32, #tpu.memory_space<vmem>>, vector<16xf32>,
          tpu.vector_store %arg13[%swap3A_680], %scan3A_658#10 {strides = array<i32>} : memref<256xf32, #tpu.memory_space<vmem>>, vector<16xf32>,
          %swap3A_682 = arith.constant 176 : index
          %swap3A_683 = tpu.vector_load %arg13[%swap3A_682] {strides = array<i32>} : memref<256xf32, #tpu.memory_space<vmem>>, vector<16xf32>,
          tpu.vector_store %arg13[%swap3A_682], %scan3A_658#11 {strides = array<i32>} : memref<256xf32, #tpu.memory_space<vmem>>, vector<16xf32>,
          %swap3A_684 = arith.constant 192 : index
          %swap3A_685 = tpu.vector_load %arg13[%swap3A_684] {strides = array<i32>} : memref<256xf32, #tpu.memory_space<vmem>>, vector<16xf32>,
          tpu.vector_store %arg13[%swap3A_684], %scan3A_658#12 {strides = array<i32>} : memref<256xf32, #tpu.memory_space<vmem>>, vector<16xf32>,
          %swap3A_686 = arith.constant 208 : index
          %swap3A_687 = tpu.vector_load %arg13[%swap3A_686] {strides = array<i32>} : memref<256xf32, #tpu.memory_space<vmem>>, vector<16xf32>,
          tpu.vector_store %arg13[%swap3A_686], %scan3A_658#13 {strides = array<i32>} : memref<256xf32, #tpu.memory_space<vmem>>, vector<16xf32>,
          %swap3A_688 = arith.constant 224 : index
          %swap3A_689 = tpu.vector_load %arg13[%swap3A_688] {strides = array<i32>} : memref<256xf32, #tpu.memory_space<vmem>>, vector<16xf32>,
          tpu.vector_store %arg13[%swap3A_688], %scan3A_658#14 {strides = array<i32>} : memref<256xf32, #tpu.memory_space<vmem>>, vector<16xf32>,
          %swap3A_690 = arith.constant 240 : index
          %swap3A_691 = tpu.vector_load %arg13[%swap3A_690] {strides = array<i32>} : memref<256xf32, #tpu.memory_space<vmem>>, vector<16xf32>,
          tpu.vector_store %arg13[%swap3A_690], %scan3A_658#15 {strides = array<i32>} : memref<256xf32, #tpu.memory_space<vmem>>, vector<16xf32>,
          %gather3A = tpu.vector_load_idx %arg13[%add3A_431] : memref<256xf32, #tpu.memory_space<vmem>>[vector<16xi32>], vector<16xf32>,
          %gather3A_692 = tpu.vector_load_idx %arg13[%add3A_434] : memref<256xf32, #tpu.memory_space<vmem>>[vector<16xi32>], vector<16xf32>,
          %add3A_693 = arith.addf %gather3A, %gather3A_692 : vector<16xf32>
          %gather3A_694 = tpu.vector_load_idx %arg13[%add3A_437] : memref<256xf32, #tpu.memory_space<vmem>>[vector<16xi32>], vector<16xf32>,
          %add3A_695 = arith.addf %add3A_693, %gather3A_694 : vector<16xf32>
          %gather3A_696 = tpu.vector_load_idx %arg13[%add3A_440] : memref<256xf32, #tpu.memory_space<vmem>>[vector<16xi32>], vector<16xf32>,
          %add3A_697 = arith.addf %add3A_695, %gather3A_696 : vector<16xf32>
          %gather3A_698 = tpu.vector_load_idx %arg13[%add3A_443] : memref<256xf32, #tpu.memory_space<vmem>>[vector<16xi32>], vector<16xf32>,
          %add3A_699 = arith.addf %add3A_697, %gather3A_698 : vector<16xf32>
          %gather3A_700 = tpu.vector_load_idx %arg13[%add3A_446] : memref<256xf32, #tpu.memory_space<vmem>>[vector<16xi32>], vector<16xf32>,
          %add3A_701 = arith.addf %add3A_699, %gather3A_700 : vector<16xf32>
          %gather3A_702 = tpu.vector_load_idx %arg13[%add3A_449] : memref<256xf32, #tpu.memory_space<vmem>>[vector<16xi32>], vector<16xf32>,
          %add3A_703 = arith.addf %add3A_701, %gather3A_702 : vector<16xf32>
          %gather3A_704 = tpu.vector_load_idx %arg13[%add3A_452] : memref<256xf32, #tpu.memory_space<vmem>>[vector<16xi32>], vector<16xf32>,
          %add3A_705 = arith.addf %add3A_703, %gather3A_704 : vector<16xf32>
          %gather3A_706 = tpu.vector_load_idx %arg13[%add3A_455] : memref<256xf32, #tpu.memory_space<vmem>>[vector<16xi32>], vector<16xf32>,
          %add3A_707 = arith.addf %add3A_705, %gather3A_706 : vector<16xf32>
          %gather3A_708 = tpu.vector_load_idx %arg13[%add3A_458] : memref<256xf32, #tpu.memory_space<vmem>>[vector<16xi32>], vector<16xf32>,
          %add3A_709 = arith.addf %add3A_707, %gather3A_708 : vector<16xf32>
          %gather3A_710 = tpu.vector_load_idx %arg13[%add3A_461] : memref<256xf32, #tpu.memory_space<vmem>>[vector<16xi32>], vector<16xf32>,
          %add3A_711 = arith.addf %add3A_709, %gather3A_710 : vector<16xf32>
          %gather3A_712 = tpu.vector_load_idx %arg13[%add3A_464] : memref<256xf32, #tpu.memory_space<vmem>>[vector<16xi32>], vector<16xf32>,
          %add3A_713 = arith.addf %add3A_711, %gather3A_712 : vector<16xf32>
          %gather3A_714 = tpu.vector_load_idx %arg13[%add3A_467] : memref<256xf32, #tpu.memory_space<vmem>>[vector<16xi32>], vector<16xf32>,
          %add3A_715 = arith.addf %add3A_713, %gather3A_714 : vector<16xf32>
          %gather3A_716 = tpu.vector_load_idx %arg13[%add3A_470] : memref<256xf32, #tpu.memory_space<vmem>>[vector<16xi32>], vector<16xf32>,
          %add3A_717 = arith.addf %add3A_715, %gather3A_716 : vector<16xf32>
          %gather3A_718 = tpu.vector_load_idx %arg13[%add3A_473] : memref<256xf32, #tpu.memory_space<vmem>>[vector<16xi32>], vector<16xf32>,
          %add3A_719 = arith.addf %add3A_717, %gather3A_718 : vector<16xf32>
          %gather3A_720 = tpu.vector_load_idx %arg13[%add3A_476] : memref<256xf32, #tpu.memory_space<vmem>>[vector<16xi32>], vector<16xf32>,
          %add3A_721 = arith.addf %add3A_719, %gather3A_720 : vector<16xf32>
          %add3A_722 = arith.addf %add3A_721, %get3A_5 : vector<16xf32>
          %mul3A_723 = arith.constant 112 : i32
          %mul3A_724 = arith.muli %add3A_616, %mul3A_723 : i32
          %add3A_725 = arith.addi %mul3A_2, %mul3A_724 : i32
          %add3A_726 = arith.addi %add3A_725, %mul3A_653 : i32
          %add3A_727 = vector.broadcast %add3A_726 : i32 to vector<16xi32>
          %add3A_728 = arith.addi %iota3A, %add3A_727 : vector<16xi32>
          %broadcast_in_dim3A_729 = arith.constant 0 : i32
          %broadcast_in_dim3A_730 = vector.broadcast %broadcast_in_dim3A_729 : i32 to vector<16xi32>
          %add3A_731 = arith.constant 256 : i32
          %add3A_732 = vector.broadcast %add3A_731 : i32 to vector<16xi32>
          %add3A_733 = arith.addi %broadcast_in_dim3A_730, %add3A_732 : vector<16xi32>
          %min3A = arith.minsi %add3A_733, %broadcast_in_dim3A_478 : vector<16xi32>
          %gather3A_734 = tpu.vector_load_idx %arg10[%min3A] : memref<464xi32, #tpu.memory_space<vmem>>[vector<16xi32>], vector<16xi32>,
          %le3A = arith.cmpi sle, %gather3A_734, %add3A_728 : vector<16xi32>
          %select_n3A_735 = arith.select %le3A, %min3A, %broadcast_in_dim3A_730 : vector<16xi1>, vector<16xi32>
          %add3A_736 = arith.constant 128 : i32
          %add3A_737 = vector.broadcast %add3A_736 : i32 to vector<16xi32>
          %add3A_738 = arith.addi %select_n3A_735, %add3A_737 : vector<16xi32>
          %min3A_739 = arith.minsi %add3A_738, %broadcast_in_dim3A_478 : vector<16xi32>
          %gather3A_740 = tpu.vector_load_idx %arg10[%min3A_739] : memref<464xi32, #tpu.memory_space<vmem>>[vector<16xi32>], vector<16xi32>,
          %le3A_741 = arith.cmpi sle, %gather3A_740, %add3A_728 : vector<16xi32>
          %select_n3A_742 = arith.select %le3A_741, %min3A_739, %select_n3A_735 : vector<16xi1>, vector<16xi32>
          %add3A_743 = arith.constant 64 : i32
          %add3A_744 = vector.broadcast %add3A_743 : i32 to vector<16xi32>
          %add3A_745 = arith.addi %select_n3A_742, %add3A_744 : vector<16xi32>
          %min3A_746 = arith.minsi %add3A_745, %broadcast_in_dim3A_478 : vector<16xi32>
          %gather3A_747 = tpu.vector_load_idx %arg10[%min3A_746] : memref<464xi32, #tpu.memory_space<vmem>>[vector<16xi32>], vector<16xi32>,
          %le3A_748 = arith.cmpi sle, %gather3A_747, %add3A_728 : vector<16xi32>
          %select_n3A_749 = arith.select %le3A_748, %min3A_746, %select_n3A_742 : vector<16xi1>, vector<16xi32>
          %add3A_750 = arith.constant 32 : i32
          %add3A_751 = vector.broadcast %add3A_750 : i32 to vector<16xi32>
          %add3A_752 = arith.addi %select_n3A_749, %add3A_751 : vector<16xi32>
          %min3A_753 = arith.minsi %add3A_752, %broadcast_in_dim3A_478 : vector<16xi32>
          %gather3A_754 = tpu.vector_load_idx %arg10[%min3A_753] : memref<464xi32, #tpu.memory_space<vmem>>[vector<16xi32>], vector<16xi32>,
          %le3A_755 = arith.cmpi sle, %gather3A_754, %add3A_728 : vector<16xi32>
          %select_n3A_756 = arith.select %le3A_755, %min3A_753, %select_n3A_749 : vector<16xi1>, vector<16xi32>
          %add3A_757 = arith.constant 16 : i32
          %add3A_758 = vector.broadcast %add3A_757 : i32 to vector<16xi32>
          %add3A_759 = arith.addi %select_n3A_756, %add3A_758 : vector<16xi32>
          %min3A_760 = arith.minsi %add3A_759, %broadcast_in_dim3A_478 : vector<16xi32>
          %gather3A_761 = tpu.vector_load_idx %arg10[%min3A_760] : memref<464xi32, #tpu.memory_space<vmem>>[vector<16xi32>], vector<16xi32>,
          %le3A_762 = arith.cmpi sle, %gather3A_761, %add3A_728 : vector<16xi32>
          %select_n3A_763 = arith.select %le3A_762, %min3A_760, %select_n3A_756 : vector<16xi1>, vector<16xi32>
          %add3A_764 = arith.constant 8 : i32
          %add3A_765 = vector.broadcast %add3A_764 : i32 to vector<16xi32>
          %add3A_766 = arith.addi %select_n3A_763, %add3A_765 : vector<16xi32>
          %min3A_767 = arith.minsi %add3A_766, %broadcast_in_dim3A_478 : vector<16xi32>
          %gather3A_768 = tpu.vector_load_idx %arg10[%min3A_767] : memref<464xi32, #tpu.memory_space<vmem>>[vector<16xi32>], vector<16xi32>,
          %le3A_769 = arith.cmpi sle, %gather3A_768, %add3A_728 : vector<16xi32>
          %select_n3A_770 = arith.select %le3A_769, %min3A_767, %select_n3A_763 : vector<16xi1>, vector<16xi32>
          %add3A_771 = arith.constant 4 : i32
          %add3A_772 = vector.broadcast %add3A_771 : i32 to vector<16xi32>
          %add3A_773 = arith.addi %select_n3A_770, %add3A_772 : vector<16xi32>
          %min3A_774 = arith.minsi %add3A_773, %broadcast_in_dim3A_478 : vector<16xi32>
          %gather3A_775 = tpu.vector_load_idx %arg10[%min3A_774] : memref<464xi32, #tpu.memory_space<vmem>>[vector<16xi32>], vector<16xi32>,
          %le3A_776 = arith.cmpi sle, %gather3A_775, %add3A_728 : vector<16xi32>
          %select_n3A_777 = arith.select %le3A_776, %min3A_774, %select_n3A_770 : vector<16xi1>, vector<16xi32>
          %add3A_778 = arith.constant 2 : i32
          %add3A_779 = vector.broadcast %add3A_778 : i32 to vector<16xi32>
          %add3A_780 = arith.addi %select_n3A_777, %add3A_779 : vector<16xi32>
          %min3A_781 = arith.minsi %add3A_780, %broadcast_in_dim3A_478 : vector<16xi32>
          %gather3A_782 = tpu.vector_load_idx %arg10[%min3A_781] : memref<464xi32, #tpu.memory_space<vmem>>[vector<16xi32>], vector<16xi32>,
          %le3A_783 = arith.cmpi sle, %gather3A_782, %add3A_728 : vector<16xi32>
          %select_n3A_784 = arith.select %le3A_783, %min3A_781, %select_n3A_777 : vector<16xi1>, vector<16xi32>
          %add3A_785 = arith.constant 1 : i32
          %add3A_786 = vector.broadcast %add3A_785 : i32 to vector<16xi32>
          %add3A_787 = arith.addi %select_n3A_784, %add3A_786 : vector<16xi32>
          %min3A_788 = arith.minsi %add3A_787, %broadcast_in_dim3A_478 : vector<16xi32>
          %gather3A_789 = tpu.vector_load_idx %arg10[%min3A_788] : memref<464xi32, #tpu.memory_space<vmem>>[vector<16xi32>], vector<16xi32>,
          %le3A_790 = arith.cmpi sle, %gather3A_789, %add3A_728 : vector<16xi32>
          %select_n3A_791 = arith.select %le3A_790, %min3A_788, %select_n3A_784 : vector<16xi1>, vector<16xi32>
          tpu.vector_store_idx %arg14[%select_n3A_791], %add3A_722 {add = true} : memref<448xf32, #tpu.memory_space<vmem>>[vector<16xi32>], vector<16xf32>,
        }
        %scan3A_650 = arith.constant 7 : i32
      } else {
      }
    }
    %scan3A_488 = arith.constant 14 : i32
    %add3A_489 = arith.constant 0 : i32
    %add3A_490 = arith.addi %add3A_489, %arg1 : i32
    %mul3A_491 = arith.constant 16 : i32
    %mul3A_492 = arith.muli %add3A_490, %mul3A_491 : i32
    "tpu.region"() ({
      %run_scoped3A = tpu.sem_alloc : memref<!tpu.dma_semaphore, #tpu.memory_space<semaphore_mem>>
      %dma_start3A_612 = arith.constant 0 : i32
      %dma_start3A_613 = tpu.memref_slice %arg14[%dma_start3A_612] : memref<448xf32, #tpu.memory_space<vmem>> -> memref<16xf32, #tpu.memory_space<vmem>>
      %dma_start3A_614 = tpu.memref_slice %arg16[%mul3A_492] : memref<7168xf32, #tpu.memory_space<vmem_shared>> -> memref<16xf32, #tpu.memory_space<vmem_shared>>
      %dma_start3A_615 = tpu.memref_slice %arg16[%mul3A_492] : memref<7168xf32, #tpu.memory_space<vmem_shared>> -> memref<16xf32, #tpu.memory_space<vmem_shared>>
      %dma_start3A_616 = arith.constant 0 : i32
      %dma_start3A_617 = tpu.memref_slice %arg14[%dma_start3A_616] : memref<448xf32, #tpu.memory_space<vmem>> -> memref<16xf32, #tpu.memory_space<vmem>>
      tpu.enqueue_dma source(%dma_start3A_617 : memref<16xf32, #tpu.memory_space<vmem>>) target(%dma_start3A_615 : memref<16xf32, #tpu.memory_space<vmem_shared>>) target_semaphore(%run_scoped3A : memref<!tpu.dma_semaphore, #tpu.memory_space<semaphore_mem>>)
      %dma_wait3A = arith.constant 0 : i32
      %dma_wait3A_618 = tpu.memref_slice %arg14[%dma_wait3A] : memref<448xf32, #tpu.memory_space<vmem>> -> memref<16xf32, #tpu.memory_space<vmem>>
      %dma_wait3A_619 = tpu.memref_slice %arg16[%mul3A_492] : memref<7168xf32, #tpu.memory_space<vmem_shared>> -> memref<16xf32, #tpu.memory_space<vmem_shared>>
      %dma_wait3A_620 = tpu.memref_slice %arg16[%mul3A_492] : memref<7168xf32, #tpu.memory_space<vmem_shared>> -> memref<16xf32, #tpu.memory_space<vmem_shared>>
      %dma_wait3A_621 = arith.constant 0 : i32
      %dma_wait3A_622 = tpu.memref_slice %arg14[%dma_wait3A_621] : memref<448xf32, #tpu.memory_space<vmem>> -> memref<16xf32, #tpu.memory_space<vmem>>
      tpu.wait_dma2 semaphore(%run_scoped3A : memref<!tpu.dma_semaphore, #tpu.memory_space<semaphore_mem>>) src(%dma_wait3A_622 : memref<16xf32, #tpu.memory_space<vmem>>) dst(%dma_wait3A_620 : memref<16xf32, #tpu.memory_space<vmem_shared>>)
      tpu.yield
    }) : () -> ()
    %add3A_493 = arith.constant 16 : i32
    %add3A_494 = arith.addi %add3A_493, %arg1 : i32
    %mul3A_495 = arith.constant 16 : i32
    %mul3A_496 = arith.muli %add3A_494, %mul3A_495 : i32
    "tpu.region"() ({
      %run_scoped3A = tpu.sem_alloc : memref<!tpu.dma_semaphore, #tpu.memory_space<semaphore_mem>>
      %dma_start3A_612 = arith.constant 16 : i32
      %dma_start3A_613 = tpu.memref_slice %arg14[%dma_start3A_612] : memref<448xf32, #tpu.memory_space<vmem>> -> memref<16xf32, #tpu.memory_space<vmem>>
      %dma_start3A_614 = tpu.memref_slice %arg16[%mul3A_496] : memref<7168xf32, #tpu.memory_space<vmem_shared>> -> memref<16xf32, #tpu.memory_space<vmem_shared>>
      %dma_start3A_615 = tpu.memref_slice %arg16[%mul3A_496] : memref<7168xf32, #tpu.memory_space<vmem_shared>> -> memref<16xf32, #tpu.memory_space<vmem_shared>>
      %dma_start3A_616 = arith.constant 16 : i32
      %dma_start3A_617 = tpu.memref_slice %arg14[%dma_start3A_616] : memref<448xf32, #tpu.memory_space<vmem>> -> memref<16xf32, #tpu.memory_space<vmem>>
      tpu.enqueue_dma source(%dma_start3A_617 : memref<16xf32, #tpu.memory_space<vmem>>) target(%dma_start3A_615 : memref<16xf32, #tpu.memory_space<vmem_shared>>) target_semaphore(%run_scoped3A : memref<!tpu.dma_semaphore, #tpu.memory_space<semaphore_mem>>)
      %dma_wait3A = arith.constant 16 : i32
      %dma_wait3A_618 = tpu.memref_slice %arg14[%dma_wait3A] : memref<448xf32, #tpu.memory_space<vmem>> -> memref<16xf32, #tpu.memory_space<vmem>>
      %dma_wait3A_619 = tpu.memref_slice %arg16[%mul3A_496] : memref<7168xf32, #tpu.memory_space<vmem_shared>> -> memref<16xf32, #tpu.memory_space<vmem_shared>>
      %dma_wait3A_620 = tpu.memref_slice %arg16[%mul3A_496] : memref<7168xf32, #tpu.memory_space<vmem_shared>> -> memref<16xf32, #tpu.memory_space<vmem_shared>>
      %dma_wait3A_621 = arith.constant 16 : i32
      %dma_wait3A_622 = tpu.memref_slice %arg14[%dma_wait3A_621] : memref<448xf32, #tpu.memory_space<vmem>> -> memref<16xf32, #tpu.memory_space<vmem>>
      tpu.wait_dma2 semaphore(%run_scoped3A : memref<!tpu.dma_semaphore, #tpu.memory_space<semaphore_mem>>) src(%dma_wait3A_622 : memref<16xf32, #tpu.memory_space<vmem>>) dst(%dma_wait3A_620 : memref<16xf32, #tpu.memory_space<vmem_shared>>)
      tpu.yield
    }) : () -> ()
    %add3A_497 = arith.constant 32 : i32
    %add3A_498 = arith.addi %add3A_497, %arg1 : i32
    %mul3A_499 = arith.constant 16 : i32
    %mul3A_500 = arith.muli %add3A_498, %mul3A_499 : i32
    "tpu.region"() ({
      %run_scoped3A = tpu.sem_alloc : memref<!tpu.dma_semaphore, #tpu.memory_space<semaphore_mem>>
      %dma_start3A_612 = arith.constant 32 : i32
      %dma_start3A_613 = tpu.memref_slice %arg14[%dma_start3A_612] : memref<448xf32, #tpu.memory_space<vmem>> -> memref<16xf32, #tpu.memory_space<vmem>>
      %dma_start3A_614 = tpu.memref_slice %arg16[%mul3A_500] : memref<7168xf32, #tpu.memory_space<vmem_shared>> -> memref<16xf32, #tpu.memory_space<vmem_shared>>
      %dma_start3A_615 = tpu.memref_slice %arg16[%mul3A_500] : memref<7168xf32, #tpu.memory_space<vmem_shared>> -> memref<16xf32, #tpu.memory_space<vmem_shared>>
      %dma_start3A_616 = arith.constant 32 : i32
      %dma_start3A_617 = tpu.memref_slice %arg14[%dma_start3A_616] : memref<448xf32, #tpu.memory_space<vmem>> -> memref<16xf32, #tpu.memory_space<vmem>>
      tpu.enqueue_dma source(%dma_start3A_617 : memref<16xf32, #tpu.memory_space<vmem>>) target(%dma_start3A_615 : memref<16xf32, #tpu.memory_space<vmem_shared>>) target_semaphore(%run_scoped3A : memref<!tpu.dma_semaphore, #tpu.memory_space<semaphore_mem>>)
      %dma_wait3A = arith.constant 32 : i32
      %dma_wait3A_618 = tpu.memref_slice %arg14[%dma_wait3A] : memref<448xf32, #tpu.memory_space<vmem>> -> memref<16xf32, #tpu.memory_space<vmem>>
      %dma_wait3A_619 = tpu.memref_slice %arg16[%mul3A_500] : memref<7168xf32, #tpu.memory_space<vmem_shared>> -> memref<16xf32, #tpu.memory_space<vmem_shared>>
      %dma_wait3A_620 = tpu.memref_slice %arg16[%mul3A_500] : memref<7168xf32, #tpu.memory_space<vmem_shared>> -> memref<16xf32, #tpu.memory_space<vmem_shared>>
      %dma_wait3A_621 = arith.constant 32 : i32
      %dma_wait3A_622 = tpu.memref_slice %arg14[%dma_wait3A_621] : memref<448xf32, #tpu.memory_space<vmem>> -> memref<16xf32, #tpu.memory_space<vmem>>
      tpu.wait_dma2 semaphore(%run_scoped3A : memref<!tpu.dma_semaphore, #tpu.memory_space<semaphore_mem>>) src(%dma_wait3A_622 : memref<16xf32, #tpu.memory_space<vmem>>) dst(%dma_wait3A_620 : memref<16xf32, #tpu.memory_space<vmem_shared>>)
      tpu.yield
    }) : () -> ()
    %add3A_501 = arith.constant 48 : i32
    %add3A_502 = arith.addi %add3A_501, %arg1 : i32
    %mul3A_503 = arith.constant 16 : i32
    %mul3A_504 = arith.muli %add3A_502, %mul3A_503 : i32
    "tpu.region"() ({
      %run_scoped3A = tpu.sem_alloc : memref<!tpu.dma_semaphore, #tpu.memory_space<semaphore_mem>>
      %dma_start3A_612 = arith.constant 48 : i32
      %dma_start3A_613 = tpu.memref_slice %arg14[%dma_start3A_612] : memref<448xf32, #tpu.memory_space<vmem>> -> memref<16xf32, #tpu.memory_space<vmem>>
      %dma_start3A_614 = tpu.memref_slice %arg16[%mul3A_504] : memref<7168xf32, #tpu.memory_space<vmem_shared>> -> memref<16xf32, #tpu.memory_space<vmem_shared>>
      %dma_start3A_615 = tpu.memref_slice %arg16[%mul3A_504] : memref<7168xf32, #tpu.memory_space<vmem_shared>> -> memref<16xf32, #tpu.memory_space<vmem_shared>>
      %dma_start3A_616 = arith.constant 48 : i32
      %dma_start3A_617 = tpu.memref_slice %arg14[%dma_start3A_616] : memref<448xf32, #tpu.memory_space<vmem>> -> memref<16xf32, #tpu.memory_space<vmem>>
      tpu.enqueue_dma source(%dma_start3A_617 : memref<16xf32, #tpu.memory_space<vmem>>) target(%dma_start3A_615 : memref<16xf32, #tpu.memory_space<vmem_shared>>) target_semaphore(%run_scoped3A : memref<!tpu.dma_semaphore, #tpu.memory_space<semaphore_mem>>)
      %dma_wait3A = arith.constant 48 : i32
      %dma_wait3A_618 = tpu.memref_slice %arg14[%dma_wait3A] : memref<448xf32, #tpu.memory_space<vmem>> -> memref<16xf32, #tpu.memory_space<vmem>>
      %dma_wait3A_619 = tpu.memref_slice %arg16[%mul3A_504] : memref<7168xf32, #tpu.memory_space<vmem_shared>> -> memref<16xf32, #tpu.memory_space<vmem_shared>>
      %dma_wait3A_620 = tpu.memref_slice %arg16[%mul3A_504] : memref<7168xf32, #tpu.memory_space<vmem_shared>> -> memref<16xf32, #tpu.memory_space<vmem_shared>>
      %dma_wait3A_621 = arith.constant 48 : i32
      %dma_wait3A_622 = tpu.memref_slice %arg14[%dma_wait3A_621] : memref<448xf32, #tpu.memory_space<vmem>> -> memref<16xf32, #tpu.memory_space<vmem>>
      tpu.wait_dma2 semaphore(%run_scoped3A : memref<!tpu.dma_semaphore, #tpu.memory_space<semaphore_mem>>) src(%dma_wait3A_622 : memref<16xf32, #tpu.memory_space<vmem>>) dst(%dma_wait3A_620 : memref<16xf32, #tpu.memory_space<vmem_shared>>)
      tpu.yield
    }) : () -> ()
    %add3A_505 = arith.constant 64 : i32
    %add3A_506 = arith.addi %add3A_505, %arg1 : i32
    %mul3A_507 = arith.constant 16 : i32
    %mul3A_508 = arith.muli %add3A_506, %mul3A_507 : i32
    "tpu.region"() ({
      %run_scoped3A = tpu.sem_alloc : memref<!tpu.dma_semaphore, #tpu.memory_space<semaphore_mem>>
      %dma_start3A_612 = arith.constant 64 : i32
      %dma_start3A_613 = tpu.memref_slice %arg14[%dma_start3A_612] : memref<448xf32, #tpu.memory_space<vmem>> -> memref<16xf32, #tpu.memory_space<vmem>>
      %dma_start3A_614 = tpu.memref_slice %arg16[%mul3A_508] : memref<7168xf32, #tpu.memory_space<vmem_shared>> -> memref<16xf32, #tpu.memory_space<vmem_shared>>
      %dma_start3A_615 = tpu.memref_slice %arg16[%mul3A_508] : memref<7168xf32, #tpu.memory_space<vmem_shared>> -> memref<16xf32, #tpu.memory_space<vmem_shared>>
      %dma_start3A_616 = arith.constant 64 : i32
      %dma_start3A_617 = tpu.memref_slice %arg14[%dma_start3A_616] : memref<448xf32, #tpu.memory_space<vmem>> -> memref<16xf32, #tpu.memory_space<vmem>>
      tpu.enqueue_dma source(%dma_start3A_617 : memref<16xf32, #tpu.memory_space<vmem>>) target(%dma_start3A_615 : memref<16xf32, #tpu.memory_space<vmem_shared>>) target_semaphore(%run_scoped3A : memref<!tpu.dma_semaphore, #tpu.memory_space<semaphore_mem>>)
      %dma_wait3A = arith.constant 64 : i32
      %dma_wait3A_618 = tpu.memref_slice %arg14[%dma_wait3A] : memref<448xf32, #tpu.memory_space<vmem>> -> memref<16xf32, #tpu.memory_space<vmem>>
      %dma_wait3A_619 = tpu.memref_slice %arg16[%mul3A_508] : memref<7168xf32, #tpu.memory_space<vmem_shared>> -> memref<16xf32, #tpu.memory_space<vmem_shared>>
      %dma_wait3A_620 = tpu.memref_slice %arg16[%mul3A_508] : memref<7168xf32, #tpu.memory_space<vmem_shared>> -> memref<16xf32, #tpu.memory_space<vmem_shared>>
      %dma_wait3A_621 = arith.constant 64 : i32
      %dma_wait3A_622 = tpu.memref_slice %arg14[%dma_wait3A_621] : memref<448xf32, #tpu.memory_space<vmem>> -> memref<16xf32, #tpu.memory_space<vmem>>
      tpu.wait_dma2 semaphore(%run_scoped3A : memref<!tpu.dma_semaphore, #tpu.memory_space<semaphore_mem>>) src(%dma_wait3A_622 : memref<16xf32, #tpu.memory_space<vmem>>) dst(%dma_wait3A_620 : memref<16xf32, #tpu.memory_space<vmem_shared>>)
      tpu.yield
    }) : () -> ()
    %add3A_509 = arith.constant 80 : i32
    %add3A_510 = arith.addi %add3A_509, %arg1 : i32
    %mul3A_511 = arith.constant 16 : i32
    %mul3A_512 = arith.muli %add3A_510, %mul3A_511 : i32
    "tpu.region"() ({
      %run_scoped3A = tpu.sem_alloc : memref<!tpu.dma_semaphore, #tpu.memory_space<semaphore_mem>>
      %dma_start3A_612 = arith.constant 80 : i32
      %dma_start3A_613 = tpu.memref_slice %arg14[%dma_start3A_612] : memref<448xf32, #tpu.memory_space<vmem>> -> memref<16xf32, #tpu.memory_space<vmem>>
      %dma_start3A_614 = tpu.memref_slice %arg16[%mul3A_512] : memref<7168xf32, #tpu.memory_space<vmem_shared>> -> memref<16xf32, #tpu.memory_space<vmem_shared>>
      %dma_start3A_615 = tpu.memref_slice %arg16[%mul3A_512] : memref<7168xf32, #tpu.memory_space<vmem_shared>> -> memref<16xf32, #tpu.memory_space<vmem_shared>>
      %dma_start3A_616 = arith.constant 80 : i32
      %dma_start3A_617 = tpu.memref_slice %arg14[%dma_start3A_616] : memref<448xf32, #tpu.memory_space<vmem>> -> memref<16xf32, #tpu.memory_space<vmem>>
      tpu.enqueue_dma source(%dma_start3A_617 : memref<16xf32, #tpu.memory_space<vmem>>) target(%dma_start3A_615 : memref<16xf32, #tpu.memory_space<vmem_shared>>) target_semaphore(%run_scoped3A : memref<!tpu.dma_semaphore, #tpu.memory_space<semaphore_mem>>)
      %dma_wait3A = arith.constant 80 : i32
      %dma_wait3A_618 = tpu.memref_slice %arg14[%dma_wait3A] : memref<448xf32, #tpu.memory_space<vmem>> -> memref<16xf32, #tpu.memory_space<vmem>>
      %dma_wait3A_619 = tpu.memref_slice %arg16[%mul3A_512] : memref<7168xf32, #tpu.memory_space<vmem_shared>> -> memref<16xf32, #tpu.memory_space<vmem_shared>>
      %dma_wait3A_620 = tpu.memref_slice %arg16[%mul3A_512] : memref<7168xf32, #tpu.memory_space<vmem_shared>> -> memref<16xf32, #tpu.memory_space<vmem_shared>>
      %dma_wait3A_621 = arith.constant 80 : i32
      %dma_wait3A_622 = tpu.memref_slice %arg14[%dma_wait3A_621] : memref<448xf32, #tpu.memory_space<vmem>> -> memref<16xf32, #tpu.memory_space<vmem>>
      tpu.wait_dma2 semaphore(%run_scoped3A : memref<!tpu.dma_semaphore, #tpu.memory_space<semaphore_mem>>) src(%dma_wait3A_622 : memref<16xf32, #tpu.memory_space<vmem>>) dst(%dma_wait3A_620 : memref<16xf32, #tpu.memory_space<vmem_shared>>)
      tpu.yield
    }) : () -> ()
    %add3A_513 = arith.constant 96 : i32
    %add3A_514 = arith.addi %add3A_513, %arg1 : i32
    %mul3A_515 = arith.constant 16 : i32
    %mul3A_516 = arith.muli %add3A_514, %mul3A_515 : i32
    "tpu.region"() ({
      %run_scoped3A = tpu.sem_alloc : memref<!tpu.dma_semaphore, #tpu.memory_space<semaphore_mem>>
      %dma_start3A_612 = arith.constant 96 : i32
      %dma_start3A_613 = tpu.memref_slice %arg14[%dma_start3A_612] : memref<448xf32, #tpu.memory_space<vmem>> -> memref<16xf32, #tpu.memory_space<vmem>>
      %dma_start3A_614 = tpu.memref_slice %arg16[%mul3A_516] : memref<7168xf32, #tpu.memory_space<vmem_shared>> -> memref<16xf32, #tpu.memory_space<vmem_shared>>
      %dma_start3A_615 = tpu.memref_slice %arg16[%mul3A_516] : memref<7168xf32, #tpu.memory_space<vmem_shared>> -> memref<16xf32, #tpu.memory_space<vmem_shared>>
      %dma_start3A_616 = arith.constant 96 : i32
      %dma_start3A_617 = tpu.memref_slice %arg14[%dma_start3A_616] : memref<448xf32, #tpu.memory_space<vmem>> -> memref<16xf32, #tpu.memory_space<vmem>>
      tpu.enqueue_dma source(%dma_start3A_617 : memref<16xf32, #tpu.memory_space<vmem>>) target(%dma_start3A_615 : memref<16xf32, #tpu.memory_space<vmem_shared>>) target_semaphore(%run_scoped3A : memref<!tpu.dma_semaphore, #tpu.memory_space<semaphore_mem>>)
      %dma_wait3A = arith.constant 96 : i32
      %dma_wait3A_618 = tpu.memref_slice %arg14[%dma_wait3A] : memref<448xf32, #tpu.memory_space<vmem>> -> memref<16xf32, #tpu.memory_space<vmem>>
      %dma_wait3A_619 = tpu.memref_slice %arg16[%mul3A_516] : memref<7168xf32, #tpu.memory_space<vmem_shared>> -> memref<16xf32, #tpu.memory_space<vmem_shared>>
      %dma_wait3A_620 = tpu.memref_slice %arg16[%mul3A_516] : memref<7168xf32, #tpu.memory_space<vmem_shared>> -> memref<16xf32, #tpu.memory_space<vmem_shared>>
      %dma_wait3A_621 = arith.constant 96 : i32
      %dma_wait3A_622 = tpu.memref_slice %arg14[%dma_wait3A_621] : memref<448xf32, #tpu.memory_space<vmem>> -> memref<16xf32, #tpu.memory_space<vmem>>
      tpu.wait_dma2 semaphore(%run_scoped3A : memref<!tpu.dma_semaphore, #tpu.memory_space<semaphore_mem>>) src(%dma_wait3A_622 : memref<16xf32, #tpu.memory_space<vmem>>) dst(%dma_wait3A_620 : memref<16xf32, #tpu.memory_space<vmem_shared>>)
      tpu.yield
    }) : () -> ()
    %add3A_517 = arith.constant 112 : i32
    %add3A_518 = arith.addi %add3A_517, %arg1 : i32
    %mul3A_519 = arith.constant 16 : i32
    %mul3A_520 = arith.muli %add3A_518, %mul3A_519 : i32
    "tpu.region"() ({
      %run_scoped3A = tpu.sem_alloc : memref<!tpu.dma_semaphore, #tpu.memory_space<semaphore_mem>>
      %dma_start3A_612 = arith.constant 112 : i32
      %dma_start3A_613 = tpu.memref_slice %arg14[%dma_start3A_612] : memref<448xf32, #tpu.memory_space<vmem>> -> memref<16xf32, #tpu.memory_space<vmem>>
      %dma_start3A_614 = tpu.memref_slice %arg16[%mul3A_520] : memref<7168xf32, #tpu.memory_space<vmem_shared>> -> memref<16xf32, #tpu.memory_space<vmem_shared>>
      %dma_start3A_615 = tpu.memref_slice %arg16[%mul3A_520] : memref<7168xf32, #tpu.memory_space<vmem_shared>> -> memref<16xf32, #tpu.memory_space<vmem_shared>>
      %dma_start3A_616 = arith.constant 112 : i32
      %dma_start3A_617 = tpu.memref_slice %arg14[%dma_start3A_616] : memref<448xf32, #tpu.memory_space<vmem>> -> memref<16xf32, #tpu.memory_space<vmem>>
      tpu.enqueue_dma source(%dma_start3A_617 : memref<16xf32, #tpu.memory_space<vmem>>) target(%dma_start3A_615 : memref<16xf32, #tpu.memory_space<vmem_shared>>) target_semaphore(%run_scoped3A : memref<!tpu.dma_semaphore, #tpu.memory_space<semaphore_mem>>)
      %dma_wait3A = arith.constant 112 : i32
      %dma_wait3A_618 = tpu.memref_slice %arg14[%dma_wait3A] : memref<448xf32, #tpu.memory_space<vmem>> -> memref<16xf32, #tpu.memory_space<vmem>>
      %dma_wait3A_619 = tpu.memref_slice %arg16[%mul3A_520] : memref<7168xf32, #tpu.memory_space<vmem_shared>> -> memref<16xf32, #tpu.memory_space<vmem_shared>>
      %dma_wait3A_620 = tpu.memref_slice %arg16[%mul3A_520] : memref<7168xf32, #tpu.memory_space<vmem_shared>> -> memref<16xf32, #tpu.memory_space<vmem_shared>>
      %dma_wait3A_621 = arith.constant 112 : i32
      %dma_wait3A_622 = tpu.memref_slice %arg14[%dma_wait3A_621] : memref<448xf32, #tpu.memory_space<vmem>> -> memref<16xf32, #tpu.memory_space<vmem>>
      tpu.wait_dma2 semaphore(%run_scoped3A : memref<!tpu.dma_semaphore, #tpu.memory_space<semaphore_mem>>) src(%dma_wait3A_622 : memref<16xf32, #tpu.memory_space<vmem>>) dst(%dma_wait3A_620 : memref<16xf32, #tpu.memory_space<vmem_shared>>)
      tpu.yield
    }) : () -> ()
    %add3A_521 = arith.constant 128 : i32
    %add3A_522 = arith.addi %add3A_521, %arg1 : i32
    %mul3A_523 = arith.constant 16 : i32
    %mul3A_524 = arith.muli %add3A_522, %mul3A_523 : i32
    "tpu.region"() ({
      %run_scoped3A = tpu.sem_alloc : memref<!tpu.dma_semaphore, #tpu.memory_space<semaphore_mem>>
      %dma_start3A_612 = arith.constant 128 : i32
      %dma_start3A_613 = tpu.memref_slice %arg14[%dma_start3A_612] : memref<448xf32, #tpu.memory_space<vmem>> -> memref<16xf32, #tpu.memory_space<vmem>>
      %dma_start3A_614 = tpu.memref_slice %arg16[%mul3A_524] : memref<7168xf32, #tpu.memory_space<vmem_shared>> -> memref<16xf32, #tpu.memory_space<vmem_shared>>
      %dma_start3A_615 = tpu.memref_slice %arg16[%mul3A_524] : memref<7168xf32, #tpu.memory_space<vmem_shared>> -> memref<16xf32, #tpu.memory_space<vmem_shared>>
      %dma_start3A_616 = arith.constant 128 : i32
      %dma_start3A_617 = tpu.memref_slice %arg14[%dma_start3A_616] : memref<448xf32, #tpu.memory_space<vmem>> -> memref<16xf32, #tpu.memory_space<vmem>>
      tpu.enqueue_dma source(%dma_start3A_617 : memref<16xf32, #tpu.memory_space<vmem>>) target(%dma_start3A_615 : memref<16xf32, #tpu.memory_space<vmem_shared>>) target_semaphore(%run_scoped3A : memref<!tpu.dma_semaphore, #tpu.memory_space<semaphore_mem>>)
      %dma_wait3A = arith.constant 128 : i32
      %dma_wait3A_618 = tpu.memref_slice %arg14[%dma_wait3A] : memref<448xf32, #tpu.memory_space<vmem>> -> memref<16xf32, #tpu.memory_space<vmem>>
      %dma_wait3A_619 = tpu.memref_slice %arg16[%mul3A_524] : memref<7168xf32, #tpu.memory_space<vmem_shared>> -> memref<16xf32, #tpu.memory_space<vmem_shared>>
      %dma_wait3A_620 = tpu.memref_slice %arg16[%mul3A_524] : memref<7168xf32, #tpu.memory_space<vmem_shared>> -> memref<16xf32, #tpu.memory_space<vmem_shared>>
      %dma_wait3A_621 = arith.constant 128 : i32
      %dma_wait3A_622 = tpu.memref_slice %arg14[%dma_wait3A_621] : memref<448xf32, #tpu.memory_space<vmem>> -> memref<16xf32, #tpu.memory_space<vmem>>
      tpu.wait_dma2 semaphore(%run_scoped3A : memref<!tpu.dma_semaphore, #tpu.memory_space<semaphore_mem>>) src(%dma_wait3A_622 : memref<16xf32, #tpu.memory_space<vmem>>) dst(%dma_wait3A_620 : memref<16xf32, #tpu.memory_space<vmem_shared>>)
      tpu.yield
    }) : () -> ()
    %add3A_525 = arith.constant 144 : i32
    %add3A_526 = arith.addi %add3A_525, %arg1 : i32
    %mul3A_527 = arith.constant 16 : i32
    %mul3A_528 = arith.muli %add3A_526, %mul3A_527 : i32
    "tpu.region"() ({
      %run_scoped3A = tpu.sem_alloc : memref<!tpu.dma_semaphore, #tpu.memory_space<semaphore_mem>>
      %dma_start3A_612 = arith.constant 144 : i32
      %dma_start3A_613 = tpu.memref_slice %arg14[%dma_start3A_612] : memref<448xf32, #tpu.memory_space<vmem>> -> memref<16xf32, #tpu.memory_space<vmem>>
      %dma_start3A_614 = tpu.memref_slice %arg16[%mul3A_528] : memref<7168xf32, #tpu.memory_space<vmem_shared>> -> memref<16xf32, #tpu.memory_space<vmem_shared>>
      %dma_start3A_615 = tpu.memref_slice %arg16[%mul3A_528] : memref<7168xf32, #tpu.memory_space<vmem_shared>> -> memref<16xf32, #tpu.memory_space<vmem_shared>>
      %dma_start3A_616 = arith.constant 144 : i32
      %dma_start3A_617 = tpu.memref_slice %arg14[%dma_start3A_616] : memref<448xf32, #tpu.memory_space<vmem>> -> memref<16xf32, #tpu.memory_space<vmem>>
      tpu.enqueue_dma source(%dma_start3A_617 : memref<16xf32, #tpu.memory_space<vmem>>) target(%dma_start3A_615 : memref<16xf32, #tpu.memory_space<vmem_shared>>) target_semaphore(%run_scoped3A : memref<!tpu.dma_semaphore, #tpu.memory_space<semaphore_mem>>)
      %dma_wait3A = arith.constant 144 : i32
      %dma_wait3A_618 = tpu.memref_slice %arg14[%dma_wait3A] : memref<448xf32, #tpu.memory_space<vmem>> -> memref<16xf32, #tpu.memory_space<vmem>>
      %dma_wait3A_619 = tpu.memref_slice %arg16[%mul3A_528] : memref<7168xf32, #tpu.memory_space<vmem_shared>> -> memref<16xf32, #tpu.memory_space<vmem_shared>>
      %dma_wait3A_620 = tpu.memref_slice %arg16[%mul3A_528] : memref<7168xf32, #tpu.memory_space<vmem_shared>> -> memref<16xf32, #tpu.memory_space<vmem_shared>>
      %dma_wait3A_621 = arith.constant 144 : i32
      %dma_wait3A_622 = tpu.memref_slice %arg14[%dma_wait3A_621] : memref<448xf32, #tpu.memory_space<vmem>> -> memref<16xf32, #tpu.memory_space<vmem>>
      tpu.wait_dma2 semaphore(%run_scoped3A : memref<!tpu.dma_semaphore, #tpu.memory_space<semaphore_mem>>) src(%dma_wait3A_622 : memref<16xf32, #tpu.memory_space<vmem>>) dst(%dma_wait3A_620 : memref<16xf32, #tpu.memory_space<vmem_shared>>)
      tpu.yield
    }) : () -> ()
    %add3A_529 = arith.constant 160 : i32
    %add3A_530 = arith.addi %add3A_529, %arg1 : i32
    %mul3A_531 = arith.constant 16 : i32
    %mul3A_532 = arith.muli %add3A_530, %mul3A_531 : i32
    "tpu.region"() ({
      %run_scoped3A = tpu.sem_alloc : memref<!tpu.dma_semaphore, #tpu.memory_space<semaphore_mem>>
      %dma_start3A_612 = arith.constant 160 : i32
      %dma_start3A_613 = tpu.memref_slice %arg14[%dma_start3A_612] : memref<448xf32, #tpu.memory_space<vmem>> -> memref<16xf32, #tpu.memory_space<vmem>>
      %dma_start3A_614 = tpu.memref_slice %arg16[%mul3A_532] : memref<7168xf32, #tpu.memory_space<vmem_shared>> -> memref<16xf32, #tpu.memory_space<vmem_shared>>
      %dma_start3A_615 = tpu.memref_slice %arg16[%mul3A_532] : memref<7168xf32, #tpu.memory_space<vmem_shared>> -> memref<16xf32, #tpu.memory_space<vmem_shared>>
      %dma_start3A_616 = arith.constant 160 : i32
      %dma_start3A_617 = tpu.memref_slice %arg14[%dma_start3A_616] : memref<448xf32, #tpu.memory_space<vmem>> -> memref<16xf32, #tpu.memory_space<vmem>>
      tpu.enqueue_dma source(%dma_start3A_617 : memref<16xf32, #tpu.memory_space<vmem>>) target(%dma_start3A_615 : memref<16xf32, #tpu.memory_space<vmem_shared>>) target_semaphore(%run_scoped3A : memref<!tpu.dma_semaphore, #tpu.memory_space<semaphore_mem>>)
      %dma_wait3A = arith.constant 160 : i32
      %dma_wait3A_618 = tpu.memref_slice %arg14[%dma_wait3A] : memref<448xf32, #tpu.memory_space<vmem>> -> memref<16xf32, #tpu.memory_space<vmem>>
      %dma_wait3A_619 = tpu.memref_slice %arg16[%mul3A_532] : memref<7168xf32, #tpu.memory_space<vmem_shared>> -> memref<16xf32, #tpu.memory_space<vmem_shared>>
      %dma_wait3A_620 = tpu.memref_slice %arg16[%mul3A_532] : memref<7168xf32, #tpu.memory_space<vmem_shared>> -> memref<16xf32, #tpu.memory_space<vmem_shared>>
      %dma_wait3A_621 = arith.constant 160 : i32
      %dma_wait3A_622 = tpu.memref_slice %arg14[%dma_wait3A_621] : memref<448xf32, #tpu.memory_space<vmem>> -> memref<16xf32, #tpu.memory_space<vmem>>
      tpu.wait_dma2 semaphore(%run_scoped3A : memref<!tpu.dma_semaphore, #tpu.memory_space<semaphore_mem>>) src(%dma_wait3A_622 : memref<16xf32, #tpu.memory_space<vmem>>) dst(%dma_wait3A_620 : memref<16xf32, #tpu.memory_space<vmem_shared>>)
      tpu.yield
    }) : () -> ()
    %add3A_533 = arith.constant 176 : i32
    %add3A_534 = arith.addi %add3A_533, %arg1 : i32
    %mul3A_535 = arith.constant 16 : i32
    %mul3A_536 = arith.muli %add3A_534, %mul3A_535 : i32
    "tpu.region"() ({
      %run_scoped3A = tpu.sem_alloc : memref<!tpu.dma_semaphore, #tpu.memory_space<semaphore_mem>>
      %dma_start3A_612 = arith.constant 176 : i32
      %dma_start3A_613 = tpu.memref_slice %arg14[%dma_start3A_612] : memref<448xf32, #tpu.memory_space<vmem>> -> memref<16xf32, #tpu.memory_space<vmem>>
      %dma_start3A_614 = tpu.memref_slice %arg16[%mul3A_536] : memref<7168xf32, #tpu.memory_space<vmem_shared>> -> memref<16xf32, #tpu.memory_space<vmem_shared>>
      %dma_start3A_615 = tpu.memref_slice %arg16[%mul3A_536] : memref<7168xf32, #tpu.memory_space<vmem_shared>> -> memref<16xf32, #tpu.memory_space<vmem_shared>>
      %dma_start3A_616 = arith.constant 176 : i32
      %dma_start3A_617 = tpu.memref_slice %arg14[%dma_start3A_616] : memref<448xf32, #tpu.memory_space<vmem>> -> memref<16xf32, #tpu.memory_space<vmem>>
      tpu.enqueue_dma source(%dma_start3A_617 : memref<16xf32, #tpu.memory_space<vmem>>) target(%dma_start3A_615 : memref<16xf32, #tpu.memory_space<vmem_shared>>) target_semaphore(%run_scoped3A : memref<!tpu.dma_semaphore, #tpu.memory_space<semaphore_mem>>)
      %dma_wait3A = arith.constant 176 : i32
      %dma_wait3A_618 = tpu.memref_slice %arg14[%dma_wait3A] : memref<448xf32, #tpu.memory_space<vmem>> -> memref<16xf32, #tpu.memory_space<vmem>>
      %dma_wait3A_619 = tpu.memref_slice %arg16[%mul3A_536] : memref<7168xf32, #tpu.memory_space<vmem_shared>> -> memref<16xf32, #tpu.memory_space<vmem_shared>>
      %dma_wait3A_620 = tpu.memref_slice %arg16[%mul3A_536] : memref<7168xf32, #tpu.memory_space<vmem_shared>> -> memref<16xf32, #tpu.memory_space<vmem_shared>>
      %dma_wait3A_621 = arith.constant 176 : i32
      %dma_wait3A_622 = tpu.memref_slice %arg14[%dma_wait3A_621] : memref<448xf32, #tpu.memory_space<vmem>> -> memref<16xf32, #tpu.memory_space<vmem>>
      tpu.wait_dma2 semaphore(%run_scoped3A : memref<!tpu.dma_semaphore, #tpu.memory_space<semaphore_mem>>) src(%dma_wait3A_622 : memref<16xf32, #tpu.memory_space<vmem>>) dst(%dma_wait3A_620 : memref<16xf32, #tpu.memory_space<vmem_shared>>)
      tpu.yield
    }) : () -> ()
    %add3A_537 = arith.constant 192 : i32
    %add3A_538 = arith.addi %add3A_537, %arg1 : i32
    %mul3A_539 = arith.constant 16 : i32
    %mul3A_540 = arith.muli %add3A_538, %mul3A_539 : i32
    "tpu.region"() ({
      %run_scoped3A = tpu.sem_alloc : memref<!tpu.dma_semaphore, #tpu.memory_space<semaphore_mem>>
      %dma_start3A_612 = arith.constant 192 : i32
      %dma_start3A_613 = tpu.memref_slice %arg14[%dma_start3A_612] : memref<448xf32, #tpu.memory_space<vmem>> -> memref<16xf32, #tpu.memory_space<vmem>>
      %dma_start3A_614 = tpu.memref_slice %arg16[%mul3A_540] : memref<7168xf32, #tpu.memory_space<vmem_shared>> -> memref<16xf32, #tpu.memory_space<vmem_shared>>
      %dma_start3A_615 = tpu.memref_slice %arg16[%mul3A_540] : memref<7168xf32, #tpu.memory_space<vmem_shared>> -> memref<16xf32, #tpu.memory_space<vmem_shared>>
      %dma_start3A_616 = arith.constant 192 : i32
      %dma_start3A_617 = tpu.memref_slice %arg14[%dma_start3A_616] : memref<448xf32, #tpu.memory_space<vmem>> -> memref<16xf32, #tpu.memory_space<vmem>>
      tpu.enqueue_dma source(%dma_start3A_617 : memref<16xf32, #tpu.memory_space<vmem>>) target(%dma_start3A_615 : memref<16xf32, #tpu.memory_space<vmem_shared>>) target_semaphore(%run_scoped3A : memref<!tpu.dma_semaphore, #tpu.memory_space<semaphore_mem>>)
      %dma_wait3A = arith.constant 192 : i32
      %dma_wait3A_618 = tpu.memref_slice %arg14[%dma_wait3A] : memref<448xf32, #tpu.memory_space<vmem>> -> memref<16xf32, #tpu.memory_space<vmem>>
      %dma_wait3A_619 = tpu.memref_slice %arg16[%mul3A_540] : memref<7168xf32, #tpu.memory_space<vmem_shared>> -> memref<16xf32, #tpu.memory_space<vmem_shared>>
      %dma_wait3A_620 = tpu.memref_slice %arg16[%mul3A_540] : memref<7168xf32, #tpu.memory_space<vmem_shared>> -> memref<16xf32, #tpu.memory_space<vmem_shared>>
      %dma_wait3A_621 = arith.constant 192 : i32
      %dma_wait3A_622 = tpu.memref_slice %arg14[%dma_wait3A_621] : memref<448xf32, #tpu.memory_space<vmem>> -> memref<16xf32, #tpu.memory_space<vmem>>
      tpu.wait_dma2 semaphore(%run_scoped3A : memref<!tpu.dma_semaphore, #tpu.memory_space<semaphore_mem>>) src(%dma_wait3A_622 : memref<16xf32, #tpu.memory_space<vmem>>) dst(%dma_wait3A_620 : memref<16xf32, #tpu.memory_space<vmem_shared>>)
      tpu.yield
    }) : () -> ()
    %add3A_541 = arith.constant 208 : i32
    %add3A_542 = arith.addi %add3A_541, %arg1 : i32
    %mul3A_543 = arith.constant 16 : i32
    %mul3A_544 = arith.muli %add3A_542, %mul3A_543 : i32
    "tpu.region"() ({
      %run_scoped3A = tpu.sem_alloc : memref<!tpu.dma_semaphore, #tpu.memory_space<semaphore_mem>>
      %dma_start3A_612 = arith.constant 208 : i32
      %dma_start3A_613 = tpu.memref_slice %arg14[%dma_start3A_612] : memref<448xf32, #tpu.memory_space<vmem>> -> memref<16xf32, #tpu.memory_space<vmem>>
      %dma_start3A_614 = tpu.memref_slice %arg16[%mul3A_544] : memref<7168xf32, #tpu.memory_space<vmem_shared>> -> memref<16xf32, #tpu.memory_space<vmem_shared>>
      %dma_start3A_615 = tpu.memref_slice %arg16[%mul3A_544] : memref<7168xf32, #tpu.memory_space<vmem_shared>> -> memref<16xf32, #tpu.memory_space<vmem_shared>>
      %dma_start3A_616 = arith.constant 208 : i32
      %dma_start3A_617 = tpu.memref_slice %arg14[%dma_start3A_616] : memref<448xf32, #tpu.memory_space<vmem>> -> memref<16xf32, #tpu.memory_space<vmem>>
      tpu.enqueue_dma source(%dma_start3A_617 : memref<16xf32, #tpu.memory_space<vmem>>) target(%dma_start3A_615 : memref<16xf32, #tpu.memory_space<vmem_shared>>) target_semaphore(%run_scoped3A : memref<!tpu.dma_semaphore, #tpu.memory_space<semaphore_mem>>)
      %dma_wait3A = arith.constant 208 : i32
      %dma_wait3A_618 = tpu.memref_slice %arg14[%dma_wait3A] : memref<448xf32, #tpu.memory_space<vmem>> -> memref<16xf32, #tpu.memory_space<vmem>>
      %dma_wait3A_619 = tpu.memref_slice %arg16[%mul3A_544] : memref<7168xf32, #tpu.memory_space<vmem_shared>> -> memref<16xf32, #tpu.memory_space<vmem_shared>>
      %dma_wait3A_620 = tpu.memref_slice %arg16[%mul3A_544] : memref<7168xf32, #tpu.memory_space<vmem_shared>> -> memref<16xf32, #tpu.memory_space<vmem_shared>>
      %dma_wait3A_621 = arith.constant 208 : i32
      %dma_wait3A_622 = tpu.memref_slice %arg14[%dma_wait3A_621] : memref<448xf32, #tpu.memory_space<vmem>> -> memref<16xf32, #tpu.memory_space<vmem>>
      tpu.wait_dma2 semaphore(%run_scoped3A : memref<!tpu.dma_semaphore, #tpu.memory_space<semaphore_mem>>) src(%dma_wait3A_622 : memref<16xf32, #tpu.memory_space<vmem>>) dst(%dma_wait3A_620 : memref<16xf32, #tpu.memory_space<vmem_shared>>)
      tpu.yield
    }) : () -> ()
    %add3A_545 = arith.constant 224 : i32
    %add3A_546 = arith.addi %add3A_545, %arg1 : i32
    %mul3A_547 = arith.constant 16 : i32
    %mul3A_548 = arith.muli %add3A_546, %mul3A_547 : i32
    "tpu.region"() ({
      %run_scoped3A = tpu.sem_alloc : memref<!tpu.dma_semaphore, #tpu.memory_space<semaphore_mem>>
      %dma_start3A_612 = arith.constant 224 : i32
      %dma_start3A_613 = tpu.memref_slice %arg14[%dma_start3A_612] : memref<448xf32, #tpu.memory_space<vmem>> -> memref<16xf32, #tpu.memory_space<vmem>>
      %dma_start3A_614 = tpu.memref_slice %arg16[%mul3A_548] : memref<7168xf32, #tpu.memory_space<vmem_shared>> -> memref<16xf32, #tpu.memory_space<vmem_shared>>
      %dma_start3A_615 = tpu.memref_slice %arg16[%mul3A_548] : memref<7168xf32, #tpu.memory_space<vmem_shared>> -> memref<16xf32, #tpu.memory_space<vmem_shared>>
      %dma_start3A_616 = arith.constant 224 : i32
      %dma_start3A_617 = tpu.memref_slice %arg14[%dma_start3A_616] : memref<448xf32, #tpu.memory_space<vmem>> -> memref<16xf32, #tpu.memory_space<vmem>>
      tpu.enqueue_dma source(%dma_start3A_617 : memref<16xf32, #tpu.memory_space<vmem>>) target(%dma_start3A_615 : memref<16xf32, #tpu.memory_space<vmem_shared>>) target_semaphore(%run_scoped3A : memref<!tpu.dma_semaphore, #tpu.memory_space<semaphore_mem>>)
      %dma_wait3A = arith.constant 224 : i32
      %dma_wait3A_618 = tpu.memref_slice %arg14[%dma_wait3A] : memref<448xf32, #tpu.memory_space<vmem>> -> memref<16xf32, #tpu.memory_space<vmem>>
      %dma_wait3A_619 = tpu.memref_slice %arg16[%mul3A_548] : memref<7168xf32, #tpu.memory_space<vmem_shared>> -> memref<16xf32, #tpu.memory_space<vmem_shared>>
      %dma_wait3A_620 = tpu.memref_slice %arg16[%mul3A_548] : memref<7168xf32, #tpu.memory_space<vmem_shared>> -> memref<16xf32, #tpu.memory_space<vmem_shared>>
      %dma_wait3A_621 = arith.constant 224 : i32
      %dma_wait3A_622 = tpu.memref_slice %arg14[%dma_wait3A_621] : memref<448xf32, #tpu.memory_space<vmem>> -> memref<16xf32, #tpu.memory_space<vmem>>
      tpu.wait_dma2 semaphore(%run_scoped3A : memref<!tpu.dma_semaphore, #tpu.memory_space<semaphore_mem>>) src(%dma_wait3A_622 : memref<16xf32, #tpu.memory_space<vmem>>) dst(%dma_wait3A_620 : memref<16xf32, #tpu.memory_space<vmem_shared>>)
      tpu.yield
    }) : () -> ()
    %add3A_549 = arith.constant 240 : i32
    %add3A_550 = arith.addi %add3A_549, %arg1 : i32
    %mul3A_551 = arith.constant 16 : i32
    %mul3A_552 = arith.muli %add3A_550, %mul3A_551 : i32
    "tpu.region"() ({
      %run_scoped3A = tpu.sem_alloc : memref<!tpu.dma_semaphore, #tpu.memory_space<semaphore_mem>>
      %dma_start3A_612 = arith.constant 240 : i32
      %dma_start3A_613 = tpu.memref_slice %arg14[%dma_start3A_612] : memref<448xf32, #tpu.memory_space<vmem>> -> memref<16xf32, #tpu.memory_space<vmem>>
      %dma_start3A_614 = tpu.memref_slice %arg16[%mul3A_552] : memref<7168xf32, #tpu.memory_space<vmem_shared>> -> memref<16xf32, #tpu.memory_space<vmem_shared>>
      %dma_start3A_615 = tpu.memref_slice %arg16[%mul3A_552] : memref<7168xf32, #tpu.memory_space<vmem_shared>> -> memref<16xf32, #tpu.memory_space<vmem_shared>>
      %dma_start3A_616 = arith.constant 240 : i32
      %dma_start3A_617 = tpu.memref_slice %arg14[%dma_start3A_616] : memref<448xf32, #tpu.memory_space<vmem>> -> memref<16xf32, #tpu.memory_space<vmem>>
      tpu.enqueue_dma source(%dma_start3A_617 : memref<16xf32, #tpu.memory_space<vmem>>) target(%dma_start3A_615 : memref<16xf32, #tpu.memory_space<vmem_shared>>) target_semaphore(%run_scoped3A : memref<!tpu.dma_semaphore, #tpu.memory_space<semaphore_mem>>)
      %dma_wait3A = arith.constant 240 : i32
      %dma_wait3A_618 = tpu.memref_slice %arg14[%dma_wait3A] : memref<448xf32, #tpu.memory_space<vmem>> -> memref<16xf32, #tpu.memory_space<vmem>>
      %dma_wait3A_619 = tpu.memref_slice %arg16[%mul3A_552] : memref<7168xf32, #tpu.memory_space<vmem_shared>> -> memref<16xf32, #tpu.memory_space<vmem_shared>>
      %dma_wait3A_620 = tpu.memref_slice %arg16[%mul3A_552] : memref<7168xf32, #tpu.memory_space<vmem_shared>> -> memref<16xf32, #tpu.memory_space<vmem_shared>>
      %dma_wait3A_621 = arith.constant 240 : i32
      %dma_wait3A_622 = tpu.memref_slice %arg14[%dma_wait3A_621] : memref<448xf32, #tpu.memory_space<vmem>> -> memref<16xf32, #tpu.memory_space<vmem>>
      tpu.wait_dma2 semaphore(%run_scoped3A : memref<!tpu.dma_semaphore, #tpu.memory_space<semaphore_mem>>) src(%dma_wait3A_622 : memref<16xf32, #tpu.memory_space<vmem>>) dst(%dma_wait3A_620 : memref<16xf32, #tpu.memory_space<vmem_shared>>)
      tpu.yield
    }) : () -> ()
    %add3A_553 = arith.constant 256 : i32
    %add3A_554 = arith.addi %add3A_553, %arg1 : i32
    %mul3A_555 = arith.constant 16 : i32
    %mul3A_556 = arith.muli %add3A_554, %mul3A_555 : i32
    "tpu.region"() ({
      %run_scoped3A = tpu.sem_alloc : memref<!tpu.dma_semaphore, #tpu.memory_space<semaphore_mem>>
      %dma_start3A_612 = arith.constant 256 : i32
      %dma_start3A_613 = tpu.memref_slice %arg14[%dma_start3A_612] : memref<448xf32, #tpu.memory_space<vmem>> -> memref<16xf32, #tpu.memory_space<vmem>>
      %dma_start3A_614 = tpu.memref_slice %arg16[%mul3A_556] : memref<7168xf32, #tpu.memory_space<vmem_shared>> -> memref<16xf32, #tpu.memory_space<vmem_shared>>
      %dma_start3A_615 = tpu.memref_slice %arg16[%mul3A_556] : memref<7168xf32, #tpu.memory_space<vmem_shared>> -> memref<16xf32, #tpu.memory_space<vmem_shared>>
      %dma_start3A_616 = arith.constant 256 : i32
      %dma_start3A_617 = tpu.memref_slice %arg14[%dma_start3A_616] : memref<448xf32, #tpu.memory_space<vmem>> -> memref<16xf32, #tpu.memory_space<vmem>>
      tpu.enqueue_dma source(%dma_start3A_617 : memref<16xf32, #tpu.memory_space<vmem>>) target(%dma_start3A_615 : memref<16xf32, #tpu.memory_space<vmem_shared>>) target_semaphore(%run_scoped3A : memref<!tpu.dma_semaphore, #tpu.memory_space<semaphore_mem>>)
      %dma_wait3A = arith.constant 256 : i32
      %dma_wait3A_618 = tpu.memref_slice %arg14[%dma_wait3A] : memref<448xf32, #tpu.memory_space<vmem>> -> memref<16xf32, #tpu.memory_space<vmem>>
      %dma_wait3A_619 = tpu.memref_slice %arg16[%mul3A_556] : memref<7168xf32, #tpu.memory_space<vmem_shared>> -> memref<16xf32, #tpu.memory_space<vmem_shared>>
      %dma_wait3A_620 = tpu.memref_slice %arg16[%mul3A_556] : memref<7168xf32, #tpu.memory_space<vmem_shared>> -> memref<16xf32, #tpu.memory_space<vmem_shared>>
      %dma_wait3A_621 = arith.constant 256 : i32
      %dma_wait3A_622 = tpu.memref_slice %arg14[%dma_wait3A_621] : memref<448xf32, #tpu.memory_space<vmem>> -> memref<16xf32, #tpu.memory_space<vmem>>
      tpu.wait_dma2 semaphore(%run_scoped3A : memref<!tpu.dma_semaphore, #tpu.memory_space<semaphore_mem>>) src(%dma_wait3A_622 : memref<16xf32, #tpu.memory_space<vmem>>) dst(%dma_wait3A_620 : memref<16xf32, #tpu.memory_space<vmem_shared>>)
      tpu.yield
    }) : () -> ()
    %add3A_557 = arith.constant 272 : i32
    %add3A_558 = arith.addi %add3A_557, %arg1 : i32
    %mul3A_559 = arith.constant 16 : i32
    %mul3A_560 = arith.muli %add3A_558, %mul3A_559 : i32
    "tpu.region"() ({
      %run_scoped3A = tpu.sem_alloc : memref<!tpu.dma_semaphore, #tpu.memory_space<semaphore_mem>>
      %dma_start3A_612 = arith.constant 272 : i32
      %dma_start3A_613 = tpu.memref_slice %arg14[%dma_start3A_612] : memref<448xf32, #tpu.memory_space<vmem>> -> memref<16xf32, #tpu.memory_space<vmem>>
      %dma_start3A_614 = tpu.memref_slice %arg16[%mul3A_560] : memref<7168xf32, #tpu.memory_space<vmem_shared>> -> memref<16xf32, #tpu.memory_space<vmem_shared>>
      %dma_start3A_615 = tpu.memref_slice %arg16[%mul3A_560] : memref<7168xf32, #tpu.memory_space<vmem_shared>> -> memref<16xf32, #tpu.memory_space<vmem_shared>>
      %dma_start3A_616 = arith.constant 272 : i32
      %dma_start3A_617 = tpu.memref_slice %arg14[%dma_start3A_616] : memref<448xf32, #tpu.memory_space<vmem>> -> memref<16xf32, #tpu.memory_space<vmem>>
      tpu.enqueue_dma source(%dma_start3A_617 : memref<16xf32, #tpu.memory_space<vmem>>) target(%dma_start3A_615 : memref<16xf32, #tpu.memory_space<vmem_shared>>) target_semaphore(%run_scoped3A : memref<!tpu.dma_semaphore, #tpu.memory_space<semaphore_mem>>)
      %dma_wait3A = arith.constant 272 : i32
      %dma_wait3A_618 = tpu.memref_slice %arg14[%dma_wait3A] : memref<448xf32, #tpu.memory_space<vmem>> -> memref<16xf32, #tpu.memory_space<vmem>>
      %dma_wait3A_619 = tpu.memref_slice %arg16[%mul3A_560] : memref<7168xf32, #tpu.memory_space<vmem_shared>> -> memref<16xf32, #tpu.memory_space<vmem_shared>>
      %dma_wait3A_620 = tpu.memref_slice %arg16[%mul3A_560] : memref<7168xf32, #tpu.memory_space<vmem_shared>> -> memref<16xf32, #tpu.memory_space<vmem_shared>>
      %dma_wait3A_621 = arith.constant 272 : i32
      %dma_wait3A_622 = tpu.memref_slice %arg14[%dma_wait3A_621] : memref<448xf32, #tpu.memory_space<vmem>> -> memref<16xf32, #tpu.memory_space<vmem>>
      tpu.wait_dma2 semaphore(%run_scoped3A : memref<!tpu.dma_semaphore, #tpu.memory_space<semaphore_mem>>) src(%dma_wait3A_622 : memref<16xf32, #tpu.memory_space<vmem>>) dst(%dma_wait3A_620 : memref<16xf32, #tpu.memory_space<vmem_shared>>)
      tpu.yield
    }) : () -> ()
    %add3A_561 = arith.constant 288 : i32
    %add3A_562 = arith.addi %add3A_561, %arg1 : i32
    %mul3A_563 = arith.constant 16 : i32
    %mul3A_564 = arith.muli %add3A_562, %mul3A_563 : i32
    "tpu.region"() ({
      %run_scoped3A = tpu.sem_alloc : memref<!tpu.dma_semaphore, #tpu.memory_space<semaphore_mem>>
      %dma_start3A_612 = arith.constant 288 : i32
      %dma_start3A_613 = tpu.memref_slice %arg14[%dma_start3A_612] : memref<448xf32, #tpu.memory_space<vmem>> -> memref<16xf32, #tpu.memory_space<vmem>>
      %dma_start3A_614 = tpu.memref_slice %arg16[%mul3A_564] : memref<7168xf32, #tpu.memory_space<vmem_shared>> -> memref<16xf32, #tpu.memory_space<vmem_shared>>
      %dma_start3A_615 = tpu.memref_slice %arg16[%mul3A_564] : memref<7168xf32, #tpu.memory_space<vmem_shared>> -> memref<16xf32, #tpu.memory_space<vmem_shared>>
      %dma_start3A_616 = arith.constant 288 : i32
      %dma_start3A_617 = tpu.memref_slice %arg14[%dma_start3A_616] : memref<448xf32, #tpu.memory_space<vmem>> -> memref<16xf32, #tpu.memory_space<vmem>>
      tpu.enqueue_dma source(%dma_start3A_617 : memref<16xf32, #tpu.memory_space<vmem>>) target(%dma_start3A_615 : memref<16xf32, #tpu.memory_space<vmem_shared>>) target_semaphore(%run_scoped3A : memref<!tpu.dma_semaphore, #tpu.memory_space<semaphore_mem>>)
      %dma_wait3A = arith.constant 288 : i32
      %dma_wait3A_618 = tpu.memref_slice %arg14[%dma_wait3A] : memref<448xf32, #tpu.memory_space<vmem>> -> memref<16xf32, #tpu.memory_space<vmem>>
      %dma_wait3A_619 = tpu.memref_slice %arg16[%mul3A_564] : memref<7168xf32, #tpu.memory_space<vmem_shared>> -> memref<16xf32, #tpu.memory_space<vmem_shared>>
      %dma_wait3A_620 = tpu.memref_slice %arg16[%mul3A_564] : memref<7168xf32, #tpu.memory_space<vmem_shared>> -> memref<16xf32, #tpu.memory_space<vmem_shared>>
      %dma_wait3A_621 = arith.constant 288 : i32
      %dma_wait3A_622 = tpu.memref_slice %arg14[%dma_wait3A_621] : memref<448xf32, #tpu.memory_space<vmem>> -> memref<16xf32, #tpu.memory_space<vmem>>
      tpu.wait_dma2 semaphore(%run_scoped3A : memref<!tpu.dma_semaphore, #tpu.memory_space<semaphore_mem>>) src(%dma_wait3A_622 : memref<16xf32, #tpu.memory_space<vmem>>) dst(%dma_wait3A_620 : memref<16xf32, #tpu.memory_space<vmem_shared>>)
      tpu.yield
    }) : () -> ()
    %add3A_565 = arith.constant 304 : i32
    %add3A_566 = arith.addi %add3A_565, %arg1 : i32
    %mul3A_567 = arith.constant 16 : i32
    %mul3A_568 = arith.muli %add3A_566, %mul3A_567 : i32
    "tpu.region"() ({
      %run_scoped3A = tpu.sem_alloc : memref<!tpu.dma_semaphore, #tpu.memory_space<semaphore_mem>>
      %dma_start3A_612 = arith.constant 304 : i32
      %dma_start3A_613 = tpu.memref_slice %arg14[%dma_start3A_612] : memref<448xf32, #tpu.memory_space<vmem>> -> memref<16xf32, #tpu.memory_space<vmem>>
      %dma_start3A_614 = tpu.memref_slice %arg16[%mul3A_568] : memref<7168xf32, #tpu.memory_space<vmem_shared>> -> memref<16xf32, #tpu.memory_space<vmem_shared>>
      %dma_start3A_615 = tpu.memref_slice %arg16[%mul3A_568] : memref<7168xf32, #tpu.memory_space<vmem_shared>> -> memref<16xf32, #tpu.memory_space<vmem_shared>>
      %dma_start3A_616 = arith.constant 304 : i32
      %dma_start3A_617 = tpu.memref_slice %arg14[%dma_start3A_616] : memref<448xf32, #tpu.memory_space<vmem>> -> memref<16xf32, #tpu.memory_space<vmem>>
      tpu.enqueue_dma source(%dma_start3A_617 : memref<16xf32, #tpu.memory_space<vmem>>) target(%dma_start3A_615 : memref<16xf32, #tpu.memory_space<vmem_shared>>) target_semaphore(%run_scoped3A : memref<!tpu.dma_semaphore, #tpu.memory_space<semaphore_mem>>)
      %dma_wait3A = arith.constant 304 : i32
      %dma_wait3A_618 = tpu.memref_slice %arg14[%dma_wait3A] : memref<448xf32, #tpu.memory_space<vmem>> -> memref<16xf32, #tpu.memory_space<vmem>>
      %dma_wait3A_619 = tpu.memref_slice %arg16[%mul3A_568] : memref<7168xf32, #tpu.memory_space<vmem_shared>> -> memref<16xf32, #tpu.memory_space<vmem_shared>>
      %dma_wait3A_620 = tpu.memref_slice %arg16[%mul3A_568] : memref<7168xf32, #tpu.memory_space<vmem_shared>> -> memref<16xf32, #tpu.memory_space<vmem_shared>>
      %dma_wait3A_621 = arith.constant 304 : i32
      %dma_wait3A_622 = tpu.memref_slice %arg14[%dma_wait3A_621] : memref<448xf32, #tpu.memory_space<vmem>> -> memref<16xf32, #tpu.memory_space<vmem>>
      tpu.wait_dma2 semaphore(%run_scoped3A : memref<!tpu.dma_semaphore, #tpu.memory_space<semaphore_mem>>) src(%dma_wait3A_622 : memref<16xf32, #tpu.memory_space<vmem>>) dst(%dma_wait3A_620 : memref<16xf32, #tpu.memory_space<vmem_shared>>)
      tpu.yield
    }) : () -> ()
    %add3A_569 = arith.constant 320 : i32
    %add3A_570 = arith.addi %add3A_569, %arg1 : i32
    %mul3A_571 = arith.constant 16 : i32
    %mul3A_572 = arith.muli %add3A_570, %mul3A_571 : i32
    "tpu.region"() ({
      %run_scoped3A = tpu.sem_alloc : memref<!tpu.dma_semaphore, #tpu.memory_space<semaphore_mem>>
      %dma_start3A_612 = arith.constant 320 : i32
      %dma_start3A_613 = tpu.memref_slice %arg14[%dma_start3A_612] : memref<448xf32, #tpu.memory_space<vmem>> -> memref<16xf32, #tpu.memory_space<vmem>>
      %dma_start3A_614 = tpu.memref_slice %arg16[%mul3A_572] : memref<7168xf32, #tpu.memory_space<vmem_shared>> -> memref<16xf32, #tpu.memory_space<vmem_shared>>
      %dma_start3A_615 = tpu.memref_slice %arg16[%mul3A_572] : memref<7168xf32, #tpu.memory_space<vmem_shared>> -> memref<16xf32, #tpu.memory_space<vmem_shared>>
      %dma_start3A_616 = arith.constant 320 : i32
      %dma_start3A_617 = tpu.memref_slice %arg14[%dma_start3A_616] : memref<448xf32, #tpu.memory_space<vmem>> -> memref<16xf32, #tpu.memory_space<vmem>>
      tpu.enqueue_dma source(%dma_start3A_617 : memref<16xf32, #tpu.memory_space<vmem>>) target(%dma_start3A_615 : memref<16xf32, #tpu.memory_space<vmem_shared>>) target_semaphore(%run_scoped3A : memref<!tpu.dma_semaphore, #tpu.memory_space<semaphore_mem>>)
      %dma_wait3A = arith.constant 320 : i32
      %dma_wait3A_618 = tpu.memref_slice %arg14[%dma_wait3A] : memref<448xf32, #tpu.memory_space<vmem>> -> memref<16xf32, #tpu.memory_space<vmem>>
      %dma_wait3A_619 = tpu.memref_slice %arg16[%mul3A_572] : memref<7168xf32, #tpu.memory_space<vmem_shared>> -> memref<16xf32, #tpu.memory_space<vmem_shared>>
      %dma_wait3A_620 = tpu.memref_slice %arg16[%mul3A_572] : memref<7168xf32, #tpu.memory_space<vmem_shared>> -> memref<16xf32, #tpu.memory_space<vmem_shared>>
      %dma_wait3A_621 = arith.constant 320 : i32
      %dma_wait3A_622 = tpu.memref_slice %arg14[%dma_wait3A_621] : memref<448xf32, #tpu.memory_space<vmem>> -> memref<16xf32, #tpu.memory_space<vmem>>
      tpu.wait_dma2 semaphore(%run_scoped3A : memref<!tpu.dma_semaphore, #tpu.memory_space<semaphore_mem>>) src(%dma_wait3A_622 : memref<16xf32, #tpu.memory_space<vmem>>) dst(%dma_wait3A_620 : memref<16xf32, #tpu.memory_space<vmem_shared>>)
      tpu.yield
    }) : () -> ()
    %add3A_573 = arith.constant 336 : i32
    %add3A_574 = arith.addi %add3A_573, %arg1 : i32
    %mul3A_575 = arith.constant 16 : i32
    %mul3A_576 = arith.muli %add3A_574, %mul3A_575 : i32
    "tpu.region"() ({
      %run_scoped3A = tpu.sem_alloc : memref<!tpu.dma_semaphore, #tpu.memory_space<semaphore_mem>>
      %dma_start3A_612 = arith.constant 336 : i32
      %dma_start3A_613 = tpu.memref_slice %arg14[%dma_start3A_612] : memref<448xf32, #tpu.memory_space<vmem>> -> memref<16xf32, #tpu.memory_space<vmem>>
      %dma_start3A_614 = tpu.memref_slice %arg16[%mul3A_576] : memref<7168xf32, #tpu.memory_space<vmem_shared>> -> memref<16xf32, #tpu.memory_space<vmem_shared>>
      %dma_start3A_615 = tpu.memref_slice %arg16[%mul3A_576] : memref<7168xf32, #tpu.memory_space<vmem_shared>> -> memref<16xf32, #tpu.memory_space<vmem_shared>>
      %dma_start3A_616 = arith.constant 336 : i32
      %dma_start3A_617 = tpu.memref_slice %arg14[%dma_start3A_616] : memref<448xf32, #tpu.memory_space<vmem>> -> memref<16xf32, #tpu.memory_space<vmem>>
      tpu.enqueue_dma source(%dma_start3A_617 : memref<16xf32, #tpu.memory_space<vmem>>) target(%dma_start3A_615 : memref<16xf32, #tpu.memory_space<vmem_shared>>) target_semaphore(%run_scoped3A : memref<!tpu.dma_semaphore, #tpu.memory_space<semaphore_mem>>)
      %dma_wait3A = arith.constant 336 : i32
      %dma_wait3A_618 = tpu.memref_slice %arg14[%dma_wait3A] : memref<448xf32, #tpu.memory_space<vmem>> -> memref<16xf32, #tpu.memory_space<vmem>>
      %dma_wait3A_619 = tpu.memref_slice %arg16[%mul3A_576] : memref<7168xf32, #tpu.memory_space<vmem_shared>> -> memref<16xf32, #tpu.memory_space<vmem_shared>>
      %dma_wait3A_620 = tpu.memref_slice %arg16[%mul3A_576] : memref<7168xf32, #tpu.memory_space<vmem_shared>> -> memref<16xf32, #tpu.memory_space<vmem_shared>>
      %dma_wait3A_621 = arith.constant 336 : i32
      %dma_wait3A_622 = tpu.memref_slice %arg14[%dma_wait3A_621] : memref<448xf32, #tpu.memory_space<vmem>> -> memref<16xf32, #tpu.memory_space<vmem>>
      tpu.wait_dma2 semaphore(%run_scoped3A : memref<!tpu.dma_semaphore, #tpu.memory_space<semaphore_mem>>) src(%dma_wait3A_622 : memref<16xf32, #tpu.memory_space<vmem>>) dst(%dma_wait3A_620 : memref<16xf32, #tpu.memory_space<vmem_shared>>)
      tpu.yield
    }) : () -> ()
    %add3A_577 = arith.constant 352 : i32
    %add3A_578 = arith.addi %add3A_577, %arg1 : i32
    %mul3A_579 = arith.constant 16 : i32
    %mul3A_580 = arith.muli %add3A_578, %mul3A_579 : i32
    "tpu.region"() ({
      %run_scoped3A = tpu.sem_alloc : memref<!tpu.dma_semaphore, #tpu.memory_space<semaphore_mem>>
      %dma_start3A_612 = arith.constant 352 : i32
      %dma_start3A_613 = tpu.memref_slice %arg14[%dma_start3A_612] : memref<448xf32, #tpu.memory_space<vmem>> -> memref<16xf32, #tpu.memory_space<vmem>>
      %dma_start3A_614 = tpu.memref_slice %arg16[%mul3A_580] : memref<7168xf32, #tpu.memory_space<vmem_shared>> -> memref<16xf32, #tpu.memory_space<vmem_shared>>
      %dma_start3A_615 = tpu.memref_slice %arg16[%mul3A_580] : memref<7168xf32, #tpu.memory_space<vmem_shared>> -> memref<16xf32, #tpu.memory_space<vmem_shared>>
      %dma_start3A_616 = arith.constant 352 : i32
      %dma_start3A_617 = tpu.memref_slice %arg14[%dma_start3A_616] : memref<448xf32, #tpu.memory_space<vmem>> -> memref<16xf32, #tpu.memory_space<vmem>>
      tpu.enqueue_dma source(%dma_start3A_617 : memref<16xf32, #tpu.memory_space<vmem>>) target(%dma_start3A_615 : memref<16xf32, #tpu.memory_space<vmem_shared>>) target_semaphore(%run_scoped3A : memref<!tpu.dma_semaphore, #tpu.memory_space<semaphore_mem>>)
      %dma_wait3A = arith.constant 352 : i32
      %dma_wait3A_618 = tpu.memref_slice %arg14[%dma_wait3A] : memref<448xf32, #tpu.memory_space<vmem>> -> memref<16xf32, #tpu.memory_space<vmem>>
      %dma_wait3A_619 = tpu.memref_slice %arg16[%mul3A_580] : memref<7168xf32, #tpu.memory_space<vmem_shared>> -> memref<16xf32, #tpu.memory_space<vmem_shared>>
      %dma_wait3A_620 = tpu.memref_slice %arg16[%mul3A_580] : memref<7168xf32, #tpu.memory_space<vmem_shared>> -> memref<16xf32, #tpu.memory_space<vmem_shared>>
      %dma_wait3A_621 = arith.constant 352 : i32
      %dma_wait3A_622 = tpu.memref_slice %arg14[%dma_wait3A_621] : memref<448xf32, #tpu.memory_space<vmem>> -> memref<16xf32, #tpu.memory_space<vmem>>
      tpu.wait_dma2 semaphore(%run_scoped3A : memref<!tpu.dma_semaphore, #tpu.memory_space<semaphore_mem>>) src(%dma_wait3A_622 : memref<16xf32, #tpu.memory_space<vmem>>) dst(%dma_wait3A_620 : memref<16xf32, #tpu.memory_space<vmem_shared>>)
      tpu.yield
    }) : () -> ()
    %add3A_581 = arith.constant 368 : i32
    %add3A_582 = arith.addi %add3A_581, %arg1 : i32
    %mul3A_583 = arith.constant 16 : i32
    %mul3A_584 = arith.muli %add3A_582, %mul3A_583 : i32
    "tpu.region"() ({
      %run_scoped3A = tpu.sem_alloc : memref<!tpu.dma_semaphore, #tpu.memory_space<semaphore_mem>>
      %dma_start3A_612 = arith.constant 368 : i32
      %dma_start3A_613 = tpu.memref_slice %arg14[%dma_start3A_612] : memref<448xf32, #tpu.memory_space<vmem>> -> memref<16xf32, #tpu.memory_space<vmem>>
      %dma_start3A_614 = tpu.memref_slice %arg16[%mul3A_584] : memref<7168xf32, #tpu.memory_space<vmem_shared>> -> memref<16xf32, #tpu.memory_space<vmem_shared>>
      %dma_start3A_615 = tpu.memref_slice %arg16[%mul3A_584] : memref<7168xf32, #tpu.memory_space<vmem_shared>> -> memref<16xf32, #tpu.memory_space<vmem_shared>>
      %dma_start3A_616 = arith.constant 368 : i32
      %dma_start3A_617 = tpu.memref_slice %arg14[%dma_start3A_616] : memref<448xf32, #tpu.memory_space<vmem>> -> memref<16xf32, #tpu.memory_space<vmem>>
      tpu.enqueue_dma source(%dma_start3A_617 : memref<16xf32, #tpu.memory_space<vmem>>) target(%dma_start3A_615 : memref<16xf32, #tpu.memory_space<vmem_shared>>) target_semaphore(%run_scoped3A : memref<!tpu.dma_semaphore, #tpu.memory_space<semaphore_mem>>)
      %dma_wait3A = arith.constant 368 : i32
      %dma_wait3A_618 = tpu.memref_slice %arg14[%dma_wait3A] : memref<448xf32, #tpu.memory_space<vmem>> -> memref<16xf32, #tpu.memory_space<vmem>>
      %dma_wait3A_619 = tpu.memref_slice %arg16[%mul3A_584] : memref<7168xf32, #tpu.memory_space<vmem_shared>> -> memref<16xf32, #tpu.memory_space<vmem_shared>>
      %dma_wait3A_620 = tpu.memref_slice %arg16[%mul3A_584] : memref<7168xf32, #tpu.memory_space<vmem_shared>> -> memref<16xf32, #tpu.memory_space<vmem_shared>>
      %dma_wait3A_621 = arith.constant 368 : i32
      %dma_wait3A_622 = tpu.memref_slice %arg14[%dma_wait3A_621] : memref<448xf32, #tpu.memory_space<vmem>> -> memref<16xf32, #tpu.memory_space<vmem>>
      tpu.wait_dma2 semaphore(%run_scoped3A : memref<!tpu.dma_semaphore, #tpu.memory_space<semaphore_mem>>) src(%dma_wait3A_622 : memref<16xf32, #tpu.memory_space<vmem>>) dst(%dma_wait3A_620 : memref<16xf32, #tpu.memory_space<vmem_shared>>)
      tpu.yield
    }) : () -> ()
    %add3A_585 = arith.constant 384 : i32
    %add3A_586 = arith.addi %add3A_585, %arg1 : i32
    %mul3A_587 = arith.constant 16 : i32
    %mul3A_588 = arith.muli %add3A_586, %mul3A_587 : i32
    "tpu.region"() ({
      %run_scoped3A = tpu.sem_alloc : memref<!tpu.dma_semaphore, #tpu.memory_space<semaphore_mem>>
      %dma_start3A_612 = arith.constant 384 : i32
      %dma_start3A_613 = tpu.memref_slice %arg14[%dma_start3A_612] : memref<448xf32, #tpu.memory_space<vmem>> -> memref<16xf32, #tpu.memory_space<vmem>>
      %dma_start3A_614 = tpu.memref_slice %arg16[%mul3A_588] : memref<7168xf32, #tpu.memory_space<vmem_shared>> -> memref<16xf32, #tpu.memory_space<vmem_shared>>
      %dma_start3A_615 = tpu.memref_slice %arg16[%mul3A_588] : memref<7168xf32, #tpu.memory_space<vmem_shared>> -> memref<16xf32, #tpu.memory_space<vmem_shared>>
      %dma_start3A_616 = arith.constant 384 : i32
      %dma_start3A_617 = tpu.memref_slice %arg14[%dma_start3A_616] : memref<448xf32, #tpu.memory_space<vmem>> -> memref<16xf32, #tpu.memory_space<vmem>>
      tpu.enqueue_dma source(%dma_start3A_617 : memref<16xf32, #tpu.memory_space<vmem>>) target(%dma_start3A_615 : memref<16xf32, #tpu.memory_space<vmem_shared>>) target_semaphore(%run_scoped3A : memref<!tpu.dma_semaphore, #tpu.memory_space<semaphore_mem>>)
      %dma_wait3A = arith.constant 384 : i32
      %dma_wait3A_618 = tpu.memref_slice %arg14[%dma_wait3A] : memref<448xf32, #tpu.memory_space<vmem>> -> memref<16xf32, #tpu.memory_space<vmem>>
      %dma_wait3A_619 = tpu.memref_slice %arg16[%mul3A_588] : memref<7168xf32, #tpu.memory_space<vmem_shared>> -> memref<16xf32, #tpu.memory_space<vmem_shared>>
      %dma_wait3A_620 = tpu.memref_slice %arg16[%mul3A_588] : memref<7168xf32, #tpu.memory_space<vmem_shared>> -> memref<16xf32, #tpu.memory_space<vmem_shared>>
      %dma_wait3A_621 = arith.constant 384 : i32
      %dma_wait3A_622 = tpu.memref_slice %arg14[%dma_wait3A_621] : memref<448xf32, #tpu.memory_space<vmem>> -> memref<16xf32, #tpu.memory_space<vmem>>
      tpu.wait_dma2 semaphore(%run_scoped3A : memref<!tpu.dma_semaphore, #tpu.memory_space<semaphore_mem>>) src(%dma_wait3A_622 : memref<16xf32, #tpu.memory_space<vmem>>) dst(%dma_wait3A_620 : memref<16xf32, #tpu.memory_space<vmem_shared>>)
      tpu.yield
    }) : () -> ()
    %add3A_589 = arith.constant 400 : i32
    %add3A_590 = arith.addi %add3A_589, %arg1 : i32
    %mul3A_591 = arith.constant 16 : i32
    %mul3A_592 = arith.muli %add3A_590, %mul3A_591 : i32
    "tpu.region"() ({
      %run_scoped3A = tpu.sem_alloc : memref<!tpu.dma_semaphore, #tpu.memory_space<semaphore_mem>>
      %dma_start3A_612 = arith.constant 400 : i32
      %dma_start3A_613 = tpu.memref_slice %arg14[%dma_start3A_612] : memref<448xf32, #tpu.memory_space<vmem>> -> memref<16xf32, #tpu.memory_space<vmem>>
      %dma_start3A_614 = tpu.memref_slice %arg16[%mul3A_592] : memref<7168xf32, #tpu.memory_space<vmem_shared>> -> memref<16xf32, #tpu.memory_space<vmem_shared>>
      %dma_start3A_615 = tpu.memref_slice %arg16[%mul3A_592] : memref<7168xf32, #tpu.memory_space<vmem_shared>> -> memref<16xf32, #tpu.memory_space<vmem_shared>>
      %dma_start3A_616 = arith.constant 400 : i32
      %dma_start3A_617 = tpu.memref_slice %arg14[%dma_start3A_616] : memref<448xf32, #tpu.memory_space<vmem>> -> memref<16xf32, #tpu.memory_space<vmem>>
      tpu.enqueue_dma source(%dma_start3A_617 : memref<16xf32, #tpu.memory_space<vmem>>) target(%dma_start3A_615 : memref<16xf32, #tpu.memory_space<vmem_shared>>) target_semaphore(%run_scoped3A : memref<!tpu.dma_semaphore, #tpu.memory_space<semaphore_mem>>)
      %dma_wait3A = arith.constant 400 : i32
      %dma_wait3A_618 = tpu.memref_slice %arg14[%dma_wait3A] : memref<448xf32, #tpu.memory_space<vmem>> -> memref<16xf32, #tpu.memory_space<vmem>>
      %dma_wait3A_619 = tpu.memref_slice %arg16[%mul3A_592] : memref<7168xf32, #tpu.memory_space<vmem_shared>> -> memref<16xf32, #tpu.memory_space<vmem_shared>>
      %dma_wait3A_620 = tpu.memref_slice %arg16[%mul3A_592] : memref<7168xf32, #tpu.memory_space<vmem_shared>> -> memref<16xf32, #tpu.memory_space<vmem_shared>>
      %dma_wait3A_621 = arith.constant 400 : i32
      %dma_wait3A_622 = tpu.memref_slice %arg14[%dma_wait3A_621] : memref<448xf32, #tpu.memory_space<vmem>> -> memref<16xf32, #tpu.memory_space<vmem>>
      tpu.wait_dma2 semaphore(%run_scoped3A : memref<!tpu.dma_semaphore, #tpu.memory_space<semaphore_mem>>) src(%dma_wait3A_622 : memref<16xf32, #tpu.memory_space<vmem>>) dst(%dma_wait3A_620 : memref<16xf32, #tpu.memory_space<vmem_shared>>)
      tpu.yield
    }) : () -> ()
    %add3A_593 = arith.constant 416 : i32
    %add3A_594 = arith.addi %add3A_593, %arg1 : i32
    %mul3A_595 = arith.constant 16 : i32
    %mul3A_596 = arith.muli %add3A_594, %mul3A_595 : i32
    "tpu.region"() ({
      %run_scoped3A = tpu.sem_alloc : memref<!tpu.dma_semaphore, #tpu.memory_space<semaphore_mem>>
      %dma_start3A_612 = arith.constant 416 : i32
      %dma_start3A_613 = tpu.memref_slice %arg14[%dma_start3A_612] : memref<448xf32, #tpu.memory_space<vmem>> -> memref<16xf32, #tpu.memory_space<vmem>>
      %dma_start3A_614 = tpu.memref_slice %arg16[%mul3A_596] : memref<7168xf32, #tpu.memory_space<vmem_shared>> -> memref<16xf32, #tpu.memory_space<vmem_shared>>
      %dma_start3A_615 = tpu.memref_slice %arg16[%mul3A_596] : memref<7168xf32, #tpu.memory_space<vmem_shared>> -> memref<16xf32, #tpu.memory_space<vmem_shared>>
      %dma_start3A_616 = arith.constant 416 : i32
      %dma_start3A_617 = tpu.memref_slice %arg14[%dma_start3A_616] : memref<448xf32, #tpu.memory_space<vmem>> -> memref<16xf32, #tpu.memory_space<vmem>>
      tpu.enqueue_dma source(%dma_start3A_617 : memref<16xf32, #tpu.memory_space<vmem>>) target(%dma_start3A_615 : memref<16xf32, #tpu.memory_space<vmem_shared>>) target_semaphore(%run_scoped3A : memref<!tpu.dma_semaphore, #tpu.memory_space<semaphore_mem>>)
      %dma_wait3A = arith.constant 416 : i32
      %dma_wait3A_618 = tpu.memref_slice %arg14[%dma_wait3A] : memref<448xf32, #tpu.memory_space<vmem>> -> memref<16xf32, #tpu.memory_space<vmem>>
      %dma_wait3A_619 = tpu.memref_slice %arg16[%mul3A_596] : memref<7168xf32, #tpu.memory_space<vmem_shared>> -> memref<16xf32, #tpu.memory_space<vmem_shared>>
      %dma_wait3A_620 = tpu.memref_slice %arg16[%mul3A_596] : memref<7168xf32, #tpu.memory_space<vmem_shared>> -> memref<16xf32, #tpu.memory_space<vmem_shared>>
      %dma_wait3A_621 = arith.constant 416 : i32
      %dma_wait3A_622 = tpu.memref_slice %arg14[%dma_wait3A_621] : memref<448xf32, #tpu.memory_space<vmem>> -> memref<16xf32, #tpu.memory_space<vmem>>
      tpu.wait_dma2 semaphore(%run_scoped3A : memref<!tpu.dma_semaphore, #tpu.memory_space<semaphore_mem>>) src(%dma_wait3A_622 : memref<16xf32, #tpu.memory_space<vmem>>) dst(%dma_wait3A_620 : memref<16xf32, #tpu.memory_space<vmem_shared>>)
      tpu.yield
    }) : () -> ()
    %add3A_597 = arith.constant 432 : i32
    %add3A_598 = arith.addi %add3A_597, %arg1 : i32
    %mul3A_599 = arith.constant 16 : i32
    %mul3A_600 = arith.muli %add3A_598, %mul3A_599 : i32
    "tpu.region"() ({
      %run_scoped3A = tpu.sem_alloc : memref<!tpu.dma_semaphore, #tpu.memory_space<semaphore_mem>>
      %dma_start3A_612 = arith.constant 432 : i32
      %dma_start3A_613 = tpu.memref_slice %arg14[%dma_start3A_612] : memref<448xf32, #tpu.memory_space<vmem>> -> memref<16xf32, #tpu.memory_space<vmem>>
      %dma_start3A_614 = tpu.memref_slice %arg16[%mul3A_600] : memref<7168xf32, #tpu.memory_space<vmem_shared>> -> memref<16xf32, #tpu.memory_space<vmem_shared>>
      %dma_start3A_615 = tpu.memref_slice %arg16[%mul3A_600] : memref<7168xf32, #tpu.memory_space<vmem_shared>> -> memref<16xf32, #tpu.memory_space<vmem_shared>>
      %dma_start3A_616 = arith.constant 432 : i32
      %dma_start3A_617 = tpu.memref_slice %arg14[%dma_start3A_616] : memref<448xf32, #tpu.memory_space<vmem>> -> memref<16xf32, #tpu.memory_space<vmem>>
      tpu.enqueue_dma source(%dma_start3A_617 : memref<16xf32, #tpu.memory_space<vmem>>) target(%dma_start3A_615 : memref<16xf32, #tpu.memory_space<vmem_shared>>) target_semaphore(%run_scoped3A : memref<!tpu.dma_semaphore, #tpu.memory_space<semaphore_mem>>)
      %dma_wait3A = arith.constant 432 : i32
      %dma_wait3A_618 = tpu.memref_slice %arg14[%dma_wait3A] : memref<448xf32, #tpu.memory_space<vmem>> -> memref<16xf32, #tpu.memory_space<vmem>>
      %dma_wait3A_619 = tpu.memref_slice %arg16[%mul3A_600] : memref<7168xf32, #tpu.memory_space<vmem_shared>> -> memref<16xf32, #tpu.memory_space<vmem_shared>>
      %dma_wait3A_620 = tpu.memref_slice %arg16[%mul3A_600] : memref<7168xf32, #tpu.memory_space<vmem_shared>> -> memref<16xf32, #tpu.memory_space<vmem_shared>>
      %dma_wait3A_621 = arith.constant 432 : i32
      %dma_wait3A_622 = tpu.memref_slice %arg14[%dma_wait3A_621] : memref<448xf32, #tpu.memory_space<vmem>> -> memref<16xf32, #tpu.memory_space<vmem>>
      tpu.wait_dma2 semaphore(%run_scoped3A : memref<!tpu.dma_semaphore, #tpu.memory_space<semaphore_mem>>) src(%dma_wait3A_622 : memref<16xf32, #tpu.memory_space<vmem>>) dst(%dma_wait3A_620 : memref<16xf32, #tpu.memory_space<vmem_shared>>)
      tpu.yield
    }) : () -> ()
    %barrier3A = arith.constant 0 : index
    tpu.barrier barrier_id(%barrier3A)
    %add3A_601 = arith.constant 0 : i32
    %add3A_602 = arith.addi %arg1, %add3A_601 : i32
    %lt3A = arith.constant 28 : i32
    %lt3A_603 = arith.cmpi slt, %add3A_602, %lt3A : i32
    %convert_element_type3A = arith.extui %lt3A_603 : i1 to i32
    %cond3A = arith.constant 0 : i32
    %cond3A_604 = arith.cmpi ne, %convert_element_type3A, %cond3A : i32
    scf.if %cond3A_604 {
      %mul3A_612 = arith.constant 16 : i32
      %mul3A_613 = arith.muli %add3A_602, %mul3A_612 : i32
      %mul3A_614 = arith.constant 16 : i32
      %mul3A_615 = arith.muli %mul3A_613, %mul3A_614 : i32
      "tpu.region"() ({
        %run_scoped3A = tpu.sem_alloc : memref<!tpu.dma_semaphore, #tpu.memory_space<semaphore_mem>>
        %dma_start3A_668 = tpu.memref_slice %arg16[%mul3A_615] : memref<7168xf32, #tpu.memory_space<vmem_shared>> -> memref<256xf32, #tpu.memory_space<vmem_shared>>
        %dma_start3A_669 = tpu.memref_slice %arg16[%mul3A_615] : memref<7168xf32, #tpu.memory_space<vmem_shared>> -> memref<256xf32, #tpu.memory_space<vmem_shared>>
        tpu.enqueue_dma source(%dma_start3A_669 : memref<256xf32, #tpu.memory_space<vmem_shared>>) target(%arg15 : memref<256xf32, #tpu.memory_space<vmem>>) target_semaphore(%run_scoped3A : memref<!tpu.dma_semaphore, #tpu.memory_space<semaphore_mem>>)
        %dma_wait3A = tpu.memref_slice %arg16[%mul3A_615] : memref<7168xf32, #tpu.memory_space<vmem_shared>> -> memref<256xf32, #tpu.memory_space<vmem_shared>>
        %dma_wait3A_670 = tpu.memref_slice %arg16[%mul3A_615] : memref<7168xf32, #tpu.memory_space<vmem_shared>> -> memref<256xf32, #tpu.memory_space<vmem_shared>>
        tpu.wait_dma2 semaphore(%run_scoped3A : memref<!tpu.dma_semaphore, #tpu.memory_space<semaphore_mem>>) src(%dma_wait3A_670 : memref<256xf32, #tpu.memory_space<vmem_shared>>) dst(%arg15 : memref<256xf32, #tpu.memory_space<vmem>>)
        tpu.yield
      }) : () -> ()
      %get3A_616 = arith.constant 0 : index
      %get3A_617 = tpu.vector_load %arg15[%get3A_616] {strides = array<i32>} : memref<256xf32, #tpu.memory_space<vmem>>, vector<16xf32>,
      %add3A_618 = arith.addf %broadcast_in_dim3A_6, %get3A_617 : vector<16xf32>
      %get3A_619 = arith.constant 16 : index
      %get3A_620 = tpu.vector_load %arg15[%get3A_619] {strides = array<i32>} : memref<256xf32, #tpu.memory_space<vmem>>, vector<16xf32>,
      %add3A_621 = arith.addf %add3A_618, %get3A_620 : vector<16xf32>
      %get3A_622 = arith.constant 32 : index
      %get3A_623 = tpu.vector_load %arg15[%get3A_622] {strides = array<i32>} : memref<256xf32, #tpu.memory_space<vmem>>, vector<16xf32>,
      %add3A_624 = arith.addf %add3A_621, %get3A_623 : vector<16xf32>
      %get3A_625 = arith.constant 48 : index
      %get3A_626 = tpu.vector_load %arg15[%get3A_625] {strides = array<i32>} : memref<256xf32, #tpu.memory_space<vmem>>, vector<16xf32>,
      %add3A_627 = arith.addf %add3A_624, %get3A_626 : vector<16xf32>
      %get3A_628 = arith.constant 64 : index
      %get3A_629 = tpu.vector_load %arg15[%get3A_628] {strides = array<i32>} : memref<256xf32, #tpu.memory_space<vmem>>, vector<16xf32>,
      %add3A_630 = arith.addf %add3A_627, %get3A_629 : vector<16xf32>
      %get3A_631 = arith.constant 80 : index
      %get3A_632 = tpu.vector_load %arg15[%get3A_631] {strides = array<i32>} : memref<256xf32, #tpu.memory_space<vmem>>, vector<16xf32>,
      %add3A_633 = arith.addf %add3A_630, %get3A_632 : vector<16xf32>
      %get3A_634 = arith.constant 96 : index
      %get3A_635 = tpu.vector_load %arg15[%get3A_634] {strides = array<i32>} : memref<256xf32, #tpu.memory_space<vmem>>, vector<16xf32>,
      %add3A_636 = arith.addf %add3A_633, %get3A_635 : vector<16xf32>
      %get3A_637 = arith.constant 112 : index
      %get3A_638 = tpu.vector_load %arg15[%get3A_637] {strides = array<i32>} : memref<256xf32, #tpu.memory_space<vmem>>, vector<16xf32>,
      %add3A_639 = arith.addf %add3A_636, %get3A_638 : vector<16xf32>
      %get3A_640 = arith.constant 128 : index
      %get3A_641 = tpu.vector_load %arg15[%get3A_640] {strides = array<i32>} : memref<256xf32, #tpu.memory_space<vmem>>, vector<16xf32>,
      %add3A_642 = arith.addf %add3A_639, %get3A_641 : vector<16xf32>
      %get3A_643 = arith.constant 144 : index
      %get3A_644 = tpu.vector_load %arg15[%get3A_643] {strides = array<i32>} : memref<256xf32, #tpu.memory_space<vmem>>, vector<16xf32>,
      %add3A_645 = arith.addf %add3A_642, %get3A_644 : vector<16xf32>
      %get3A_646 = arith.constant 160 : index
      %get3A_647 = tpu.vector_load %arg15[%get3A_646] {strides = array<i32>} : memref<256xf32, #tpu.memory_space<vmem>>, vector<16xf32>,
      %add3A_648 = arith.addf %add3A_645, %get3A_647 : vector<16xf32>
      %get3A_649 = arith.constant 176 : index
      %get3A_650 = tpu.vector_load %arg15[%get3A_649] {strides = array<i32>} : memref<256xf32, #tpu.memory_space<vmem>>, vector<16xf32>,
      %add3A_651 = arith.addf %add3A_648, %get3A_650 : vector<16xf32>
      %get3A_652 = arith.constant 192 : index
      %get3A_653 = tpu.vector_load %arg15[%get3A_652] {strides = array<i32>} : memref<256xf32, #tpu.memory_space<vmem>>, vector<16xf32>,
      %add3A_654 = arith.addf %add3A_651, %get3A_653 : vector<16xf32>
      %get3A_655 = arith.constant 208 : index
      %get3A_656 = tpu.vector_load %arg15[%get3A_655] {strides = array<i32>} : memref<256xf32, #tpu.memory_space<vmem>>, vector<16xf32>,
      %add3A_657 = arith.addf %add3A_654, %get3A_656 : vector<16xf32>
      %get3A_658 = arith.constant 224 : index
      %get3A_659 = tpu.vector_load %arg15[%get3A_658] {strides = array<i32>} : memref<256xf32, #tpu.memory_space<vmem>>, vector<16xf32>,
      %add3A_660 = arith.addf %add3A_657, %get3A_659 : vector<16xf32>
      %get3A_661 = arith.constant 240 : index
      %get3A_662 = tpu.vector_load %arg15[%get3A_661] {strides = array<i32>} : memref<256xf32, #tpu.memory_space<vmem>>, vector<16xf32>,
      %add3A_663 = arith.addf %add3A_660, %get3A_662 : vector<16xf32>
      %swap3A_664 = arith.constant 0 : index
      %swap3A_665 = tpu.vector_load %arg14[%swap3A_664] {strides = array<i32>} : memref<448xf32, #tpu.memory_space<vmem>>, vector<16xf32>,
      tpu.vector_store %arg14[%swap3A_664], %add3A_663 {strides = array<i32>} : memref<448xf32, #tpu.memory_space<vmem>>, vector<16xf32>,
      %mul3A_666 = arith.constant 16 : i32
      %mul3A_667 = arith.muli %add3A_602, %mul3A_666 : i32
      "tpu.region"() ({
        %run_scoped3A = tpu.sem_alloc : memref<!tpu.dma_semaphore, #tpu.memory_space<semaphore_mem>>
        %dma_start3A_668 = arith.constant 0 : i32
        %dma_start3A_669 = tpu.memref_slice %arg14[%dma_start3A_668] : memref<448xf32, #tpu.memory_space<vmem>> -> memref<16xf32, #tpu.memory_space<vmem>>
        %dma_start3A_670 = arith.constant 0 : i32
        %dma_start3A_671 = tpu.memref_slice %arg6[%arg0, %dma_start3A_670] : memref<2x448xf32, #tpu.memory_space<hbm>> -> memref<1x448xf32, #tpu.memory_space<hbm>>
        %dma_start3A_672 = tpu.memref_squeeze %dma_start3A_671 : memref<1x448xf32, #tpu.memory_space<hbm>> -> memref<448xf32, #tpu.memory_space<hbm>>
        %dma_start3A_673 = tpu.memref_slice %dma_start3A_672[%mul3A_667] : memref<448xf32, #tpu.memory_space<hbm>> -> memref<16xf32, #tpu.memory_space<hbm>>
        %dma_start3A_674 = arith.constant 0 : i32
        %dma_start3A_675 = tpu.memref_slice %arg6[%arg0, %dma_start3A_674] : memref<2x448xf32, #tpu.memory_space<hbm>> -> memref<1x448xf32, #tpu.memory_space<hbm>>
        %dma_start3A_676 = tpu.memref_squeeze %dma_start3A_675 : memref<1x448xf32, #tpu.memory_space<hbm>> -> memref<448xf32, #tpu.memory_space<hbm>>
        %dma_start3A_677 = tpu.memref_slice %dma_start3A_676[%mul3A_667] : memref<448xf32, #tpu.memory_space<hbm>> -> memref<16xf32, #tpu.memory_space<hbm>>
        %dma_start3A_678 = arith.constant 0 : i32
        %dma_start3A_679 = tpu.memref_slice %arg14[%dma_start3A_678] : memref<448xf32, #tpu.memory_space<vmem>> -> memref<16xf32, #tpu.memory_space<vmem>>
        tpu.enqueue_dma source(%dma_start3A_679 : memref<16xf32, #tpu.memory_space<vmem>>) target(%dma_start3A_677 : memref<16xf32, #tpu.memory_space<hbm>>) target_semaphore(%run_scoped3A : memref<!tpu.dma_semaphore, #tpu.memory_space<semaphore_mem>>)
        %dma_wait3A = arith.constant 0 : i32
        %dma_wait3A_680 = tpu.memref_slice %arg14[%dma_wait3A] : memref<448xf32, #tpu.memory_space<vmem>> -> memref<16xf32, #tpu.memory_space<vmem>>
        %dma_wait3A_681 = arith.constant 0 : i32
        %dma_wait3A_682 = tpu.memref_slice %arg6[%arg0, %dma_wait3A_681] : memref<2x448xf32, #tpu.memory_space<hbm>> -> memref<1x448xf32, #tpu.memory_space<hbm>>
        %dma_wait3A_683 = tpu.memref_squeeze %dma_wait3A_682 : memref<1x448xf32, #tpu.memory_space<hbm>> -> memref<448xf32, #tpu.memory_space<hbm>>
        %dma_wait3A_684 = tpu.memref_slice %dma_wait3A_683[%mul3A_667] : memref<448xf32, #tpu.memory_space<hbm>> -> memref<16xf32, #tpu.memory_space<hbm>>
        %dma_wait3A_685 = arith.constant 0 : i32
        %dma_wait3A_686 = tpu.memref_slice %arg6[%arg0, %dma_wait3A_685] : memref<2x448xf32, #tpu.memory_space<hbm>> -> memref<1x448xf32, #tpu.memory_space<hbm>>
        %dma_wait3A_687 = tpu.memref_squeeze %dma_wait3A_686 : memref<1x448xf32, #tpu.memory_space<hbm>> -> memref<448xf32, #tpu.memory_space<hbm>>
        %dma_wait3A_688 = tpu.memref_slice %dma_wait3A_687[%mul3A_667] : memref<448xf32, #tpu.memory_space<hbm>> -> memref<16xf32, #tpu.memory_space<hbm>>
        %dma_wait3A_689 = arith.constant 0 : i32
        %dma_wait3A_690 = tpu.memref_slice %arg14[%dma_wait3A_689] : memref<448xf32, #tpu.memory_space<vmem>> -> memref<16xf32, #tpu.memory_space<vmem>>
        tpu.wait_dma2 semaphore(%run_scoped3A : memref<!tpu.dma_semaphore, #tpu.memory_space<semaphore_mem>>) src(%dma_wait3A_690 : memref<16xf32, #tpu.memory_space<vmem>>) dst(%dma_wait3A_688 : memref<16xf32, #tpu.memory_space<hbm>>)
        tpu.yield
      }) : () -> ()
    } else {
    }
    %add3A_605 = arith.constant 16 : i32
    %add3A_606 = arith.addi %arg1, %add3A_605 : i32
    %lt3A_607 = arith.constant 28 : i32
    %lt3A_608 = arith.cmpi slt, %add3A_606, %lt3A_607 : i32
    %convert_element_type3A_609 = arith.extui %lt3A_608 : i1 to i32
    %cond3A_610 = arith.constant 0 : i32
    %cond3A_611 = arith.cmpi ne, %convert_element_type3A_609, %cond3A_610 : i32
    scf.if %cond3A_611 {
      %mul3A_612 = arith.constant 16 : i32
      %mul3A_613 = arith.muli %add3A_606, %mul3A_612 : i32
      %mul3A_614 = arith.constant 16 : i32
      %mul3A_615 = arith.muli %mul3A_613, %mul3A_614 : i32
      "tpu.region"() ({
        %run_scoped3A = tpu.sem_alloc : memref<!tpu.dma_semaphore, #tpu.memory_space<semaphore_mem>>
        %dma_start3A_668 = tpu.memref_slice %arg16[%mul3A_615] : memref<7168xf32, #tpu.memory_space<vmem_shared>> -> memref<256xf32, #tpu.memory_space<vmem_shared>>
        %dma_start3A_669 = tpu.memref_slice %arg16[%mul3A_615] : memref<7168xf32, #tpu.memory_space<vmem_shared>> -> memref<256xf32, #tpu.memory_space<vmem_shared>>
        tpu.enqueue_dma source(%dma_start3A_669 : memref<256xf32, #tpu.memory_space<vmem_shared>>) target(%arg15 : memref<256xf32, #tpu.memory_space<vmem>>) target_semaphore(%run_scoped3A : memref<!tpu.dma_semaphore, #tpu.memory_space<semaphore_mem>>)
        %dma_wait3A = tpu.memref_slice %arg16[%mul3A_615] : memref<7168xf32, #tpu.memory_space<vmem_shared>> -> memref<256xf32, #tpu.memory_space<vmem_shared>>
        %dma_wait3A_670 = tpu.memref_slice %arg16[%mul3A_615] : memref<7168xf32, #tpu.memory_space<vmem_shared>> -> memref<256xf32, #tpu.memory_space<vmem_shared>>
        tpu.wait_dma2 semaphore(%run_scoped3A : memref<!tpu.dma_semaphore, #tpu.memory_space<semaphore_mem>>) src(%dma_wait3A_670 : memref<256xf32, #tpu.memory_space<vmem_shared>>) dst(%arg15 : memref<256xf32, #tpu.memory_space<vmem>>)
        tpu.yield
      }) : () -> ()
      %get3A_616 = arith.constant 0 : index
      %get3A_617 = tpu.vector_load %arg15[%get3A_616] {strides = array<i32>} : memref<256xf32, #tpu.memory_space<vmem>>, vector<16xf32>,
      %add3A_618 = arith.addf %broadcast_in_dim3A_6, %get3A_617 : vector<16xf32>
      %get3A_619 = arith.constant 16 : index
      %get3A_620 = tpu.vector_load %arg15[%get3A_619] {strides = array<i32>} : memref<256xf32, #tpu.memory_space<vmem>>, vector<16xf32>,
      %add3A_621 = arith.addf %add3A_618, %get3A_620 : vector<16xf32>
      %get3A_622 = arith.constant 32 : index
      %get3A_623 = tpu.vector_load %arg15[%get3A_622] {strides = array<i32>} : memref<256xf32, #tpu.memory_space<vmem>>, vector<16xf32>,
      %add3A_624 = arith.addf %add3A_621, %get3A_623 : vector<16xf32>
      %get3A_625 = arith.constant 48 : index
      %get3A_626 = tpu.vector_load %arg15[%get3A_625] {strides = array<i32>} : memref<256xf32, #tpu.memory_space<vmem>>, vector<16xf32>,
      %add3A_627 = arith.addf %add3A_624, %get3A_626 : vector<16xf32>
      %get3A_628 = arith.constant 64 : index
      %get3A_629 = tpu.vector_load %arg15[%get3A_628] {strides = array<i32>} : memref<256xf32, #tpu.memory_space<vmem>>, vector<16xf32>,
      %add3A_630 = arith.addf %add3A_627, %get3A_629 : vector<16xf32>
      %get3A_631 = arith.constant 80 : index
      %get3A_632 = tpu.vector_load %arg15[%get3A_631] {strides = array<i32>} : memref<256xf32, #tpu.memory_space<vmem>>, vector<16xf32>,
      %add3A_633 = arith.addf %add3A_630, %get3A_632 : vector<16xf32>
      %get3A_634 = arith.constant 96 : index
      %get3A_635 = tpu.vector_load %arg15[%get3A_634] {strides = array<i32>} : memref<256xf32, #tpu.memory_space<vmem>>, vector<16xf32>,
      %add3A_636 = arith.addf %add3A_633, %get3A_635 : vector<16xf32>
      %get3A_637 = arith.constant 112 : index
      %get3A_638 = tpu.vector_load %arg15[%get3A_637] {strides = array<i32>} : memref<256xf32, #tpu.memory_space<vmem>>, vector<16xf32>,
      %add3A_639 = arith.addf %add3A_636, %get3A_638 : vector<16xf32>
      %get3A_640 = arith.constant 128 : index
      %get3A_641 = tpu.vector_load %arg15[%get3A_640] {strides = array<i32>} : memref<256xf32, #tpu.memory_space<vmem>>, vector<16xf32>,
      %add3A_642 = arith.addf %add3A_639, %get3A_641 : vector<16xf32>
      %get3A_643 = arith.constant 144 : index
      %get3A_644 = tpu.vector_load %arg15[%get3A_643] {strides = array<i32>} : memref<256xf32, #tpu.memory_space<vmem>>, vector<16xf32>,
      %add3A_645 = arith.addf %add3A_642, %get3A_644 : vector<16xf32>
      %get3A_646 = arith.constant 160 : index
      %get3A_647 = tpu.vector_load %arg15[%get3A_646] {strides = array<i32>} : memref<256xf32, #tpu.memory_space<vmem>>, vector<16xf32>,
      %add3A_648 = arith.addf %add3A_645, %get3A_647 : vector<16xf32>
      %get3A_649 = arith.constant 176 : index
      %get3A_650 = tpu.vector_load %arg15[%get3A_649] {strides = array<i32>} : memref<256xf32, #tpu.memory_space<vmem>>, vector<16xf32>,
      %add3A_651 = arith.addf %add3A_648, %get3A_650 : vector<16xf32>
      %get3A_652 = arith.constant 192 : index
      %get3A_653 = tpu.vector_load %arg15[%get3A_652] {strides = array<i32>} : memref<256xf32, #tpu.memory_space<vmem>>, vector<16xf32>,
      %add3A_654 = arith.addf %add3A_651, %get3A_653 : vector<16xf32>
      %get3A_655 = arith.constant 208 : index
      %get3A_656 = tpu.vector_load %arg15[%get3A_655] {strides = array<i32>} : memref<256xf32, #tpu.memory_space<vmem>>, vector<16xf32>,
      %add3A_657 = arith.addf %add3A_654, %get3A_656 : vector<16xf32>
      %get3A_658 = arith.constant 224 : index
      %get3A_659 = tpu.vector_load %arg15[%get3A_658] {strides = array<i32>} : memref<256xf32, #tpu.memory_space<vmem>>, vector<16xf32>,
      %add3A_660 = arith.addf %add3A_657, %get3A_659 : vector<16xf32>
      %get3A_661 = arith.constant 240 : index
      %get3A_662 = tpu.vector_load %arg15[%get3A_661] {strides = array<i32>} : memref<256xf32, #tpu.memory_space<vmem>>, vector<16xf32>,
      %add3A_663 = arith.addf %add3A_660, %get3A_662 : vector<16xf32>
      %swap3A_664 = arith.constant 0 : index
      %swap3A_665 = tpu.vector_load %arg14[%swap3A_664] {strides = array<i32>} : memref<448xf32, #tpu.memory_space<vmem>>, vector<16xf32>,
      tpu.vector_store %arg14[%swap3A_664], %add3A_663 {strides = array<i32>} : memref<448xf32, #tpu.memory_space<vmem>>, vector<16xf32>,
      %mul3A_666 = arith.constant 16 : i32
      %mul3A_667 = arith.muli %add3A_606, %mul3A_666 : i32
      "tpu.region"() ({
        %run_scoped3A = tpu.sem_alloc : memref<!tpu.dma_semaphore, #tpu.memory_space<semaphore_mem>>
        %dma_start3A_668 = arith.constant 0 : i32
        %dma_start3A_669 = tpu.memref_slice %arg14[%dma_start3A_668] : memref<448xf32, #tpu.memory_space<vmem>> -> memref<16xf32, #tpu.memory_space<vmem>>
        %dma_start3A_670 = arith.constant 0 : i32
        %dma_start3A_671 = tpu.memref_slice %arg6[%arg0, %dma_start3A_670] : memref<2x448xf32, #tpu.memory_space<hbm>> -> memref<1x448xf32, #tpu.memory_space<hbm>>
        %dma_start3A_672 = tpu.memref_squeeze %dma_start3A_671 : memref<1x448xf32, #tpu.memory_space<hbm>> -> memref<448xf32, #tpu.memory_space<hbm>>
        %dma_start3A_673 = tpu.memref_slice %dma_start3A_672[%mul3A_667] : memref<448xf32, #tpu.memory_space<hbm>> -> memref<16xf32, #tpu.memory_space<hbm>>
        %dma_start3A_674 = arith.constant 0 : i32
        %dma_start3A_675 = tpu.memref_slice %arg6[%arg0, %dma_start3A_674] : memref<2x448xf32, #tpu.memory_space<hbm>> -> memref<1x448xf32, #tpu.memory_space<hbm>>
        %dma_start3A_676 = tpu.memref_squeeze %dma_start3A_675 : memref<1x448xf32, #tpu.memory_space<hbm>> -> memref<448xf32, #tpu.memory_space<hbm>>
        %dma_start3A_677 = tpu.memref_slice %dma_start3A_676[%mul3A_667] : memref<448xf32, #tpu.memory_space<hbm>> -> memref<16xf32, #tpu.memory_space<hbm>>
        %dma_start3A_678 = arith.constant 0 : i32
        %dma_start3A_679 = tpu.memref_slice %arg14[%dma_start3A_678] : memref<448xf32, #tpu.memory_space<vmem>> -> memref<16xf32, #tpu.memory_space<vmem>>
        tpu.enqueue_dma source(%dma_start3A_679 : memref<16xf32, #tpu.memory_space<vmem>>) target(%dma_start3A_677 : memref<16xf32, #tpu.memory_space<hbm>>) target_semaphore(%run_scoped3A : memref<!tpu.dma_semaphore, #tpu.memory_space<semaphore_mem>>)
        %dma_wait3A = arith.constant 0 : i32
        %dma_wait3A_680 = tpu.memref_slice %arg14[%dma_wait3A] : memref<448xf32, #tpu.memory_space<vmem>> -> memref<16xf32, #tpu.memory_space<vmem>>
        %dma_wait3A_681 = arith.constant 0 : i32
        %dma_wait3A_682 = tpu.memref_slice %arg6[%arg0, %dma_wait3A_681] : memref<2x448xf32, #tpu.memory_space<hbm>> -> memref<1x448xf32, #tpu.memory_space<hbm>>
        %dma_wait3A_683 = tpu.memref_squeeze %dma_wait3A_682 : memref<1x448xf32, #tpu.memory_space<hbm>> -> memref<448xf32, #tpu.memory_space<hbm>>
        %dma_wait3A_684 = tpu.memref_slice %dma_wait3A_683[%mul3A_667] : memref<448xf32, #tpu.memory_space<hbm>> -> memref<16xf32, #tpu.memory_space<hbm>>
        %dma_wait3A_685 = arith.constant 0 : i32
        %dma_wait3A_686 = tpu.memref_slice %arg6[%arg0, %dma_wait3A_685] : memref<2x448xf32, #tpu.memory_space<hbm>> -> memref<1x448xf32, #tpu.memory_space<hbm>>
        %dma_wait3A_687 = tpu.memref_squeeze %dma_wait3A_686 : memref<1x448xf32, #tpu.memory_space<hbm>> -> memref<448xf32, #tpu.memory_space<hbm>>
        %dma_wait3A_688 = tpu.memref_slice %dma_wait3A_687[%mul3A_667] : memref<448xf32, #tpu.memory_space<hbm>> -> memref<16xf32, #tpu.memory_space<hbm>>
        %dma_wait3A_689 = arith.constant 0 : i32
        %dma_wait3A_690 = tpu.memref_slice %arg14[%dma_wait3A_689] : memref<448xf32, #tpu.memory_space<vmem>> -> memref<16xf32, #tpu.memory_space<vmem>>
        tpu.wait_dma2 semaphore(%run_scoped3A : memref<!tpu.dma_semaphore, #tpu.memory_space<semaphore_mem>>) src(%dma_wait3A_690 : memref<16xf32, #tpu.memory_space<vmem>>) dst(%dma_wait3A_688 : memref<16xf32, #tpu.memory_space<hbm>>)
        tpu.yield
      }) : () -> ()
    } else {
    }
    return
  }
}

</mosaic_0001>

<sc_bundles>
// kernel: _sc_energy.3.cloned.1.call-start
scs
__scs_entry_jumppad:
0x0: {  	(pc) =	sbr.rel $0x88, $3  }
0x1: {  	(tag) =	ssettag $0x0;
	lr =	simm.s32 $0x1  }
0x2: {  	[smem:$0x3F9D] =	sst lr;
	_ =	strace $0xD0000000  }
0x3: {  	_ = 	snop  }
0x4: {  	_ = 	snop  }
0x5: {  	_ = 	snop  }
0x6: {  	_ = 	snop  }
0x7: {  	_ = 	snop  }
__scs_overlays_trampoline_lowered:
0x8: {  	[smem:$0x3FAC] =	sst s0  }
0x9: {  	[smem:$0x3FAD] =	sst s1  }
0xa: {  	[smem:$0x3FAE] =	sst s2  }
0xb: {  	[smem:$0x3FAF] =	sst s3  }
0xc: {  	[smem:$0x3FB0] =	sst s4  }
0xd: {  	[smem:$0x3FB1] =	sst s5  }
0xe: {  	[smem:$0x3FB2] =	sst s6  }
0xf: {  	[smem:$0x3FB3] =	sst s7  }
0x10: {  	[smem:$0x3FB4] =	sst s8  }
0x11: {  	[smem:$0x3FB5] =	sst s9;
	s0 =	simm.s32 @!p0 $0x0  }
0x12: {  	s1 =	sld [smem:$0x3F9B];
	s0 =	simm.s32 @p0 $0x1  }
0x13: {  	[smem:$0x3FB6] =	sst s0;
	s0 =	simm.s32 @!p1 $0x0  }
0x14: {  	s2 =	sld [smem:$0x3F9A];
	s0 =	simm.s32 @p1 $0x1  }
0x15: {  	[smem:$0x3FB7] =	sst s0;
	s0 =	simm.s32 @!p2 $0x0  }
0x16: {  	s3 =	sld [smem:$0x3FDB];
	s0 =	simm.s32 @p2 $0x1  }
0x17: {  	s4 =	simm.s32 $0x1BF5;
	[smem:$0x3FB9] =	sst s0  }
0x18: {  	s0 =	sld [smem:$0x3F9C];
	_ =	swait.ge [sflag:s4], $0x0  }
0x19: {  	s7 =	sld [smem:$0x3F9D]  }
0x1a: {  	s8 =	sadd.s32 $0xFFFFE003, lr  }
0x1b: {  	s9 =	sadd.s32 $0xFFFFFEF7, lr;
	s5 =	simm.s32 $0xFFFFFFFF;
	p2 =	slt.u32 s8, $0xFFFFF086  }
0x1c: {  	p1 =	slt.u32 s9, $0xF7A;
	s5 =	simm.s32 @!p2 $0x0  }
0x1d: {  	s5 =	simm.s32 @p1 $0x1;
	p0 =	seq.s32 s7, s2  }
0x1e: {  	s7 =	smul.u32 @!p0 $0xF7A, s2;
	p2 =	seq.s32 @!p0 s5, $0x0  }
0x1f: {  	s9 =	smul.u32 $0xF7A, s1;
	s8 =	simm.s32 @!p0 $0x1BF5;
	p2 =	por !p2, p0  }
0x20: {  	[sflag:s8] =	ssyncset.s32 @!p0 $0xFFFFF086;
	s6 =	sadd.s32 @!p0 s3, s7;
	s7 =	simm.s32 @!p0 $0x108  }
0x21: {  	s3 =	sadd.s32 s3, s9;
	s6 =	sadd.s32 @!p0 $0x88, s6;
	s7 =	simm.s32 @p2 $0x1082  }
0x22: {  	[simem:s7], [sflag:s8] =	dma.local @!p0 [hbm:s6], $0xF7A  }
0x23: {  	s9 =	sor.u32 $0xD0000000, s2;
	s6 =	simm.s32 $0x108;
	_ =	swait.ge @!p0 [sflag:s8], $0x0  }
0x24: {  	s3 =	sadd.s32 $0x88, s3;
	s6 =	simm.s32 @!p1 $0x1082;
	[sflag:s4] =	ssyncset.s32 $0xFFFFF086  }
0x25: {  	[simem:s6], [sflag:s4] =	dma.local [hbm:s3], $0xF7A  }
0x26: {  	[smem:$0x3F9D] =	sst s1;
	(tag) =	ssettag s2;
	_ =	strace s9  }
0x27: {  	s1 =	sld [smem:$0x3FAD]  }
0x28: {  	s2 =	sld [smem:$0x3FAE]  }
0x29: {  	s4 =	sld [smem:$0x3FB0]  }
0x2a: {  	p0 =	seq.s32 s5, $0x0;
	s5 =	sld [smem:$0x3FB1]  }
0x2b: {  	s6 =	sld [smem:$0x3FB2]  }
0x2c: {  	s7 =	sld [smem:$0x3FB3]  }
0x2d: {  	s3 =	simm.s32 $0x108;
	s8 =	sld [smem:$0x3FB4]  }
0x2e: {  	s3 =	simm.s32 @!p0 $0x1082;
	s9 =	sld [smem:$0x3FB5]  }
0x2f: {  	lr =	sadd.s32 s0, s3;
	s0 =	sld [smem:$0x3FAC]  }
0x30: {  	s3 =	sld [smem:$0x3FAF]  }
0x31: {  	[smem:$0x3FB8] =	sst s10  }
0x32: {  	s10 =	sld [smem:$0x3FB6];
	_ =	sdelay $0x3  }
0x33: {  	p0 =	seq.s32 s10, $0x1;
	s10 =	sld [smem:$0x3FB8];
	_ =	sdelay $0x3  }
0x34: {  	[smem:$0x3FB8] =	sst s10  }
0x35: {  	s10 =	sld [smem:$0x3FB7];
	_ =	sdelay $0x3  }
0x36: {  	p1 =	seq.s32 s10, $0x1;
	s10 =	sld [smem:$0x3FB8];
	_ =	sdelay $0x3  }
0x37: {  	[smem:$0x3FB8] =	sst s10  }
0x38: {  	s10 =	sld [smem:$0x3FB9]  }
0x39: {  	_ = 	snop;
	(pc) =	sbr.ind lr, $3  }
0x3a: {  	_ = 	snop  }
0x3b: {  	_ = 	snop  }
0x3c: {  	p2 =	seq.s32 s10, $0x1;
	s10 =	sld [smem:$0x3FB8]  }
0x3d: {  	_ =	shalt  }
0x3e: {  	_ =	shalt  }
0x3f: {  	_ =	shalt  }
0x40: {  	_ =	shalt  }
0x41: {  	_ =	shalt  }
0x42: {  	_ =	shalt  }
0x43: {  	_ =	shalt  }
0x44: {  	_ =	shalt  }
0x45: {  	_ =	shalt  }
0x46: {  	_ =	shalt  }
0x47: {  	_ =	shalt  }
0x48: {  	_ =	shalt  }
0x49: {  	_ =	shalt  }
0x4a: {  	_ =	shalt  }
0x4b: {  	_ =	shalt  }
0x4c: {  	_ =	shalt  }
0x4d: {  	_ =	shalt  }
0x4e: {  	_ =	shalt  }
0x4f: {  	_ =	shalt  }
0x50: {  	_ =	shalt  }
0x51: {  	_ =	shalt  }
0x52: {  	_ =	shalt  }
0x53: {  	_ =	shalt  }
0x54: {  	_ =	shalt  }
0x55: {  	_ =	shalt  }
0x56: {  	_ =	shalt  }
0x57: {  	_ =	shalt  }
0x58: {  	_ =	shalt  }
0x59: {  	_ =	shalt  }
0x5a: {  	_ =	shalt  }
0x5b: {  	_ =	shalt  }
0x5c: {  	_ =	shalt  }
0x5d: {  	_ =	shalt  }
0x5e: {  	_ =	shalt  }
0x5f: {  	_ =	shalt  }
0x60: {  	_ =	shalt  }
0x61: {  	_ =	shalt  }
0x62: {  	_ =	shalt  }
0x63: {  	_ =	shalt  }
0x64: {  	_ =	shalt  }
0x65: {  	_ =	shalt  }
0x66: {  	_ =	shalt  }
0x67: {  	_ =	shalt  }
0x68: {  	_ =	shalt  }
0x69: {  	_ =	shalt  }
0x6a: {  	_ =	shalt  }
0x6b: {  	_ =	shalt  }
0x6c: {  	_ =	shalt  }
0x6d: {  	_ =	shalt  }
0x6e: {  	_ =	shalt  }
0x6f: {  	_ =	shalt  }
0x70: {  	_ =	shalt  }
0x71: {  	_ =	shalt  }
0x72: {  	_ =	shalt  }
0x73: {  	_ =	shalt  }
0x74: {  	_ =	shalt  }
0x75: {  	_ =	shalt  }
0x76: {  	_ =	shalt  }
0x77: {  	_ =	shalt  }
0x78: {  	_ =	shalt  }
0x79: {  	_ =	shalt  }
0x7a: {  	_ =	shalt  }
0x7b: {  	_ =	shalt  }
0x7c: {  	_ =	shalt  }
0x7d: {  	_ =	shalt  }
0x7e: {  	_ =	shalt  }
0x7f: {  	_ =	shalt  }
0x80: {  	_ =	shalt  }
0x81: {  	_ =	shalt  }
0x82: {  	_ =	shalt  }
0x83: {  	_ =	shalt  }
0x84: {  	_ =	shalt  }
0x85: {  	_ =	shalt  }
0x86: {  	_ =	shalt  }
0x87: {  	_ =	shalt  }
.Lfunc_end0:
.L_simem_size_0:
called_computation_lowered:
.L_overlay_start_0:
0x88: {  	s2 =	sld [smem:$0x3FD9]  }
0x89: {  	s3 =	sld [smem:$0x3FFE];
	_ =	sdelay $0x1  }
0x8a: {  	s1 =	srdreg.scid  }
0x8b: {  	s0 =	sand.u32 $0x1, s1  }
0x8c: {  	s18 =	sshll.u32 s0, $0xA;
	s2 =	sadd.s32 s3, s2  }
0x8d: {  	s2 =	sadd.s32 s2, s18  }
0x8e: {  	[smem:$0x3FC4] =	sst s2  }
0x8f: {  	_ = 	snop  }
0x90: {  	s2 =	sld [smem:$0x3FC9]  }
0x91: {  	s19 =	sld [smem:$0x3FC8]  }
0x92: {  	s4 =	sld [smem:$0x3FC7]  }
0x93: {  	s5 =	sld [smem:$0x3FC6]  }
0x94: {  	s6 =	sld [smem:$0x3FD0];
	(tm) =	ssettm $0x1  }
0x95: {  	s7 =	sld [smem:$0x3FFB];
	_ =	sdelay $0x3  }
0x96: {  	_ =	strace s7  }
0x97: {  	s7 =	sld [smem:$0x3FFC];
	_ =	sdelay $0x3  }
0x98: {  	_ =	strace s7  }
0x99: {  	s7 =	sld [smem:$0x3FFD];
	_ =	sdelay $0x3  }
0x9a: {  	_ =	strace s7  }
0x9b: {  	_ =	strace $0x8FFFFFFF  }
0x9c: {  	s20 =	sld [smem:$0x3FDB];
	_ =	sdelay $0x1  }
0x9d: {  	s8 =	simm.s32 $_scs_section_size  }
0x9e: {  	s9 =	simm.s32 $_size__tile_overlayer_lowered;
	s10 =	simm.s32 $_tile_overlayer_lowered  }
0x9f: {  	s23 =	simm.s32 $0x1BFF;
	s22 =	sshll.u32 s10, $0x1;
	s7 =	sadd.s32 s8, s20  }
0xa0: {  	s11 =	simm.s32 $0x0;
	s21 =	sshll.u32 s9, $0x1;
	s9 =	sadd.s32 s22, s7  }
0xa1: {  	[timem:s11], [sflag:s23] =	dma.local [hbm:s9], s21  }
0xa2: {  	_ =	swait.ge [sflag:s23], s21  }
0xa3: {  	s8 =	ssub.s32 $0x0, s21;
	[sflag:s23] =	ssyncset.done $0x0  }
0xa4: {  	[sflag:s23] =	ssyncadd.s32 s8;
	_ =	sdelay $0x1  }
0xa5: {  	s24 =	simm.s32 $0x1B8B  }
0xa6: {  	_ =	swait.ge [sflag:s24], $0x1  }
0xa7: {  	[sflag:s24] =	ssyncset.done $0x0  }
0xa8: {  	s25 =	simm.s32 $0x1B8E;
	[sflag:s24] =	ssyncadd.s32 $0xFFFFFFFF  }
0xa9: {  	s26 =	simm.s32 $execute0_lowered;
	[smem:$0x3FD2] =	sst s25  }
0xaa: {  	s8 =	sshll.u32 s26, $0x1;
	_ =	strace $0x80000046;
	[dreg:$0x1] =	wrdreg $0xFFFFFFFF  }
0xab: {  	s28 =	simm.s32 $_size_execute0_lowered;
	s7 =	sadd.s32 s7, s8;
	[dreg:$0x0] =	wrdreg $0x0  }
0xac: {  	s8 =	sshll.u32 s28, $0x1;
	[dreg:$0x2] =	wrdreg s7  }
0xad: {  	[dreg:$0x3] =	wrdreg s8  }
0xae: {  	[dreg:$0x4] =	wrdreg $0xC0  }
0xaf: {  	_ =	task [dreg:s11], $0x5FFFF  }
0xb0: {  	[dreg:$0x1] =	wrdreg $0xFFFFFFFF  }
0xb1: {  	[dreg:$0x0] =	wrdreg $0x60  }
0xb2: {  	[dreg:$0x2] =	wrdreg s2  }
0xb3: {  	[dreg:$0x3] =	wrdreg s19  }
0xb4: {  	[dreg:$0x4] =	wrdreg s4  }
0xb5: {  	[dreg:$0x5] =	wrdreg s5  }
0xb6: {  	[dreg:$0x6] =	wrdreg s6  }
0xb7: {  	[dreg:$0x7] =	wrdreg $0x1CA800  }
0xb8: {  	[dreg:$0x8] =	wrdreg $0x9  }
0xb9: {  	_ =	task.clear_ibuf [dreg:s11], $0x9FFFF;
	_ =	strace $0x90000046  }
0xba: {  	s29 =	simm.s32 $0x9;
	_ =	strace $0x80000048  }
0xbb: {  	_ =	swait.ge [sflag:s29], $0x1  }
0xbc: {  	[sflag:s29] =	ssyncadd.s32 $0xFFFFFFFF  }
0xbd: {  	_ =	strace $0x90000048  }
0xbe: {  	_ =	sfence  }
0xbf: {  	s30 =	sld [smem:$0x0];
	_ =	sdelay $0x2  }
0xc0: {  	s31 =	sshll.u32 s1, $0xD;
	s1 =	sshrl.u32 s1, $0x2  }
0xc1: {  	s3 =	sand.u32 $0x4000, s31;
	s1 =	sadd.s32 s1, s30  }
0xc2: {  	s0 =	sor.u32 s3, s0;
	s1 =	sshll.u32 s1, $0x11  }
0xc3: {  	s0 =	sor.u32 s1, s0  }
0xc4: {  	s0 =	sadd.s32 $0x8F2B, s0  }
0xc5: {  	[sflag:s0] =	ssyncadd.remote.s32 $0x1  }
0xc6: {  	_ =	sfence.sel $0xFFFF  }
0xc7: {  	[dreg:$0x0] =	wrdreg $0xFFFFFFFF;
	(pc) =	sbr.abs _section_cstart, $3  }
0xc8: {  	[dreg:$0x1] =	wrdreg $0xFFFFFFFF  }
0xc9: {  	_ =	task.clear_ibuf [dreg:s11], $0x2FFFF;
	_ =	strace $0x9FFFFFFF  }
0xca: {  	(tm) =	ssettm $0x7FFFFFFF  }
0xcb: {  	_ =	shalt  }
tec
execute0_lowered:
.L_overlay_start_1:
0x0: {  	(tag) =	ssettag $0x1  }
0x1: {  	s0 =	rddreg [dreg:$0x0]  }
0x2: {  	s1 =	rddreg [dreg:$0x4]  }
0x3: {  	s2 =	rddreg [dreg:$0x5];
	s3 =	srdreg.scid;
	s6 =	simm.s32 $0x0  }
0x4: {  	s13 =	stileid.u32;
	s8 =	simm.s32 $0x1A;
	s3 =	sand.u32 $0x1, s3  }
0x5: {  	[smem:$0x7FF] =	sst s6;
	s19 =	sshll.u32 s13, $0x4;
	s11 =	sor.u32 $0x10, s13  }
0x6: {  	s28 =	sshll.u32 s13, $0x5;
	s4 =	ssub.s32 $0x2, s3;
	s3 =	sshll.u32 s3, $0x4  }
0x7: {  	_ =	strace $0x80000047;
	s10 =	sadd.s32 s19, s2;
	s20 =	sshll.u32 s11, $0x4  }
0x8: {  	s29 =	sshll.u32 s11, $0x5;
	s14 =	sshll.u32 s11, $0x8;
	s12 =	sadd.s32 s20, s2  }
0x9: {  	s5 =	sshrl.u32 s4, $0x1;
	s21 =	sadd.s32 $0x200, s10;
	[dreg:$0x8] =	wrdreg s12  }
0xa: {  	s9 =	sor.u32 s13, s3;
	s22 =	sadd.s32 $0x300, s10;
	[dreg:$0x9] =	wrdreg s21  }
0xb: {  	s23 =	sadd.s32 $0x400, s10;
	s24 =	sadd.s32 $0x500, s10;
	[dreg:$0xa] =	wrdreg s22  }
0xc: {  	s25 =	sadd.s32 $0x600, s10;
	s26 =	sadd.s32 $0x700, s10;
	[dreg:$0xb] =	wrdreg s23  }
0xd: {  	s1 =	sadd.s32 s1, s3;
	s3 =	sand.u32 $0x100, s28;
	[dreg:$0xc] =	wrdreg s24  }
0xe: {  	s30 =	sand.u32 $0x300, s29;
	s31 =	sadd.s32 $0x800, s10;
	[dreg:$0xd] =	wrdreg s25  }
0xf: {  	s15 =	sadd.s32 $0x900, s10;
	s16 =	sadd.s32 $0xA00, s10;
	[dreg:$0xe] =	wrdreg s26  }
0x10: {  	s28 =	sadd.s32 $0x1400, s10;
	s29 =	sadd.s32 $0x1500, s10;
	[dreg:$0xf] =	wrdreg s31  }
0x11: {  	s4 =	ssub.s32 s4, s5;
	s7 =	smul.u32 $0xC40, s9;
	[dreg:$0x12] =	wrdreg s15  }
0x12: {  	p0 =	seq.s32 s9, $0x1F;
	s18 =	smul.u32 $0x31000, s9;
	[dreg:$0x15] =	wrdreg s16  }
0x13: {  	s9 =	sand.u32 $0x70, s19;
	s12 =	sshll.u32 s13, $0x8;
	[smem:$0x7FA] =	sst s28  }
0x14: {  	s19 =	sadd.s32 $0xC00, s10;
	s21 =	sadd.s32 $0xE00, s10;
	[smem:$0x7FB] =	sst s29  }
0x15: {  	s22 =	sadd.s32 $0xF00, s10;
	s23 =	sadd.s32 $0x1000, s10;
	[dreg:$0x18] =	wrdreg s19  }
0x16: {  	s24 =	sadd.s32 $0x1100, s10;
	s25 =	sadd.s32 $0x1200, s10;
	[dreg:$0x1a] =	wrdreg s21  }
0x17: {  	s26 =	sadd.s32 $0x1300, s10;
	s31 =	sadd.s32 $0x1700, s10;
	[dreg:$0x1b] =	wrdreg s22  }
0x18: {  	s15 =	sadd.s32 $0x1A00, s10;
	s16 =	sadd.s32 $0x1B00, s10;
	[dreg:$0x1c] =	wrdreg s23  }
0x19: {  	s8 =	simm.s32 @!p0 $0x1C;
	s3 =	sor.u32 s9, s3;
	[dreg:$0x1d] =	wrdreg s24  }
0x1a: {  	s9 =	sadd.s32 s12, s2;
	s2 =	sadd.s32 s14, s2;
	[dreg:$0x1e] =	wrdreg s25  }
0x1b: {  	p0 =	sgt.u32 s13, $0xB;
	s17 =	smax.u32 s4, $0x1;
	[dreg:$0x1f] =	wrdreg s26  }
0x1c: {  	[smem:$0x7FD] =	sst s31;
	s13 =	sadd.s32 $0x1800, s10;
	s14 =	sadd.s32 $0x1900, s10  }
0x1d: {  	s19 =	simm.s32 $0x1C680;
	s21 =	simm.s32 $0x1C780;
	[dreg:$0x10] =	wrdreg s9  }
0x1e: {  	s22 =	simm.s32 $0x2;
	s23 =	simm.s32 $0x0;
	[dreg:$0x11] =	wrdreg s2  }
0x1f: {  	s5 =	sadd.s32 s0, s18;
	s3 =	sshrl.u32 s3, $0x3;
	[dreg:$0x16] =	wrdreg s17  }
0x20: {  	s18 =	sadd.s32 $0xB00, s10;
	[dreg:$0x7] =	wrdreg s5;
	s5 =	sand.u32 $0x70, s20  }
.Ltmp0:
0x21: {  	s3 =	sadd.s32 s3, s1;
	[dreg:$0x17] =	wrdreg s18;
	(pc) =	sbr.rel .LBB2_1-.Ltmp0, $4  }
0x22: {  	s20 =	sadd.s32 $0xD00, s10;
	s5 =	sor.u32 s5, s30;
	[dreg:$0x13] =	wrdreg s3  }
0x23: {  	[dreg:$0x19] =	wrdreg s20;
	s30 =	sadd.s32 $0x1600, s10;
	s2 =	sshrl.u32 s5, $0x3  }
0x24: {  	s17 =	simm.s32 $0x3;
	[smem:$0x7FC] =	sst s30;
	s1 =	sadd.s32 @!p0 s2, s1  }
0x25: {  	v0 =	vimm.f32 $0.0e+00;
	v1 =	vlaneseq.u32;
	v2 =	vimm.s32 $0x100;
	s18 =	simm.s32 $0x1;
	s20 =	simm.s32 $0x1C200;
	[dreg:$0x14] =	wrdreg s1  }
.LBB2_13:
0x26: {  	[spmem:s10] =	stream.linear.scatter [tilespmem:s21], [sflag:$0x3], $0x10, $0x38;
	[tilespmem:$0x1CC40] =	vst v63  }
0x27: {  	_ =	swait.ge [sflag:s17], $0x10  }
0x28: {  	[sflag:s17] =	ssyncset.done $0x0  }
0x29: {  	s2 =	simm.s32 $0x1C790;
	s1 =	rddreg [dreg:$0x8];
	[sflag:s17] =	ssyncadd.s32 $0xFFFFFFF0  }
0x2a: {  	[spmem:s1] =	stream.linear.scatter [tilespmem:s2], [sflag:$0x3], $0x10, $0x38;
	[tilespmem:$0x1CC40] =	vst v63  }
0x2b: {  	_ =	swait.ge [sflag:s17], $0x10  }
0x2c: {  	[sflag:s17] =	ssyncset.done $0x0  }
0x2d: {  	s11 =	simm.s32 $0x1C7A0;
	s9 =	rddreg [dreg:$0x9];
	[sflag:s17] =	ssyncadd.s32 $0xFFFFFFF0  }
0x2e: {  	[spmem:s9] =	stream.linear.scatter [tilespmem:s11], [sflag:$0x3], $0x10, $0x38;
	[tilespmem:$0x1CC40] =	vst v63  }
0x2f: {  	_ =	swait.ge [sflag:s17], $0x10  }
0x30: {  	[sflag:s17] =	ssyncset.done $0x0  }
0x31: {  	s24 =	simm.s32 $0x1C7B0;
	s12 =	rddreg [dreg:$0xa];
	[sflag:s17] =	ssyncadd.s32 $0xFFFFFFF0  }
0x32: {  	[spmem:s12] =	stream.linear.scatter [tilespmem:s24], [sflag:$0x3], $0x10, $0x38;
	[tilespmem:$0x1CC40] =	vst v63  }
0x33: {  	_ =	swait.ge [sflag:s17], $0x10  }
0x34: {  	[sflag:s17] =	ssyncset.done $0x0  }
0x35: {  	s26 =	simm.s32 $0x1C7C0;
	s25 =	rddreg [dreg:$0xb];
	[sflag:s17] =	ssyncadd.s32 $0xFFFFFFF0  }
0x36: {  	[spmem:s25] =	stream.linear.scatter [tilespmem:s26], [sflag:$0x3], $0x10, $0x38;
	[tilespmem:$0x1CC40] =	vst v63  }
0x37: {  	_ =	swait.ge [sflag:s17], $0x10  }
0x38: {  	[sflag:s17] =	ssyncset.done $0x0  }
0x39: {  	s29 =	simm.s32 $0x1C7D0;
	s28 =	rddreg [dreg:$0xc];
	[sflag:s17] =	ssyncadd.s32 $0xFFFFFFF0  }
0x3a: {  	[spmem:s28] =	stream.linear.scatter [tilespmem:s29], [sflag:$0x3], $0x10, $0x38;
	[tilespmem:$0x1CC40] =	vst v63  }
0x3b: {  	_ =	swait.ge [sflag:s17], $0x10  }
0x3c: {  	[sflag:s17] =	ssyncset.done $0x0  }
0x3d: {  	s31 =	simm.s32 $0x1C7E0;
	s30 =	rddreg [dreg:$0xd];
	[sflag:s17] =	ssyncadd.s32 $0xFFFFFFF0  }
0x3e: {  	[spmem:s30] =	stream.linear.scatter [tilespmem:s31], [sflag:$0x3], $0x10, $0x38;
	[tilespmem:$0x1CC40] =	vst v63  }
0x3f: {  	_ =	swait.ge [sflag:s17], $0x10  }
0x40: {  	[sflag:s17] =	ssyncset.done $0x0  }
0x41: {  	s3 =	simm.s32 $0x1C7F0;
	s2 =	rddreg [dreg:$0xe];
	[sflag:s17] =	ssyncadd.s32 $0xFFFFFFF0  }
0x42: {  	[spmem:s2] =	stream.linear.scatter [tilespmem:s3], [sflag:$0x3], $0x10, $0x38;
	[tilespmem:$0x1CC40] =	vst v63  }
0x43: {  	_ =	swait.ge [sflag:s17], $0x10  }
0x44: {  	[sflag:s17] =	ssyncset.done $0x0  }
0x45: {  	s5 =	simm.s32 $0x1C800;
	s4 =	rddreg [dreg:$0xf];
	[sflag:s17] =	ssyncadd.s32 $0xFFFFFFF0  }
0x46: {  	[spmem:s4] =	stream.linear.scatter [tilespmem:s5], [sflag:$0x3], $0x10, $0x38;
	[tilespmem:$0x1CC40] =	vst v63  }
0x47: {  	_ =	swait.ge [sflag:s17], $0x10  }
0x48: {  	[sflag:s17] =	ssyncset.done $0x0  }
0x49: {  	s11 =	simm.s32 $0x1C810;
	s9 =	rddreg [dreg:$0x12];
	[sflag:s17] =	ssyncadd.s32 $0xFFFFFFF0  }
0x4a: {  	[spmem:s9] =	stream.linear.scatter [tilespmem:s11], [sflag:$0x3], $0x10, $0x38;
	[tilespmem:$0x1CC40] =	vst v63  }
0x4b: {  	_ =	swait.ge [sflag:s17], $0x10  }
0x4c: {  	[sflag:s17] =	ssyncset.done $0x0  }
0x4d: {  	s24 =	simm.s32 $0x1C820;
	s12 =	rddreg [dreg:$0x15];
	[sflag:s17] =	ssyncadd.s32 $0xFFFFFFF0  }
0x4e: {  	[spmem:s12] =	stream.linear.scatter [tilespmem:s24], [sflag:$0x3], $0x10, $0x38;
	[tilespmem:$0x1CC40] =	vst v63  }
0x4f: {  	_ =	swait.ge [sflag:s17], $0x10  }
0x50: {  	[sflag:s17] =	ssyncset.done $0x0  }
0x51: {  	s26 =	simm.s32 $0x1C830;
	s25 =	rddreg [dreg:$0x17];
	[sflag:s17] =	ssyncadd.s32 $0xFFFFFFF0  }
0x52: {  	[spmem:s25] =	stream.linear.scatter [tilespmem:s26], [sflag:$0x3], $0x10, $0x38;
	[tilespmem:$0x1CC40] =	vst v63  }
0x53: {  	_ =	swait.ge [sflag:s17], $0x10  }
0x54: {  	[sflag:s17] =	ssyncset.done $0x0  }
0x55: {  	s29 =	simm.s32 $0x1C840;
	s28 =	rddreg [dreg:$0x18];
	[sflag:s17] =	ssyncadd.s32 $0xFFFFFFF0  }
0x56: {  	[spmem:s28] =	stream.linear.scatter [tilespmem:s29], [sflag:$0x3], $0x10, $0x38;
	[tilespmem:$0x1CC40] =	vst v63  }
0x57: {  	_ =	swait.ge [sflag:s17], $0x10  }
0x58: {  	[sflag:s17] =	ssyncset.done $0x0  }
0x59: {  	s31 =	simm.s32 $0x1C850;
	s30 =	rddreg [dreg:$0x19];
	[sflag:s17] =	ssyncadd.s32 $0xFFFFFFF0  }
0x5a: {  	[spmem:s30] =	stream.linear.scatter [tilespmem:s31], [sflag:$0x3], $0x10, $0x38;
	[tilespmem:$0x1CC40] =	vst v63  }
0x5b: {  	_ =	swait.ge [sflag:s17], $0x10  }
0x5c: {  	[sflag:s17] =	ssyncset.done $0x0  }
0x5d: {  	s3 =	simm.s32 $0x1C860;
	s2 =	rddreg [dreg:$0x1a];
	[sflag:s17] =	ssyncadd.s32 $0xFFFFFFF0  }
0x5e: {  	[spmem:s2] =	stream.linear.scatter [tilespmem:s3], [sflag:$0x3], $0x10, $0x38;
	[tilespmem:$0x1CC40] =	vst v63  }
0x5f: {  	_ =	swait.ge [sflag:s17], $0x10  }
0x60: {  	[sflag:s17] =	ssyncset.done $0x0  }
0x61: {  	s5 =	simm.s32 $0x1C870;
	s4 =	rddreg [dreg:$0x1b];
	[sflag:s17] =	ssyncadd.s32 $0xFFFFFFF0  }
0x62: {  	[spmem:s4] =	stream.linear.scatter [tilespmem:s5], [sflag:$0x3], $0x10, $0x38;
	[tilespmem:$0x1CC40] =	vst v63  }
0x63: {  	_ =	swait.ge [sflag:s17], $0x10  }
0x64: {  	[sflag:s17] =	ssyncset.done $0x0  }
0x65: {  	s11 =	simm.s32 $0x1C880;
	s9 =	rddreg [dreg:$0x1c];
	[sflag:s17] =	ssyncadd.s32 $0xFFFFFFF0  }
0x66: {  	[spmem:s9] =	stream.linear.scatter [tilespmem:s11], [sflag:$0x3], $0x10, $0x38;
	[tilespmem:$0x1CC40] =	vst v63  }
0x67: {  	_ =	swait.ge [sflag:s17], $0x10  }
0x68: {  	[sflag:s17] =	ssyncset.done $0x0  }
0x69: {  	s24 =	simm.s32 $0x1C890;
	s12 =	rddreg [dreg:$0x1d];
	[sflag:s17] =	ssyncadd.s32 $0xFFFFFFF0  }
0x6a: {  	[spmem:s12] =	stream.linear.scatter [tilespmem:s24], [sflag:$0x3], $0x10, $0x38;
	[tilespmem:$0x1CC40] =	vst v63  }
0x6b: {  	_ =	swait.ge [sflag:s17], $0x10  }
0x6c: {  	[sflag:s17] =	ssyncset.done $0x0  }
0x6d: {  	s26 =	simm.s32 $0x1C8A0;
	s25 =	rddreg [dreg:$0x1e];
	[sflag:s17] =	ssyncadd.s32 $0xFFFFFFF0  }
0x6e: {  	[spmem:s25] =	stream.linear.scatter [tilespmem:s26], [sflag:$0x3], $0x10, $0x38;
	[tilespmem:$0x1CC40] =	vst v63  }
0x6f: {  	_ =	swait.ge [sflag:s17], $0x10  }
0x70: {  	[sflag:s17] =	ssyncset.done $0x0  }
0x71: {  	s29 =	simm.s32 $0x1C8B0;
	s28 =	rddreg [dreg:$0x1f];
	[sflag:s17] =	ssyncadd.s32 $0xFFFFFFF0  }
0x72: {  	[spmem:s28] =	stream.linear.scatter [tilespmem:s29], [sflag:$0x3], $0x10, $0x38;
	[tilespmem:$0x1CC40] =	vst v63  }
0x73: {  	_ =	swait.ge [sflag:s17], $0x10  }
0x74: {  	s30 =	sld [smem:$0x7FA]  }
0x75: {  	[sflag:s17] =	ssyncset.done $0x0  }
0x76: {  	s31 =	simm.s32 $0x1C8C0;
	[sflag:s17] =	ssyncadd.s32 $0xFFFFFFF0  }
0x77: {  	[spmem:s30] =	stream.linear.scatter [tilespmem:s31], [sflag:$0x3], $0x10, $0x38;
	[tilespmem:$0x1CC40] =	vst v63  }
0x78: {  	_ =	swait.ge [sflag:s17], $0x10  }
0x79: {  	s2 =	sld [smem:$0x7FB]  }
0x7a: {  	[sflag:s17] =	ssyncset.done $0x0  }
0x7b: {  	s3 =	simm.s32 $0x1C8D0;
	[sflag:s17] =	ssyncadd.s32 $0xFFFFFFF0  }
0x7c: {  	[spmem:s2] =	stream.linear.scatter [tilespmem:s3], [sflag:$0x3], $0x10, $0x38;
	[tilespmem:$0x1CC40] =	vst v63  }
0x7d: {  	_ =	swait.ge [sflag:s17], $0x10  }
0x7e: {  	s4 =	sld [smem:$0x7FC]  }
0x7f: {  	[sflag:s17] =	ssyncset.done $0x0  }
0x80: {  	s5 =	simm.s32 $0x1C8E0;
	[sflag:s17] =	ssyncadd.s32 $0xFFFFFFF0  }
0x81: {  	[spmem:s4] =	stream.linear.scatter [tilespmem:s5], [sflag:$0x3], $0x10, $0x38;
	[tilespmem:$0x1CC40] =	vst v63  }
0x82: {  	_ =	swait.ge [sflag:s17], $0x10  }
0x83: {  	s9 =	sld [smem:$0x7FD]  }
0x84: {  	[sflag:s17] =	ssyncset.done $0x0  }
0x85: {  	s11 =	simm.s32 $0x1C8F0;
	[sflag:s17] =	ssyncadd.s32 $0xFFFFFFF0  }
0x86: {  	[spmem:s9] =	stream.linear.scatter [tilespmem:s11], [sflag:$0x3], $0x10, $0x38;
	[tilespmem:$0x1CC40] =	vst v63  }
0x87: {  	_ =	swait.ge [sflag:s17], $0x10  }
0x88: {  	[sflag:s17] =	ssyncset.done $0x0  }
0x89: {  	s12 =	simm.s32 $0x1C900;
	[sflag:s17] =	ssyncadd.s32 $0xFFFFFFF0  }
0x8a: {  	[spmem:s13] =	stream.linear.scatter [tilespmem:s12], [sflag:$0x3], $0x10, $0x38;
	[tilespmem:$0x1CC40] =	vst v63  }
0x8b: {  	_ =	swait.ge [sflag:s17], $0x10  }
0x8c: {  	[sflag:s17] =	ssyncset.done $0x0  }
0x8d: {  	s24 =	simm.s32 $0x1C910;
	[sflag:s17] =	ssyncadd.s32 $0xFFFFFFF0  }
0x8e: {  	[spmem:s14] =	stream.linear.scatter [tilespmem:s24], [sflag:$0x3], $0x10, $0x38;
	[tilespmem:$0x1CC40] =	vst v63  }
0x8f: {  	_ =	swait.ge [sflag:s17], $0x10  }
0x90: {  	[sflag:s17] =	ssyncset.done $0x0  }
0x91: {  	s25 =	simm.s32 $0x1C920;
	[sflag:s17] =	ssyncadd.s32 $0xFFFFFFF0  }
0x92: {  	[spmem:s15] =	stream.linear.scatter [tilespmem:s25], [sflag:$0x3], $0x10, $0x38;
	[tilespmem:$0x1CC40] =	vst v63  }
0x93: {  	_ =	swait.ge [sflag:s17], $0x10  }
0x94: {  	[sflag:s17] =	ssyncset.done $0x0  }
0x95: {  	s26 =	simm.s32 $0x1C930;
	[sflag:s17] =	ssyncadd.s32 $0xFFFFFFF0  }
0x96: {  	[spmem:s16] =	stream.linear.scatter [tilespmem:s26], [sflag:$0x3], $0x10, $0x38;
	[tilespmem:$0x1CC40] =	vst v63  }
0x97: {  	_ =	swait.ge [sflag:s17], $0x10  }
0x98: {  	[sflag:s17] =	ssyncset.done $0x0  }
0x99: {  	[sflag:s17] =	ssyncadd.s32 $0xFFFFFFF0  }
0x9a: {  	[bflag:$0x0] =	sbarrier.arrive $0xFFFF  }
0x9b: {  	s29 =	simm.s32 $0x1C980;
	s28 =	rddreg [dreg:$0x10]  }
0x9c: {  	[tilespmem:s29], [sflag:$0x3] =	stream.linear.gather [spmem:s28], $0x100, $0x38;
	[tilespmem:$0x1CC40] =	vst v63  }
0x9d: {  	_ =	swait.ge [sflag:s17], $0x100  }
0x9e: {  	[sflag:s17] =	ssyncset.done $0x0  }
0x9f: {  	[sflag:s17] =	ssyncadd.s32 $0xFFFFFF00  }
0xa0: {  	v3 =	vld [tilespmem:$0x1C980];
	_ =	sdelay $0x1  }
0xa1: {  	v4 =	vld [tilespmem:$0x1C990];
	_ =	sdelay $0x1  }
0xa2: {  	v5 =	vld [tilespmem:$0x1C9A0]  }
0xa3: {  	v3 =	vadd.f32 $0.0e+00, v3  }
0xa4: {  	v6 =	vld [tilespmem:$0x1C9B0]  }
0xa5: {  	v3 =	vadd.f32 v4, v3  }
0xa6: {  	v52 =	vld [tilespmem:$0x1C9C0]  }
0xa7: {  	v3 =	vadd.f32 v5, v3  }
0xa8: {  	v53 =	vld [tilespmem:$0x1C9D0]  }
0xa9: {  	v3 =	vadd.f32 v6, v3  }
0xaa: {  	v54 =	vld [tilespmem:$0x1C9E0]  }
0xab: {  	v3 =	vadd.f32 v52, v3  }
0xac: {  	v55 =	vld [tilespmem:$0x1C9F0]  }
0xad: {  	v3 =	vadd.f32 v53, v3  }
0xae: {  	v56 =	vld [tilespmem:$0x1CA00]  }
0xaf: {  	v3 =	vadd.f32 v54, v3  }
0xb0: {  	v57 =	vld [tilespmem:$0x1CA10]  }
0xb1: {  	v3 =	vadd.f32 v55, v3  }
0xb2: {  	v58 =	vld [tilespmem:$0x1CA20]  }
0xb3: {  	v3 =	vadd.f32 v56, v3  }
0xb4: {  	v59 =	vld [tilespmem:$0x1CA30]  }
0xb5: {  	v3 =	vadd.f32 v57, v3  }
0xb6: {  	v60 =	vld [tilespmem:$0x1CA40]  }
0xb7: {  	v3 =	vadd.f32 v58, v3  }
0xb8: {  	v61 =	vld [tilespmem:$0x1CA50]  }
0xb9: {  	v3 =	vadd.f32 v59, v3  }
0xba: {  	v62 =	vld [tilespmem:$0x1CA60]  }
0xbb: {  	v3 =	vadd.f32 v60, v3  }
0xbc: {  	v63 =	vld [tilespmem:$0x1CA70]  }
0xbd: {  	v3 =	vadd.f32 v61, v3;
	_ =	sdelay $0x1  }
0xbe: {  	v3 =	vadd.f32 v62, v3;
	_ =	sdelay $0x1  }
0xbf: {  	v3 =	vadd.f32 v63, v3;
	_ =	sdelay $0x1  }
0xc0: {  	s30 =	rddreg [dreg:$0x13];
	[tilespmem:$0x1C780] =	vst v3  }
0xc1: {  	[hbm4b:s30+s6] =	stream.linear.scatter [tilespmem:s21], [sflag:$0x3], $0x10, $0x38;
	[tilespmem:$0x1CC40] =	vst v63  }
0xc2: {  	_ =	swait.ge [sflag:s17], $0x10  }
0xc3: {  	[sflag:s17] =	ssyncset.done $0x0  }
0xc4: {  	s1 =	simm.s32 @!p0 $0x1C980;
	s2 =	rddreg [dreg:$0x11];
	[sflag:s17] =	ssyncadd.s32 $0xFFFFFFF0  }
0xc5: {  	[tilespmem:s1], [sflag:$0x3] =	stream.linear.gather @!p0 [spmem:s2], $0x100, $0x38;
	[tilespmem:$0x1CC40] =	vst v63  }
0xc6: {  	s1 =	simm.s32 @!p0 $0x3  }
0xc7: {  	_ =	swait.ge @!p0 [sflag:s1], $0x100  }
0xc8: {  	[sflag:s1] =	ssyncset.done @!p0 $0x0  }
0xc9: {  	[sflag:s1] =	ssyncadd.s32 @!p0 $0xFFFFFF00  }
0xca: {  	v3 =	vld @!p0 [tilespmem:$0x1C980];
	_ =	sdelay $0x1  }
0xcb: {  	v4 =	vld @!p0 [tilespmem:$0x1C990];
	_ =	sdelay $0x1  }
0xcc: {  	v5 =	vld @!p0 [tilespmem:$0x1C9A0]  }
0xcd: {  	v3 =	vadd.f32 @!p0 $0.0e+00, v3  }
0xce: {  	v6 =	vld @!p0 [tilespmem:$0x1C9B0]  }
0xcf: {  	v3 =	vadd.f32 @!p0 v4, v3  }
0xd0: {  	v4 =	vld @!p0 [tilespmem:$0x1C9C0]  }
0xd1: {  	v3 =	vadd.f32 @!p0 v5, v3  }
0xd2: {  	v5 =	vld @!p0 [tilespmem:$0x1C9D0]  }
0xd3: {  	v3 =	vadd.f32 @!p0 v6, v3  }
0xd4: {  	v6 =	vld @!p0 [tilespmem:$0x1C9E0]  }
0xd5: {  	v3 =	vadd.f32 @!p0 v4, v3  }
0xd6: {  	v4 =	vld @!p0 [tilespmem:$0x1C9F0]  }
0xd7: {  	v3 =	vadd.f32 @!p0 v5, v3  }
0xd8: {  	v5 =	vld @!p0 [tilespmem:$0x1CA00]  }
0xd9: {  	v3 =	vadd.f32 @!p0 v6, v3  }
0xda: {  	v6 =	vld @!p0 [tilespmem:$0x1CA10]  }
0xdb: {  	v3 =	vadd.f32 @!p0 v4, v3  }
0xdc: {  	v4 =	vld @!p0 [tilespmem:$0x1CA20]  }
0xdd: {  	v3 =	vadd.f32 @!p0 v5, v3  }
0xde: {  	v5 =	vld @!p0 [tilespmem:$0x1CA30]  }
0xdf: {  	v3 =	vadd.f32 @!p0 v6, v3  }
0xe0: {  	v6 =	vld @!p0 [tilespmem:$0x1CA40]  }
0xe1: {  	v3 =	vadd.f32 @!p0 v4, v3  }
0xe2: {  	v4 =	vld @!p0 [tilespmem:$0x1CA50]  }
0xe3: {  	v3 =	vadd.f32 @!p0 v5, v3  }
0xe4: {  	v5 =	vld @!p0 [tilespmem:$0x1CA60]  }
0xe5: {  	v3 =	vadd.f32 @!p0 v6, v3  }
0xe6: {  	v6 =	vld @!p0 [tilespmem:$0x1CA70]  }
0xe7: {  	v3 =	vadd.f32 @!p0 v4, v3;
	_ =	sdelay $0x1  }
0xe8: {  	v3 =	vadd.f32 @!p0 v5, v3;
	_ =	sdelay $0x1  }
0xe9: {  	v3 =	vadd.f32 @!p0 v6, v3;
	_ =	sdelay $0x1  }
0xea: {  	s3 =	simm.s32 @!p0 $0x1C780;
	s2 =	simm.s32 @!p0 $0x0;
	s4 =	rddreg [dreg:$0x14];
	[tilespmem:$0x1C780] =	vst @!p0 v3  }
0xeb: {  	[hbm4b:s4+s2] =	stream.linear.scatter @!p0 [tilespmem:s3], [sflag:$0x3], $0x10, $0x38;
	[tilespmem:$0x1CC40] =	vst v63  }
0xec: {  	_ =	swait.ge @!p0 [sflag:s1], $0x10  }
0xed: {  	s23 =	sadd.s32 $0x1, s23;
	s31 =	rddreg [dreg:$0x16]  }
0xee: {  	p1 =	sne.s32 s23, s31  }
.Ltmp1:
0xef: {  	_ = 	snop;
	(pc) =	sbr.rel @!p1 .LBB2_14-.Ltmp1, $3  }
0xf0: {  	_ =	sdelay $0x1  }
0xf1: {  	[sflag:s1] =	ssyncset.done @!p0 $0x0  }
0xf2: {  	[sflag:s1] =	ssyncadd.s32 @!p0 $0xFFFFFFF0  }
.LBB2_1:
0xf3: {  	s1 =	rddreg [dreg:$0x2];
	s2 =	simm.s32 $0x1C400  }
0xf4: {  	[tilespmem:s2], [sflag:$0x3] =	stream.linear.gather [hbm4b:s1+s6], $0x200, $0x38;
	[tilespmem:$0x1CC40] =	vst v63  }
0xf5: {  	_ =	swait.ge [sflag:s17], $0x200  }
0xf6: {  	[sflag:s17] =	ssyncset.done $0x0  }
0xf7: {  	[sflag:s17] =	ssyncadd.s32 $0xFFFFFE00  }
0xf8: {  	s28 =	simm.s32 $0x1C600;
	s26 =	rddreg [dreg:$0x3]  }
0xf9: {  	[tilespmem:s28], [sflag:$0x3] =	stream.linear.gather [hbm4b:s26+s6], $0x80, $0x38;
	[tilespmem:$0x1CC40] =	vst v63  }
0xfa: {  	_ =	swait.ge [sflag:s17], $0x80  }
0xfb: {  	[sflag:s17] =	ssyncset.done $0x0  }
0xfc: {  	[sflag:s17] =	ssyncadd.s32 $0xFFFFFF80  }
0xfd: {  	s30 =	simm.s32 $0x1C000;
	s29 =	rddreg [dreg:$0x1]  }
0xfe: {  	[tilespmem:s30], [sflag:$0x3] =	stream.linear.gather [hbm4b:s29+s6], $0x200, $0x38;
	[tilespmem:$0x1CC40] =	vst v63  }
0xff: {  	_ =	swait.ge [sflag:s17], $0x200  }
0x100: {  	[sflag:s17] =	ssyncset.done $0x0  }
0x101: {  	[sflag:s17] =	ssyncadd.s32 $0xFFFFFE00  }
0x102: {  	v3 =	vld [tilespmem:$0x1C000];
	_ =	sdelay $0x1  }
0x103: {  	v4 =	vld [tilespmem:$0x1C010]  }
0x104: {  	[tilespmem:$0x1C780] =	vst v0;
	v5 =	vld [tilespmem:$0x1C020]  }
0x105: {  	[tilespmem:$0x1C790] =	vst v0  }
0x106: {  	[tilespmem:$0x1C7A0] =	vst v0;
	v6 =	vld [tilespmem:$0x1C030];
	(xrf0) =	vadd.scan.msk.s32 $0xffff, v3  }
0x107: {  	[tilespmem:$0x1C7B0] =	vst v0  }
0x108: {  	[tilespmem:$0x1C7C0] =	vst v0;
	v7 =	vld [tilespmem:$0x1C040];
	(xrf0) =	vadd.scan.msk.s32 $0xffff, v4  }
0x109: {  	[tilespmem:$0x1C7D0] =	vst v0;
	v8 =	vld [tilespmem:$0x1C050];
	(xrf0) =	vadd.scan.msk.s32 $0xffff, v5  }
0x10a: {  	[tilespmem:$0x1C7E0] =	vst v0  }
0x10b: {  	[tilespmem:$0x1C7F0] =	vst v0;
	v9 =	vld [tilespmem:$0x1C060];
	(xrf0) =	vadd.scan.msk.s32 $0xffff, v6  }
0x10c: {  	[tilespmem:$0x1C800] =	vst v0;
	v10, _, _ =	vpop (xrf0)  }
0x10d: {  	[tilespmem:$0x1C810] =	vst v0;
	v12 =	vld [tilespmem:$0x1C070];
	(xrf0) =	vadd.scan.msk.s32 $0xffff, v7;
	v11 =	vbroadcast v10, $0xF  }
0x10e: {  	[tilespmem:$0x1C820] =	vst v0;
	v3 =	vsub.s32 v10, v3;
	v13, _, _ =	vpop (xrf0);
	(xrf0) =	vadd.scan.msk.s32 $0xffff, v8  }
0x10f: {  	v62 =	vld [tilespmem:$0x1C080];
	[tilespmem:$0x1C200] =	vst v3;
	v61, _, _ =	vpop (xrf0);
	v3 =	vsub.s32 v11, v4;
	v4 =	vadd.s32 v10, v13  }
0x110: {  	v14 =	vld [tilespmem:$0x1C090];
	(xrf0) =	vadd.scan.msk.s32 $0xffff, v9;
	v3 =	vadd.s32 v13, v3;
	v63 =	vbroadcast v4, $0xF;
	v4 =	vadd.s32 v4, v61  }
0x111: {  	v16, _, _ =	vpop (xrf0);
	[tilespmem:$0x1C210] =	vst v3;
	v3 =	vsub.s32 v61, v5;
	v5 =	vbroadcast v4, $0xF  }
0x112: {  	v17 =	vld [tilespmem:$0x1C0A0];
	(xrf0) =	vadd.scan.msk.s32 $0xffff, v12;
	v6 =	vsub.s32 v16, v6;
	v4 =	vadd.s32 v4, v16;
	v3 =	vadd.s32 v63, v3  }
0x113: {  	v18, _, _ =	vpop (xrf0);
	[tilespmem:$0x1C220] =	vst v3;
	v3 =	vadd.s32 v5, v6;
	v5 =	vbroadcast v4, $0xF  }
0x114: {  	v20 =	vld [tilespmem:$0x1C0B0];
	(xrf0) =	vadd.scan.msk.s32 $0xffff, v62;
	v4 =	vadd.s32 v4, v18;
	v19, _, _ =	vpop (xrf0);
	[tilespmem:$0x1C230] =	vst v3;
	v3 =	vsub.s32 v18, v7  }
0x115: {  	v21 =	vld [tilespmem:$0x1C0C0];
	(xrf0) =	vadd.scan.msk.s32 $0xffff, v14;
	v3 =	vadd.s32 v5, v3;
	v5 =	vbroadcast v4, $0xF;
	v4 =	vadd.s32 v4, v19  }
0x116: {  	v23, _, _ =	vpop (xrf0);
	[tilespmem:$0x1C240] =	vst v3;
	v3 =	vsub.s32 v19, v8;
	v22 =	vbroadcast v4, $0xF  }
0x117: {  	v24 =	vld [tilespmem:$0x1C0D0];
	(xrf0) =	vadd.scan.msk.s32 $0xffff, v17;
	v4 =	vadd.s32 v4, v23;
	v3 =	vadd.s32 v5, v3;
	v5 =	vsub.s32 v23, v9  }
0x118: {  	v26 =	vld [tilespmem:$0x1C0E0];
	v25, _, _ =	vpop (xrf0);
	[tilespmem:$0x1C250] =	vst v3;
	v3 =	vadd.s32 v22, v5;
	v5 =	vbroadcast v4, $0xF  }
0x119: {  	[tilespmem:$0x1C830] =	vst v0;
	(xrf0) =	vadd.scan.msk.s32 $0xffff, v20;
	v12 =	vsub.s32 v25, v12;
	v4 =	vadd.s32 v4, v25  }
0x11a: {  	v28 =	vld [tilespmem:$0x1C0F0];
	v27, _, _ =	vpop (xrf0);
	(xrf0) =	vadd.scan.msk.s32 $0xffff, v21;
	[tilespmem:$0x1C260] =	vst v3;
	v3 =	vadd.s32 v5, v12;
	v5 =	vbroadcast v4, $0xF  }
0x11b: {  	v29, _, _ =	vpop (xrf0);
	v4 =	vadd.s32 v4, v27;
	[tilespmem:$0x1C270] =	vst v3;
	v3 =	vsub.s32 v27, v62  }
0x11c: {  	v30 =	vld [tilespmem:$0x1C100];
	(xrf0) =	vadd.scan.msk.s32 $0xffff, v24;
	v3 =	vadd.s32 v5, v3;
	v5 =	vbroadcast v4, $0xF;
	v4 =	vadd.s32 v4, v29  }
0x11d: {  	v32, _, _ =	vpop (xrf0);
	(xrf0) =	vadd.scan.msk.s32 $0xffff, v26;
	[tilespmem:$0x1C280] =	vst v3;
	v3 =	vsub.s32 v29, v14;
	v31 =	vbroadcast v4, $0xF  }
0x11e: {  	[tilespmem:$0x1C840] =	vst v0;
	v33 =	vld [tilespmem:$0x1C110];
	v4 =	vadd.s32 v4, v32;
	v3 =	vadd.s32 v5, v3;
	v5 =	vsub.s32 v32, v17  }
0x11f: {  	v34, _, _ =	vpop (xrf0);
	(xrf0) =	vadd.scan.msk.s32 $0xffff, v28;
	[tilespmem:$0x1C290] =	vst v3;
	v3 =	vadd.s32 v31, v5;
	v5 =	vbroadcast v4, $0xF  }
0x120: {  	v36 =	vld [tilespmem:$0x1C120];
	v35, _, _ =	vpop (xrf0);
	v4 =	vadd.s32 v4, v34;
	[tilespmem:$0x1C2A0] =	vst v3;
	v3 =	vsub.s32 v34, v20  }
0x121: {  	(xrf0) =	vadd.scan.msk.s32 $0xffff, v30;
	v3 =	vadd.s32 v5, v3;
	v5 =	vbroadcast v4, $0xF;
	v4 =	vadd.s32 v4, v35  }
0x122: {  	v39 =	vld [tilespmem:$0x1C130];
	v38, _, _ =	vpop (xrf0);
	[tilespmem:$0x1C2B0] =	vst v3;
	v3 =	vsub.s32 v35, v21;
	v37 =	vbroadcast v4, $0xF  }
0x123: {  	v41 =	vld [tilespmem:$0x1C140];
	(xrf0) =	vadd.scan.msk.s32 $0xffff, v33;
	v40, _, _ =	vpop (xrf0);
	v4 =	vadd.s32 v4, v38;
	v3 =	vadd.s32 v5, v3;
	v5 =	vsub.s32 v38, v24  }
0x124: {  	[tilespmem:$0x1C2C0] =	vst v3;
	v3 =	vadd.s32 v37, v5;
	v5 =	vbroadcast v4, $0xF;
	v4 =	vadd.s32 v4, v40  }
0x125: {  	v44 =	vld [tilespmem:$0x1C150];
	(xrf0) =	vadd.scan.msk.s32 $0xffff, v36;
	v43, _, _ =	vpop (xrf0);
	[tilespmem:$0x1C2D0] =	vst v3;
	v3 =	vsub.s32 v40, v26;
	v42 =	vbroadcast v4, $0xF  }
0x126: {  	[tilespmem:$0x1C850] =	vst v0;
	v4 =	vadd.s32 v4, v43;
	v3 =	vadd.s32 v5, v3;
	v5 =	vsub.s32 v43, v28  }
0x127: {  	v45, _, _ =	vpop (xrf0);
	(xrf0) =	vadd.scan.msk.s32 $0xffff, v39;
	[tilespmem:$0x1C2E0] =	vst v3;
	v3 =	vadd.s32 v42, v5;
	v5 =	vbroadcast v4, $0xF  }
0x128: {  	[tilespmem:$0x1C860] =	vst v0;
	v46 =	vld [tilespmem:$0x1C160];
	v11 =	vsub.s32 v45, v30;
	(xrf0) =	vadd.scan.msk.s32 $0xffff, v41;
	v4 =	vadd.s32 v4, v45  }
0x129: {  	v47, _, _ =	vpop (xrf0);
	[tilespmem:$0x1C2F0] =	vst v3;
	v3 =	vadd.s32 v5, v11;
	v5 =	vbroadcast v4, $0xF  }
0x12a: {  	[tilespmem:$0x1C870] =	vst v0;
	v10 =	vsub.s32 v47, v33;
	(xrf0) =	vadd.scan.msk.s32 $0xffff, v44;
	v4 =	vadd.s32 v4, v47  }
0x12b: {  	v48 =	vld [tilespmem:$0x1C170];
	v49, _, _ =	vpop (xrf0);
	[tilespmem:$0x1C300] =	vst v3;
	v3 =	vadd.s32 v5, v10;
	v5 =	vbroadcast v4, $0xF  }
0x12c: {  	[tilespmem:$0x1C880] =	vst v0;
	v7 =	vsub.s32 v49, v36;
	v4 =	vadd.s32 v4, v49  }
0x12d: {  	(xrf0) =	vadd.scan.msk.s32 $0xffff, v46;
	v50, _, _ =	vpop (xrf0);
	[tilespmem:$0x1C310] =	vst v3;
	v3 =	vadd.s32 v5, v7;
	v5 =	vbroadcast v4, $0xF  }
0x12e: {  	v51 =	vld [tilespmem:$0x1C180];
	v52, _, _ =	vpop (xrf0);
	v4 =	vadd.s32 v4, v50;
	[tilespmem:$0x1C320] =	vst v3;
	v3 =	vsub.s32 v50, v39  }
0x12f: {  	[tilespmem:$0x1C890] =	vst v0;
	v3 =	vadd.s32 v5, v3;
	v5 =	vbroadcast v4, $0xF;
	v4 =	vadd.s32 v4, v52  }
0x130: {  	(xrf0) =	vadd.scan.msk.s32 $0xffff, v48;
	v54, _, _ =	vpop (xrf0);
	[tilespmem:$0x1C330] =	vst v3;
	v3 =	vsub.s32 v52, v41;
	v53 =	vbroadcast v4, $0xF  }
0x131: {  	[tilespmem:$0x1C8A0] =	vst v0;
	v55 =	vld [tilespmem:$0x1C190];
	v4 =	vadd.s32 v4, v54;
	v3 =	vadd.s32 v5, v3;
	v5 =	vsub.s32 v54, v44  }
0x132: {  	v56 =	vld [tilespmem:$0x1C1A0];
	[tilespmem:$0x1C340] =	vst v3;
	v3 =	vadd.s32 v53, v5;
	v5 =	vbroadcast v4, $0xF  }
0x133: {  	[tilespmem:$0x1C8B0] =	vst v0;
	(xrf0) =	vadd.scan.msk.s32 $0xffff, v51;
	v57, _, _ =	vpop (xrf0)  }
0x134: {  	v58 =	vld [tilespmem:$0x1C1B0];
	[tilespmem:$0x1C350] =	vst v3;
	v3 =	vsub.s32 v57, v46  }
0x135: {  	[tilespmem:$0x1C8C0] =	vst v0;
	v4 =	vadd.s32 v4, v57;
	v3 =	vadd.s32 v5, v3  }
0x136: {  	[tilespmem:$0x1C360] =	vst v3;
	v3 =	vbroadcast v4, $0xF;
	v5, _, _ =	vpop (xrf0);
	(xrf0) =	vadd.scan.msk.s32 $0xffff, v55  }
0x137: {  	[tilespmem:$0x1C8D0] =	vst v0;
	v6 =	vsub.s32 v5, v48;
	(xrf0) =	vadd.scan.msk.s32 $0xffff, v56  }
0x138: {  	[tilespmem:$0x1C8E0] =	vst v0;
	v4 =	vadd.s32 v4, v5;
	v3 =	vadd.s32 v3, v6  }
0x139: {  	v5, _, _ =	vpop (xrf0);
	(xrf0) =	vadd.scan.msk.s32 $0xffff, v58;
	[tilespmem:$0x1C370] =	vst v3;
	v3 =	vbroadcast v4, $0xF  }
0x13a: {  	[tilespmem:$0x1C8F0] =	vst v0;
	v59 =	vsub.s32 v5, v51  }
0x13b: {  	[tilespmem:$0x1C900] =	vst v0;
	v4 =	vadd.s32 v4, v5;
	v3 =	vadd.s32 v3, v59  }
0x13c: {  	v5, _, _ =	vpop (xrf0);
	[tilespmem:$0x1C380] =	vst v3;
	v3 =	vbroadcast v4, $0xF  }
0x13d: {  	[tilespmem:$0x1C910] =	vst v0;
	v60, _, _ =	vpop (xrf0);
	v61 =	vsub.s32 v5, v55;
	v4 =	vadd.s32 v4, v5  }
0x13e: {  	[tilespmem:$0x1C920] =	vst v0;
	v3 =	vadd.s32 v3, v61;
	v5 =	vbroadcast v4, $0xF;
	v4 =	vadd.s32 v4, v60  }
0x13f: {  	v63, _, _ =	vpop (xrf0);
	[tilespmem:$0x1C390] =	vst v3;
	v3 =	vsub.s32 v60, v56;
	v62 =	vbroadcast v4, $0xF  }
.Ltmp2:
0x140: {  	[tilespmem:$0x1C930] =	vst v0;
	v4 =	vadd.s32 v4, v63;
	v3 =	vadd.s32 v5, v3;
	v5 =	vsub.s32 v63, v58;
	(pc) =	sbr.rel .LBB2_2-.Ltmp2, $4  }
0x141: {  	v4 =	vbroadcast v4, $0xF;
	[tilespmem:$0x1C3A0] =	vst v3;
	v3 =	vadd.s32 v62, v5  }
0x142: {  	[tilespmem:$0x1C3B0] =	vst v3  }
0x143: {  	s24 =	simm.s32 $0x0;
	s31 =	rddreg [dreg:$0x7];
	[tilespmem:$0x1C3C0] =	vst v4  }
0x144: {  	v3 =	vld [tilespmem:$0x1C600];
	[tilespmem:s6], [sflag:$0x1] =	stream.linear.gather [hbm4b:s31+s6], $0xE000, $0x38  }
.LBB2_12:
0x145: {  	s24 =	sadd.s32 $0x1, s24  }
0x146: {  	p1 =	sne.s32 s24, $0xE  }
.Ltmp3:
0x147: {  	_ = 	snop;
	(pc) =	sbr.rel @!p1 .LBB2_13-.Ltmp3, $1  }
0x148: {  	_ =	sdelay $0x3  }
.LBB2_2:
0x149: {  	s25 =	sshllo.u32 s24, $0x1  }
0x14a: {  	s26 =	sshll.u32 s24, $0x1;
	p1 =	sge.u32 s25, s8  }
0x14b: {  	p2 =	sge.u32 s26, s8;
	s1 =	smul.u32 @!p1 $0x70, s25  }
.Ltmp4:
0x14c: {  	_ = 	snop;
	(pc) =	sbr.rel @p2 .LBB2_7-.Ltmp4, $4  }
0x14d: {  	s1 =	sadd.s32 @!p1 s7, s1  }
0x14e: {  	s1 =	sshll.u32 @!p1 s1, $0x6  }
0x14f: {  	s2 =	simm.s32 @!p1 $0x0;
	s3 =	simm.s32 @!p1 $0xE000;
	s1 =	sadd.s32 @!p1 s0, s1  }
0x150: {  	[tilespmem:s3], [sflag:$0x2] =	stream.linear.gather @!p1 [hbm4b:s1+s2], $0xE000, $0x38;
	[tilespmem:$0x1CC40] =	vst v63  }
0x151: {  	s1 =	smul.u32 $0xE0, s24;
	_ =	swait.ge [sflag:s18], $0xE000  }
0x152: {  	s29 =	simm.s32 $0x0;
	[sflag:s18] =	ssyncset.done $0x0  }
0x153: {  	s30 =	simm.s32 $0x0;
	s28 =	sadd.s32 s7, s1;
	[sflag:s18] =	ssyncadd.s32 $0xFFFF2000  }
.LBB2_4:
0x154: {  	s1 =	sshll.u32 s30, $0xD  }
0x155: {  	s2 =	sand.u32 $0xC00, s29;
	s31 =	sand.u32 $0x3FFFE000, s1  }
0x156: {  	s12 =	simm.s32 $0x1C400;
	s3 =	sand.u32 $0x70, s29;
	s4 =	sadd.s32 s2, s31  }
0x157: {  	v5 =	vld [tilespmem:s12+$0x0];
	s5 =	sadd.s32 s3, s4  }
0x158: {  	v4 =	vld [tilespmem:s5+$0x1380]  }
0x159: {  	v6 =	vld [tilespmem:s5+$0x0]  }
0x15a: {  	s1 =	sor.u32 $0x1000, s31;
	v7 =	vld [tilespmem:s5+$0x80]  }
0x15b: {  	s2 =	sadd.s32 s2, s1;
	v8 =	vld [tilespmem:s5+$0x100]  }
0x15c: {  	s2 =	sadd.s32 s3, s2;
	v18 =	vld [tilespmem:s5+$0x380]  }
0x15d: {  	v19 =	vld [tilespmem:s2+$0x0]  }
0x15e: {  	v9 =	vld [tilespmem:s5+$0x180]  }
0x15f: {  	v10 =	vld [tilespmem:s5+$0x200]  }
0x160: {  	v12 =	vimm.f32 $0.0e+00;
	v11 =	vld [tilespmem:s5+$0x280];
	v4 =	vmul.f32 v4, v5  }
0x161: {  	v20 =	vimm.f32 $0.0e+00;
	v16 =	vld [tilespmem:s5+$0x300];
	v6 =	vmul.f32 v6, v5;
	v7 =	vmul.f32 v7, v5  }
0x162: {  	v27 =	vmul.f32 v18, v5;
	v18 =	vimm.f32 $0.0e+00;
	v26 =	vmul.f32 v19, v5  }
0x163: {  	v19 =	vimm.f32 $0.0e+00;
	v4 =	vadd.f32 v4, v12;
	v17 =	vadd.f32 v6, v12  }
0x164: {  	v25 =	vld [tilespmem:s5+$0x1080];
	v6 =	vmul.f32 v8, v5;
	v8 =	vmul.f32 v9, v5;
	v15 =	vadd.f32 v7, v12  }
0x165: {  	v24 =	vld [tilespmem:s5+$0x1100];
	v7 =	vmul.f32 v10, v5;
	v9 =	vmul.f32 v11, v5;
	v10 =	vimm.f32 $0.0e+00  }
0x166: {  	v22 =	vld [tilespmem:s5+$0x1180];
	v14 =	vadd.f32 v6, v12;
	v13 =	vadd.f32 v8, v12;
	v6 =	vmul.f32 v16, v5  }
0x167: {  	s9 =	simm.s32 $0x10;
	v21 =	vld [tilespmem:s5+$0x1200];
	s2 =	simm.s32 $0x80;
	v11 =	vadd.f32 v7, v12;
	v9 =	vadd.f32 v9, v12;
	v16 =	vimm.f32 $0.0e+00  }
0x168: {  	s4 =	simm.s32 $0x20;
	v23 =	vld [tilespmem:s5+$0x1280];
	s3 =	simm.s32 $0x1C410;
	s11 =	sand.u32 $0xC00, s2;
	v7 =	vimm.f32 $0.0e+00;
	v8 =	vadd.f32 v6, v12;
	v6 =	vimm.f32 $0.0e+00  }
.LBB2_5:
0x169: {  	p2 =	sne.s32 s4, $0x1F0;
	s12 =	sand.u32 $0x70, s9;
	s9 =	sadd.s32 s11, s31;
	v12 =	vadd.f32 v27, v12;
	v25 =	vmul.f32 v25, v5;
	v27 =	vld [tilespmem:s5+$0x1300]  }
0x16a: {  	s11 =	sadd.s32 s11, s1;
	v28 =	vld [tilespmem:s3+$0x0];
	s5 =	sadd.s32 s12, s9;
	v19 =	vadd.f32 v26, v19;
	v24 =	vmul.f32 v24, v5;
	s9 =	smov.u32 s4  }
0x16b: {  	s11 =	sadd.s32 s12, s11;
	v26 =	vld [tilespmem:s5+$0x1380];
	v20 =	vadd.f32 v25, v20;
	v22 =	vmul.f32 v22, v5  }
0x16c: {  	v25 =	vld [tilespmem:s5+$0x0];
	v18 =	vadd.f32 v24, v18;
	v21 =	vmul.f32 v21, v5  }
0x16d: {  	v24 =	vld [tilespmem:s5+$0x80];
	v16 =	vadd.f32 v22, v16;
	v22 =	vmul.f32 v23, v5  }
0x16e: {  	v23 =	vld [tilespmem:s5+$0x100];
	v10 =	vadd.f32 v21, v10;
	v21 =	vmul.f32 v27, v5  }
0x16f: {  	v27 =	vld [tilespmem:s5+$0x180];
	v7 =	vadd.f32 v22, v7;
	v5 =	vmov v28  }
0x170: {  	v22 =	vld [tilespmem:s5+$0x200];
	v26 =	vmul.f32 v26, v5;
	v6 =	vadd.f32 v21, v6  }
0x171: {  	v21 =	vmul.f32 v25, v5;
	v28 =	vld [tilespmem:s5+$0x280]  }
0x172: {  	v24 =	vmul.f32 v24, v5;
	v29 =	vld [tilespmem:s5+$0x300];
	v4 =	vadd.f32 v26, v4  }
0x173: {  	v17 =	vadd.f32 v21, v17;
	v21 =	vmul.f32 v23, v5;
	v23 =	vld [tilespmem:s5+$0x380]  }
0x174: {  	v15 =	vadd.f32 v24, v15;
	v24 =	vmul.f32 v27, v5;
	v26 =	vld [tilespmem:s11+$0x0]  }
.Ltmp5:
0x175: {  	v14 =	vadd.f32 v21, v14;
	v21 =	vmul.f32 v22, v5;
	v25 =	vld [tilespmem:s5+$0x1080];
	(pc) =	sbr.rel @p2 .LBB2_5-.Ltmp5, $4  }
0x176: {  	v13 =	vadd.f32 v24, v13;
	v27 =	vmul.f32 v28, v5;
	v24 =	vld [tilespmem:s5+$0x1100]  }
0x177: {  	v11 =	vadd.f32 v21, v11;
	v28 =	vmul.f32 v29, v5;
	v22 =	vld [tilespmem:s5+$0x1180]  }
0x178: {  	s2 =	sadd.s32 $0x80, s2;
	v9 =	vadd.f32 v27, v9;
	v27 =	vmul.f32 v23, v5;
	v21 =	vld [tilespmem:s5+$0x1200]  }
0x179: {  	s4 =	sadd.s32 $0x10, s4;
	s3 =	sadd.s32 $0x10, s3;
	s11 =	sand.u32 $0xC00, s2;
	v8 =	vadd.f32 v28, v8;
	v26 =	vmul.f32 v26, v5;
	v23 =	vld [tilespmem:s5+$0x1280]  }
0x17a: {  	s2 =	sand.u32 $0x70, s9;
	s4 =	sadd.s32 s11, s31;
	v28 =	vld [tilespmem:s5+$0x1300]  }
0x17b: {  	v29 =	vld [tilespmem:s3+$0x0];
	s12 =	sadd.s32 s2, s4  }
0x17c: {  	v30 =	vld [tilespmem:s12+$0x1380]  }
0x17d: {  	v31 =	vld [tilespmem:s12+$0x0]  }
0x17e: {  	v32 =	vld [tilespmem:s12+$0x80]  }
0x17f: {  	v33 =	vld [tilespmem:s12+$0x100]  }
0x180: {  	v34 =	vld [tilespmem:s12+$0x180]  }
0x181: {  	v35 =	vld [tilespmem:s12+$0x200]  }
0x182: {  	v36 =	vld [tilespmem:s12+$0x280]  }
0x183: {  	s1 =	sadd.s32 s11, s1;
	v37 =	vld [tilespmem:s12+$0x300]  }
0x184: {  	s1 =	sadd.s32 s2, s1;
	v38 =	vld [tilespmem:s12+$0x380]  }
0x185: {  	v39 =	vld [tilespmem:s1+$0x0]  }
0x186: {  	v40 =	vld [tilespmem:s12+$0x1080]  }
0x187: {  	v41 =	vld [tilespmem:s12+$0x1100];
	v31 =	vmul.f32 v31, v29  }
0x188: {  	v12 =	vadd.f32 v27, v12;
	v42 =	vld [tilespmem:s12+$0x1180];
	v47 =	vmul.f32 v32, v29  }
0x189: {  	v25 =	vmul.f32 v25, v5;
	v48 =	vld [tilespmem:s12+$0x1200];
	v49 =	vmul.f32 v33, v29;
	v17 =	vadd.f32 v31, v17  }
0x18a: {  	v54 =	vmul.f32 v24, v5;
	v50 =	vld [tilespmem:s12+$0x1280];
	v51 =	vmul.f32 v34, v29;
	v15 =	vadd.f32 v47, v15  }
0x18b: {  	v52 =	vld [tilespmem:s12+$0x1300];
	v20 =	vadd.f32 v25, v20;
	v53 =	vmul.f32 v35, v29;
	v14 =	vadd.f32 v49, v14;
	[tilespmem:$0x1C680] =	vst v17  }
0x18c: {  	v56 =	vmul.f32 v22, v5;
	v55 =	vmul.f32 v36, v29;
	v13 =	vadd.f32 v51, v13;
	[tilespmem:$0x1C690] =	vst v15  }
0x18d: {  	v60 =	vmul.f32 v21, v5;
	v57 =	vmul.f32 v37, v29;
	v11 =	vadd.f32 v53, v11;
	[tilespmem:$0x1C6A0] =	vst v14  }
0x18e: {  	v62 =	vmul.f32 v23, v5;
	v58 =	vmul.f32 v38, v29;
	v9 =	vadd.f32 v55, v9;
	[tilespmem:$0x1C6B0] =	vst v13  }
0x18f: {  	v5 =	vmul.f32 v28, v5;
	v61 =	vmul.f32 v40, v29;
	v8 =	vadd.f32 v57, v8;
	[tilespmem:$0x1C6C0] =	vst v11  }
0x190: {  	v7 =	vadd.f32 v62, v7;
	v25 =	vmul.f32 v50, v29;
	v12 =	vadd.f32 v58, v12;
	[tilespmem:$0x1C6D0] =	vst v9  }
0x191: {  	v5 =	vadd.f32 v5, v6;
	v28 =	vmul.f32 v52, v29;
	v20 =	vadd.f32 v61, v20;
	[tilespmem:$0x1C6E0] =	vst v8  }
0x192: {  	v19 =	vadd.f32 v26, v19;
	v59 =	vmul.f32 v39, v29;
	v7 =	vadd.f32 v25, v7;
	[tilespmem:$0x1C6F0] =	vst v12  }
0x193: {  	v31 =	vmul.f32 v30, v29;
	v5 =	vadd.f32 v28, v5;
	[tilespmem:$0x1C710] =	vst v20  }
0x194: {  	v63 =	vmul.f32 v41, v29;
	v15 =	vadd.f32 v54, v18;
	v11 =	vadd.f32 v59, v19;
	[tilespmem:$0x1C750] =	vst v7  }
0x195: {  	v21 =	vmul.f32 v42, v29;
	v14 =	vadd.f32 v56, v16;
	v4 =	vadd.f32 v31, v4;
	[tilespmem:$0x1C760] =	vst v5  }
0x196: {  	v23 =	vmul.f32 v48, v29;
	v19 =	vadd.f32 v60, v10;
	v22 =	vadd.f32 v63, v15;
	[tilespmem:$0x1C700] =	vst v11  }
0x197: {  	v24 =	vadd.f32 v21, v14;
	[tilespmem:$0x1C770] =	vst v4  }
0x198: {  	v26 =	vadd.f32 v23, v19;
	[tilespmem:$0x1C720] =	vst v22  }
0x199: {  	[tilespmem:$0x1C730] =	vst v24  }
0x19a: {  	[tilespmem:$0x1C740] =	vst v26  }
0x19b: {  	v4 =	vld.idx.msk [tilespmem:v2+s20+$0x0], $0xffff;
	_ =	sdelay $0x1  }
0x19c: {  	s31 =	sshll.u32 s30, $0x4  }
0x19d: {  	s1 =	sadd.s32 s31, s28  }
0x19e: {  	v5 =	vor.u32 s1, v1  }
0x19f: {  	vm0 =	vgt.s32 v4, v5  }
0x1a0: {  	v4 =	vsel vm0, $0x0, v2  }
0x1a1: {  	v32 =	vor.u32 $0x80, v4;
	_ =	sdelay $0x4  }
0x1a2: {  	v7 =	vld.idx.msk [tilespmem:v32+s20+$0x0], $0xffff;
	_ =	sdelay $0x4  }
0x1a3: {  	vm8 =	vgt.s32 v7, v5  }
0x1a4: {  	v4 =	vsel vm8, v4, v32  }
0x1a5: {  	v6 =	vor.u32 $0x40, v4;
	_ =	sdelay $0x4  }
0x1a6: {  	v33 =	vld.idx.msk [tilespmem:v6+s20+$0x0], $0xffff;
	_ =	sdelay $0x4  }
0x1a7: {  	vm9 =	vgt.s32 v33, v5  }
0x1a8: {  	v4 =	vsel vm9, v4, v6  }
0x1a9: {  	v6 =	vor.u32 $0x20, v4  }
0x1aa: {  	v6 =	vmin.u32 v6, $0x1C0;
	_ =	sdelay $0x4  }
0x1ab: {  	v34 =	vld.idx.msk [tilespmem:v6+s20+$0x0], $0xffff;
	_ =	sdelay $0x4  }
0x1ac: {  	vm10 =	vgt.s32 v34, v5  }
0x1ad: {  	v4 =	vsel vm10, v4, v6  }
0x1ae: {  	v6 =	vmin.u32 v4, $0x1B0  }
0x1af: {  	v6 =	vadd.s32 $0x10, v6;
	_ =	sdelay $0x4  }
0x1b0: {  	v35 =	vld.idx.msk [tilespmem:v6+s20+$0x0], $0xffff;
	_ =	sdelay $0x4  }
0x1b1: {  	vm11 =	vgt.s32 v35, v5  }
0x1b2: {  	v4 =	vsel vm11, v4, v6  }
0x1b3: {  	v6 =	vmin.u32 v4, $0x1B8  }
0x1b4: {  	v6 =	vadd.s32 $0x8, v6;
	_ =	sdelay $0x4  }
0x1b5: {  	v36 =	vld.idx.msk [tilespmem:v6+s20+$0x0], $0xffff;
	_ =	sdelay $0x4  }
0x1b6: {  	v37 =	vmul.u32 $0x10, v1;
	vm12 =	vgt.s32 v36, v5  }
0x1b7: {  	v4 =	vsel vm12, v4, v6  }
0x1b8: {  	v38 =	vor.u32 $0x1, v37;
	v39 =	vmin.u32 v4, $0x1BC  }
0x1b9: {  	v7 =	vadd.s32 $0x4, v39;
	_ =	sdelay $0x1  }
0x1ba: {  	v40 =	vor.u32 $0x2, v37  }
0x1bb: {  	v41 =	vld.idx.msk [tilespmem:v37+s19+$0x0], $0xffff  }
0x1bc: {  	v42 =	vor.u32 $0x3, v37;
	v6 =	vld.idx.msk [tilespmem:v38+s19+$0x0], $0xffff  }
0x1bd: {  	v12 =	vld.idx.msk [tilespmem:v7+s20+$0x0], $0xffff  }
0x1be: {  	v43 =	vor.u32 $0x4, v37  }
0x1bf: {  	v9 =	vld.idx.msk [tilespmem:v40+s19+$0x0], $0xffff  }
0x1c0: {  	v44 =	vor.u32 $0x5, v37  }
0x1c1: {  	v11 =	vld.idx.msk [tilespmem:v42+s19+$0x0], $0xffff  }
0x1c2: {  	v45 =	vor.u32 $0x6, v37;
	v6 =	vadd.f32 v6, v41;
	vm13 =	vgt.s32 v12, v5  }
0x1c3: {  	v46 =	vld.idx.msk [tilespmem:v43+s19+$0x0], $0xffff;
	v4 =	vsel vm13, v4, v7  }
0x1c4: {  	v47 =	vor.u32 $0x7, v37;
	v6 =	vadd.f32 v9, v6;
	v48 =	vmin.u32 v4, $0x1BE  }
0x1c5: {  	v49 =	vld.idx.msk [tilespmem:v44+s19+$0x0], $0xffff;
	v9 =	vadd.s32 $0x2, v48  }
0x1c6: {  	v50 =	vor.u32 $0x8, v37;
	v6 =	vadd.f32 v11, v6  }
0x1c7: {  	v10 =	vld.idx.msk [tilespmem:v45+s19+$0x0], $0xffff  }
0x1c8: {  	v51 =	vor.u32 $0x9, v37;
	v6 =	vadd.f32 v46, v6  }
0x1c9: {  	v7 =	vld.idx.msk [tilespmem:v47+s19+$0x0], $0xffff  }
0x1ca: {  	v52 =	vor.u32 $0xA, v37;
	v6 =	vadd.f32 v49, v6;
	v53 =	vld.idx.msk [tilespmem:v9+s20+$0x0], $0xffff  }
0x1cb: {  	v11 =	vld.idx.msk [tilespmem:v50+s19+$0x0], $0xffff  }
0x1cc: {  	v54 =	vor.u32 $0xB, v37;
	v6 =	vadd.f32 v10, v6  }
0x1cd: {  	v12 =	vld.idx.msk [tilespmem:v51+s19+$0x0], $0xffff  }
0x1ce: {  	v55 =	vor.u32 $0xC, v37;
	v6 =	vadd.f32 v7, v6  }
0x1cf: {  	v13 =	vld.idx.msk [tilespmem:v52+s19+$0x0], $0xffff;
	vm14 =	vgt.s32 v53, v5  }
0x1d0: {  	v56 =	vor.u32 $0xD, v37;
	v6 =	vadd.f32 v11, v6;
	v4 =	vsel vm14, v4, v9  }
0x1d1: {  	v58 =	vor.u32 $0xE, v37;
	v57 =	vld.idx.msk [tilespmem:v54+s19+$0x0], $0xffff;
	v59 =	vmin.u32 v4, $0x1BF  }
0x1d2: {  	v6 =	vadd.f32 v12, v6;
	v60 =	vadd.s32 $0x1, v59  }
0x1d3: {  	v7 =	vld.idx.msk [tilespmem:v55+s19+$0x0], $0xffff  }
0x1d4: {  	v8 =	vor.u32 $0xF, v37;
	v6 =	vadd.f32 v13, v6  }
0x1d5: {  	v11 =	vld.idx.msk [tilespmem:v56+s19+$0x0], $0xffff  }
0x1d6: {  	v61 =	vld.idx.msk [tilespmem:v58+s19+$0x0], $0xffff;
	v6 =	vadd.f32 v57, v6  }
0x1d7: {  	v62 =	vld.idx.msk [tilespmem:v60+s20+$0x0], $0xffff  }
0x1d8: {  	v6 =	vadd.f32 v7, v6  }
0x1d9: {  	v63 =	vld.idx.msk [tilespmem:v8+s19+$0x0], $0xffff  }
0x1da: {  	v6 =	vadd.f32 v11, v6;
	_ =	sdelay $0x1  }
0x1db: {  	s30 =	sadd.s32 $0x1, s30;
	v6 =	vadd.f32 v61, v6;
	vm15 =	vgt.s32 v62, v5  }
0x1dc: {  	p2 =	sne.s32 s30, $0x7;
	v4 =	vsel vm15, v4, v60  }
.Ltmp6:
0x1dd: {  	v5 =	vadd.f32 v63, v6;
	(pc) =	sbr.rel @p2 .LBB2_4-.Ltmp6, $3  }
0x1de: {  	_ = 	snop  }
0x1df: {  	v5 =	vadd.f32 v5, v3;
	_ =	sdelay $0x1  }
0x1e0: {  	[tilespmem:v4+s21+$0x0] =	vst.idx.add.f32.msk $0xffff, v5  }
.LBB2_7:
0x1e1: {  	s1 =	sadd.s32 $0x2, s26  }
0x1e2: {  	p2 =	sge.u32 s1, s8  }
0x1e3: {  	s1 =	smul.u32 @!p2 $0x70, s1  }
.Ltmp7:
0x1e4: {  	_ = 	snop;
	(pc) =	sbr.rel @p1 .LBB2_12-.Ltmp7, $4  }
0x1e5: {  	s1 =	sadd.s32 @!p2 s7, s1  }
0x1e6: {  	s1 =	sshll.u32 @!p2 s1, $0x6  }
0x1e7: {  	s2 =	simm.s32 @!p2 $0x0;
	s1 =	sadd.s32 @!p2 s0, s1  }
0x1e8: {  	[tilespmem:s2], [sflag:$0x1] =	stream.linear.gather @!p2 [hbm4b:s1+s2], $0xE000, $0x38;
	[tilespmem:$0x1CC40] =	vst v63  }
0x1e9: {  	s1 =	smul.u32 $0x70, s25;
	_ =	swait.ge [sflag:s22], $0xE000  }
0x1ea: {  	s26 =	simm.s32 $0x0;
	[sflag:s22] =	ssyncset.done $0x0  }
0x1eb: {  	s28 =	simm.s32 $0x0;
	s25 =	sadd.s32 s7, s1;
	[sflag:s22] =	ssyncadd.s32 $0xFFFF2000  }
.LBB2_9:
0x1ec: {  	s1 =	sshll.u32 s28, $0xD  }
0x1ed: {  	s1 =	sand.u32 $0x3FFFE000, s1  }
0x1ee: {  	s2 =	sand.u32 $0xC00, s26;
	s29 =	sadd.s32 $0xE000, s1  }
0x1ef: {  	s3 =	simm.s32 $0x1C400;
	s4 =	sand.u32 $0x70, s26;
	s5 =	sadd.s32 s2, s29  }
0x1f0: {  	v5 =	vld [tilespmem:s3+$0x0];
	s5 =	sadd.s32 s4, s5  }
0x1f1: {  	v4 =	vld [tilespmem:s5+$0x1380]  }
0x1f2: {  	v6 =	vld [tilespmem:s5+$0x0]  }
0x1f3: {  	s1 =	sadd.s32 $0xF000, s1;
	v7 =	vld [tilespmem:s5+$0x80]  }
0x1f4: {  	s2 =	sadd.s32 s2, s1;
	v8 =	vld [tilespmem:s5+$0x100]  }
0x1f5: {  	s2 =	sadd.s32 s4, s2;
	v18 =	vld [tilespmem:s5+$0x380]  }
0x1f6: {  	v19 =	vld [tilespmem:s2+$0x0]  }
0x1f7: {  	v9 =	vld [tilespmem:s5+$0x180]  }
0x1f8: {  	v10 =	vld [tilespmem:s5+$0x200]  }
0x1f9: {  	v12 =	vimm.f32 $0.0e+00;
	v11 =	vld [tilespmem:s5+$0x280];
	v4 =	vmul.f32 v4, v5  }
0x1fa: {  	v20 =	vimm.f32 $0.0e+00;
	v16 =	vld [tilespmem:s5+$0x300];
	v6 =	vmul.f32 v6, v5;
	v7 =	vmul.f32 v7, v5  }
0x1fb: {  	v27 =	vmul.f32 v18, v5;
	v26 =	vmul.f32 v19, v5;
	v19 =	vimm.f32 $0.0e+00  }
0x1fc: {  	v18 =	vimm.f32 $0.0e+00;
	v4 =	vadd.f32 v4, v12;
	v17 =	vadd.f32 v6, v12  }
0x1fd: {  	v25 =	vld [tilespmem:s5+$0x1080];
	v6 =	vmul.f32 v8, v5;
	v8 =	vmul.f32 v9, v5;
	v15 =	vadd.f32 v7, v12  }
0x1fe: {  	v24 =	vld [tilespmem:s5+$0x1100];
	v7 =	vmul.f32 v10, v5;
	v9 =	vmul.f32 v11, v5;
	v10 =	vimm.f32 $0.0e+00  }
0x1ff: {  	v22 =	vld [tilespmem:s5+$0x1180];
	v14 =	vadd.f32 v6, v12;
	v13 =	vadd.f32 v8, v12;
	v6 =	vmul.f32 v16, v5  }
0x200: {  	s9 =	simm.s32 $0x10;
	v21 =	vld [tilespmem:s5+$0x1200];
	s2 =	simm.s32 $0x80;
	v11 =	vadd.f32 v7, v12;
	v9 =	vadd.f32 v9, v12;
	v16 =	vimm.f32 $0.0e+00  }
0x201: {  	s3 =	simm.s32 $0x1C410;
	s4 =	simm.s32 $0x20;
	v23 =	vld [tilespmem:s5+$0x1280];
	s11 =	sand.u32 $0xC00, s2;
	v7 =	vimm.f32 $0.0e+00;
	v8 =	vadd.f32 v6, v12;
	v6 =	vimm.f32 $0.0e+00  }
.LBB2_10:
0x202: {  	p1 =	sne.s32 s4, $0x1F0;
	s12 =	sand.u32 $0x70, s9;
	s9 =	sadd.s32 s11, s29;
	v12 =	vadd.f32 v27, v12;
	v25 =	vmul.f32 v25, v5;
	v27 =	vld [tilespmem:s5+$0x1300]  }
0x203: {  	s11 =	sadd.s32 s11, s1;
	v28 =	vld [tilespmem:s3+$0x0];
	s5 =	sadd.s32 s12, s9;
	v19 =	vadd.f32 v26, v19;
	v24 =	vmul.f32 v24, v5;
	s9 =	smov.u32 s4  }
0x204: {  	s11 =	sadd.s32 s12, s11;
	v26 =	vld [tilespmem:s5+$0x1380];
	v20 =	vadd.f32 v25, v20;
	v22 =	vmul.f32 v22, v5  }
0x205: {  	v25 =	vld [tilespmem:s5+$0x0];
	v18 =	vadd.f32 v24, v18;
	v21 =	vmul.f32 v21, v5  }
0x206: {  	v24 =	vld [tilespmem:s5+$0x80];
	v16 =	vadd.f32 v22, v16;
	v22 =	vmul.f32 v23, v5  }
0x207: {  	v23 =	vld [tilespmem:s5+$0x100];
	v10 =	vadd.f32 v21, v10;
	v21 =	vmul.f32 v27, v5  }
0x208: {  	v27 =	vld [tilespmem:s5+$0x180];
	v7 =	vadd.f32 v22, v7;
	v5 =	vmov v28  }
0x209: {  	v22 =	vld [tilespmem:s5+$0x200];
	v26 =	vmul.f32 v26, v5;
	v6 =	vadd.f32 v21, v6  }
0x20a: {  	v21 =	vmul.f32 v25, v5;
	v28 =	vld [tilespmem:s5+$0x280]  }
0x20b: {  	v24 =	vmul.f32 v24, v5;
	v29 =	vld [tilespmem:s5+$0x300];
	v4 =	vadd.f32 v26, v4  }
0x20c: {  	v17 =	vadd.f32 v21, v17;
	v21 =	vmul.f32 v23, v5;
	v23 =	vld [tilespmem:s5+$0x380]  }
0x20d: {  	v15 =	vadd.f32 v24, v15;
	v24 =	vmul.f32 v27, v5;
	v26 =	vld [tilespmem:s11+$0x0]  }
.Ltmp8:
0x20e: {  	v14 =	vadd.f32 v21, v14;
	v21 =	vmul.f32 v22, v5;
	v25 =	vld [tilespmem:s5+$0x1080];
	(pc) =	sbr.rel @p1 .LBB2_10-.Ltmp8, $4  }
0x20f: {  	v13 =	vadd.f32 v24, v13;
	v27 =	vmul.f32 v28, v5;
	v24 =	vld [tilespmem:s5+$0x1100]  }
0x210: {  	v11 =	vadd.f32 v21, v11;
	v28 =	vmul.f32 v29, v5;
	v22 =	vld [tilespmem:s5+$0x1180]  }
0x211: {  	s2 =	sadd.s32 $0x80, s2;
	v9 =	vadd.f32 v27, v9;
	v27 =	vmul.f32 v23, v5;
	v21 =	vld [tilespmem:s5+$0x1200]  }
0x212: {  	s4 =	sadd.s32 $0x10, s4;
	s3 =	sadd.s32 $0x10, s3;
	s11 =	sand.u32 $0xC00, s2;
	v8 =	vadd.f32 v28, v8;
	v26 =	vmul.f32 v26, v5;
	v23 =	vld [tilespmem:s5+$0x1280]  }
0x213: {  	s2 =	sand.u32 $0x70, s9;
	s4 =	sadd.s32 s11, s29;
	v28 =	vld [tilespmem:s5+$0x1300]  }
0x214: {  	v29 =	vld [tilespmem:s3+$0x0];
	s30 =	sadd.s32 s2, s4  }
0x215: {  	v30 =	vld [tilespmem:s30+$0x1380]  }
0x216: {  	v31 =	vld [tilespmem:s30+$0x0]  }
0x217: {  	v32 =	vld [tilespmem:s30+$0x80]  }
0x218: {  	v33 =	vld [tilespmem:s30+$0x100]  }
0x219: {  	v34 =	vld [tilespmem:s30+$0x180]  }
0x21a: {  	v35 =	vld [tilespmem:s30+$0x200]  }
0x21b: {  	v36 =	vld [tilespmem:s30+$0x280]  }
0x21c: {  	s1 =	sadd.s32 s11, s1;
	v37 =	vld [tilespmem:s30+$0x300]  }
0x21d: {  	s1 =	sadd.s32 s2, s1;
	v38 =	vld [tilespmem:s30+$0x380]  }
0x21e: {  	v39 =	vld [tilespmem:s1+$0x0]  }
0x21f: {  	v40 =	vld [tilespmem:s30+$0x1080]  }
0x220: {  	v41 =	vld [tilespmem:s30+$0x1100];
	v31 =	vmul.f32 v31, v29  }
0x221: {  	v12 =	vadd.f32 v27, v12;
	v42 =	vld [tilespmem:s30+$0x1180];
	v47 =	vmul.f32 v32, v29  }
0x222: {  	v25 =	vmul.f32 v25, v5;
	v48 =	vld [tilespmem:s30+$0x1200];
	v49 =	vmul.f32 v33, v29;
	v17 =	vadd.f32 v31, v17  }
0x223: {  	v54 =	vmul.f32 v24, v5;
	v50 =	vld [tilespmem:s30+$0x1280];
	v51 =	vmul.f32 v34, v29;
	v15 =	vadd.f32 v47, v15  }
0x224: {  	v52 =	vld [tilespmem:s30+$0x1300];
	v20 =	vadd.f32 v25, v20;
	v53 =	vmul.f32 v35, v29;
	v14 =	vadd.f32 v49, v14;
	[tilespmem:$0x1C680] =	vst v17  }
0x225: {  	v56 =	vmul.f32 v22, v5;
	v55 =	vmul.f32 v36, v29;
	v13 =	vadd.f32 v51, v13;
	[tilespmem:$0x1C690] =	vst v15  }
0x226: {  	v60 =	vmul.f32 v21, v5;
	v57 =	vmul.f32 v37, v29;
	v11 =	vadd.f32 v53, v11;
	[tilespmem:$0x1C6A0] =	vst v14  }
0x227: {  	v62 =	vmul.f32 v23, v5;
	v58 =	vmul.f32 v38, v29;
	v9 =	vadd.f32 v55, v9;
	[tilespmem:$0x1C6B0] =	vst v13  }
0x228: {  	v5 =	vmul.f32 v28, v5;
	v61 =	vmul.f32 v40, v29;
	v8 =	vadd.f32 v57, v8;
	[tilespmem:$0x1C6C0] =	vst v11  }
0x229: {  	v7 =	vadd.f32 v62, v7;
	v25 =	vmul.f32 v50, v29;
	v12 =	vadd.f32 v58, v12;
	[tilespmem:$0x1C6D0] =	vst v9  }
0x22a: {  	v5 =	vadd.f32 v5, v6;
	v28 =	vmul.f32 v52, v29;
	v20 =	vadd.f32 v61, v20;
	[tilespmem:$0x1C6E0] =	vst v8  }
0x22b: {  	v19 =	vadd.f32 v26, v19;
	v59 =	vmul.f32 v39, v29;
	v7 =	vadd.f32 v25, v7;
	[tilespmem:$0x1C6F0] =	vst v12  }
0x22c: {  	v31 =	vmul.f32 v30, v29;
	v5 =	vadd.f32 v28, v5;
	[tilespmem:$0x1C710] =	vst v20  }
0x22d: {  	v63 =	vmul.f32 v41, v29;
	v15 =	vadd.f32 v54, v18;
	v11 =	vadd.f32 v59, v19;
	[tilespmem:$0x1C750] =	vst v7  }
0x22e: {  	v21 =	vmul.f32 v42, v29;
	v14 =	vadd.f32 v56, v16;
	v4 =	vadd.f32 v31, v4;
	[tilespmem:$0x1C760] =	vst v5  }
0x22f: {  	v23 =	vmul.f32 v48, v29;
	v19 =	vadd.f32 v60, v10;
	v22 =	vadd.f32 v63, v15;
	[tilespmem:$0x1C700] =	vst v11  }
0x230: {  	v24 =	vadd.f32 v21, v14;
	[tilespmem:$0x1C770] =	vst v4  }
0x231: {  	v26 =	vadd.f32 v23, v19;
	[tilespmem:$0x1C720] =	vst v22  }
0x232: {  	[tilespmem:$0x1C730] =	vst v24  }
0x233: {  	[tilespmem:$0x1C740] =	vst v26  }
0x234: {  	v4 =	vld.idx.msk [tilespmem:v2+s20+$0x0], $0xffff;
	_ =	sdelay $0x1  }
0x235: {  	s31 =	sshll.u32 s28, $0x4  }
0x236: {  	s1 =	sadd.s32 s31, s25  }
0x237: {  	v5 =	vor.u32 s1, v1  }
0x238: {  	vm0 =	vgt.s32 v4, v5  }
0x239: {  	v4 =	vsel vm0, $0x0, v2  }
0x23a: {  	v32 =	vor.u32 $0x80, v4;
	_ =	sdelay $0x4  }
0x23b: {  	v7 =	vld.idx.msk [tilespmem:v32+s20+$0x0], $0xffff;
	_ =	sdelay $0x4  }
0x23c: {  	vm8 =	vgt.s32 v7, v5  }
0x23d: {  	v4 =	vsel vm8, v4, v32  }
0x23e: {  	v6 =	vor.u32 $0x40, v4;
	_ =	sdelay $0x4  }
0x23f: {  	v33 =	vld.idx.msk [tilespmem:v6+s20+$0x0], $0xffff;
	_ =	sdelay $0x4  }
0x240: {  	vm9 =	vgt.s32 v33, v5  }
0x241: {  	v4 =	vsel vm9, v4, v6  }
0x242: {  	v6 =	vor.u32 $0x20, v4  }
0x243: {  	v6 =	vmin.u32 v6, $0x1C0;
	_ =	sdelay $0x4  }
0x244: {  	v34 =	vld.idx.msk [tilespmem:v6+s20+$0x0], $0xffff;
	_ =	sdelay $0x4  }
0x245: {  	vm10 =	vgt.s32 v34, v5  }
0x246: {  	v4 =	vsel vm10, v4, v6  }
0x247: {  	v6 =	vmin.u32 v4, $0x1B0  }
0x248: {  	v6 =	vadd.s32 $0x10, v6;
	_ =	sdelay $0x4  }
0x249: {  	v35 =	vld.idx.msk [tilespmem:v6+s20+$0x0], $0xffff;
	_ =	sdelay $0x4  }
0x24a: {  	vm11 =	vgt.s32 v35, v5  }
0x24b: {  	v4 =	vsel vm11, v4, v6  }
0x24c: {  	v6 =	vmin.u32 v4, $0x1B8  }
0x24d: {  	v6 =	vadd.s32 $0x8, v6;
	_ =	sdelay $0x4  }
0x24e: {  	v36 =	vld.idx.msk [tilespmem:v6+s20+$0x0], $0xffff;
	_ =	sdelay $0x4  }
0x24f: {  	v37 =	vmul.u32 $0x10, v1;
	vm12 =	vgt.s32 v36, v5  }
0x250: {  	v4 =	vsel vm12, v4, v6  }
0x251: {  	v38 =	vor.u32 $0x1, v37;
	v39 =	vmin.u32 v4, $0x1BC  }
0x252: {  	v7 =	vadd.s32 $0x4, v39;
	_ =	sdelay $0x1  }
0x253: {  	v40 =	vor.u32 $0x2, v37  }
0x254: {  	v41 =	vld.idx.msk [tilespmem:v37+s19+$0x0], $0xffff  }
0x255: {  	v42 =	vor.u32 $0x3, v37;
	v6 =	vld.idx.msk [tilespmem:v38+s19+$0x0], $0xffff  }
0x256: {  	v12 =	vld.idx.msk [tilespmem:v7+s20+$0x0], $0xffff  }
0x257: {  	v43 =	vor.u32 $0x4, v37  }
0x258: {  	v9 =	vld.idx.msk [tilespmem:v40+s19+$0x0], $0xffff  }
0x259: {  	v44 =	vor.u32 $0x5, v37  }
0x25a: {  	v11 =	vld.idx.msk [tilespmem:v42+s19+$0x0], $0xffff  }
0x25b: {  	v45 =	vor.u32 $0x6, v37;
	v6 =	vadd.f32 v6, v41;
	vm13 =	vgt.s32 v12, v5  }
0x25c: {  	v46 =	vld.idx.msk [tilespmem:v43+s19+$0x0], $0xffff;
	v4 =	vsel vm13, v4, v7  }
0x25d: {  	v47 =	vor.u32 $0x7, v37;
	v6 =	vadd.f32 v9, v6;
	v48 =	vmin.u32 v4, $0x1BE  }
0x25e: {  	v49 =	vld.idx.msk [tilespmem:v44+s19+$0x0], $0xffff;
	v9 =	vadd.s32 $0x2, v48  }
0x25f: {  	v50 =	vor.u32 $0x8, v37;
	v6 =	vadd.f32 v11, v6  }
0x260: {  	v10 =	vld.idx.msk [tilespmem:v45+s19+$0x0], $0xffff  }
0x261: {  	v51 =	vor.u32 $0x9, v37;
	v6 =	vadd.f32 v46, v6  }
0x262: {  	v7 =	vld.idx.msk [tilespmem:v47+s19+$0x0], $0xffff  }
0x263: {  	v52 =	vor.u32 $0xA, v37;
	v6 =	vadd.f32 v49, v6;
	v53 =	vld.idx.msk [tilespmem:v9+s20+$0x0], $0xffff  }
0x264: {  	v11 =	vld.idx.msk [tilespmem:v50+s19+$0x0], $0xffff  }
0x265: {  	v54 =	vor.u32 $0xB, v37;
	v6 =	vadd.f32 v10, v6  }
0x266: {  	v12 =	vld.idx.msk [tilespmem:v51+s19+$0x0], $0xffff  }
0x267: {  	v55 =	vor.u32 $0xC, v37;
	v6 =	vadd.f32 v7, v6  }
0x268: {  	v13 =	vld.idx.msk [tilespmem:v52+s19+$0x0], $0xffff;
	vm14 =	vgt.s32 v53, v5  }
0x269: {  	v56 =	vor.u32 $0xD, v37;
	v6 =	vadd.f32 v11, v6;
	v4 =	vsel vm14, v4, v9  }
0x26a: {  	v58 =	vor.u32 $0xE, v37;
	v57 =	vld.idx.msk [tilespmem:v54+s19+$0x0], $0xffff;
	v59 =	vmin.u32 v4, $0x1BF  }
0x26b: {  	v6 =	vadd.f32 v12, v6;
	v60 =	vadd.s32 $0x1, v59  }
0x26c: {  	v7 =	vld.idx.msk [tilespmem:v55+s19+$0x0], $0xffff  }
0x26d: {  	v8 =	vor.u32 $0xF, v37;
	v6 =	vadd.f32 v13, v6  }
0x26e: {  	v11 =	vld.idx.msk [tilespmem:v56+s19+$0x0], $0xffff  }
0x26f: {  	v61 =	vld.idx.msk [tilespmem:v58+s19+$0x0], $0xffff;
	v6 =	vadd.f32 v57, v6  }
0x270: {  	v62 =	vld.idx.msk [tilespmem:v60+s20+$0x0], $0xffff  }
0x271: {  	v6 =	vadd.f32 v7, v6  }
0x272: {  	v63 =	vld.idx.msk [tilespmem:v8+s19+$0x0], $0xffff  }
0x273: {  	v6 =	vadd.f32 v11, v6;
	_ =	sdelay $0x1  }
0x274: {  	s28 =	sadd.s32 $0x1, s28;
	v6 =	vadd.f32 v61, v6;
	vm15 =	vgt.s32 v62, v5  }
0x275: {  	p1 =	sne.s32 s28, $0x7;
	v4 =	vsel vm15, v4, v60  }
.Ltmp9:
0x276: {  	v5 =	vadd.f32 v63, v6;
	(pc) =	sbr.rel @p1 .LBB2_9-.Ltmp9, $4  }
.Ltmp10:
0x277: {  	_ = 	snop;
	(pc) =	sbr.rel @!p1 .LBB2_12-.Ltmp10, $4  }
0x278: {  	v5 =	vadd.f32 v5, v3  }
0x279: {  	_ = 	snop  }
0x27a: {  	[tilespmem:v4+s21+$0x0] =	vst.idx.add.f32.msk $0xffff, v5  }
0x27b: {  	_ = 	snop  }
.LBB2_14:
0x27c: {  	_ =	sfence.sel $0x180000  }
0x27d: {  	[bflag:$0x0] =	sbarrier.arrive $0xFFFF  }
0x27e: {  	_ =	strace $0x90000047  }
0x27f: {  	s0 =	stileid.u32;
	[bflag:$0x2] =	sbarrier.arrive $0xFFFF  }
0x280: {  	p0 =	sne.s32 s0, $0x0;
	s0 =	rddreg [dreg:$0x6]  }
0x281: {  	s0 =	sadd.s32 @!p0 $0x100000, s0  }
0x282: {  	[sflag:s0] =	ssyncadd.tile.s32 @!p0 $0x1;
	_ =	shalt  }
.Lfunc_end2:
_tile_overlayer_lowered:
.L_overlay_start_2:
0x283: {  	(tag) =	ssettag $0x2  }
0x284: {  	s0 =	rddreg [dreg:$0x0];
	s2 =	stileid.u32  }
0x285: {  	s1 =	rddreg [dreg:$0x1];
	p0 =	sne.s32 s2, $0x0  }
0x286: {  	s3 =	rddreg [dreg:$0x2];
	[bflag:$0x3] =	sbarrier.arrive $0xFFFF;
	s2 =	simm.s32 @!p0 $0x1C03  }
0x287: {  	[timem:s3], [sflag:s2] =	dma.local @!p0 [hbm:s0], s1  }
0x288: {  	s0 =	simm.s32 @!p0 $0x3  }
0x289: {  	_ =	swait.ge @!p0 [sflag:s0], s1  }
0x28a: {  	s1 =	ssub.s32 @!p0 $0x0, s1;
	[sflag:s0] =	ssyncset.done @!p0 $0x0  }
0x28b: {  	[sflag:s0] =	ssyncadd.s32 @!p0 s1  }
0x28c: {  	[bflag:$0x3] =	sbarrier.arrive $0xFFFF  }
0x28d: {  	_ =	shalt  }

</sc_bundles>
